<compile_context>
chip_gen: v7x
topology: tpu7x:2x2x1
jax: 0.10.2.dev20260603
libtpu: 0.0.44.dev20260713+nightly
codegen_flags: <defaults>
</compile_context>

<pallas_src>
import functools

import jax
import jax.numpy as jnp
from jax import lax
from jax.experimental import pallas as pl
from jax.experimental.pallas import tpu as pltpu
from jax.experimental.pallas import tpu_sc as plsc

D = 64
L = 199
NW = 32
CH = 128


def _resppos_body(resp_ref, pos_ref, out_ref):
    out_ref[...] = resp_ref[...][:, None, :] + pos_ref[...][None, :, :]


def _build_resppos(w_resp, w_pos):
    out = pl.pallas_call(
        _resppos_body,
        out_shape=jax.ShapeDtypeStruct((4, L, D), jnp.float32),
    )(w_resp, w_pos)
    return out.reshape(4 * L, D)


def _sc_body(idx_hbm, w_exe, w_cat, w_tag, w_rp, out_hbm,
             idx_v0, idx_v1, idxrp_v0, idxrp_v1,
             be0, bc0, bt0, brp0, be1, bc1, bt1, brp1, ob0, ob1,
             sg0, sg1, si0, si1, sw0, sw1):
    wid = lax.axis_index("s") * 2 + lax.axis_index("c")
    b0 = wid * CH
    npair = (L - 1) // 2

    sets = [
        (idx_v0, idxrp_v0, be0, bc0, bt0, brp0, sg0, si0, ob0, sw0),
        (idx_v1, idxrp_v1, be1, bc1, bt1, brp1, sg1, si1, ob1, sw1),
    ]

    def idx_desc(l, st):
        return pltpu.make_async_copy(
            idx_hbm.at[:, l, pl.ds(b0, CH)], st[0], st[7])

    def compute_rp(l, st):
        idx_v, idxrp_v = st[0], st[1]
        for s in range(CH // 16):
            rv = idx_v[3, pl.ds(s * 16, 16)]
            idxrp_v[pl.ds(s * 16, 16)] = rv * L + l

    def gather_descs(st):
        idx_v, idxrp_v, be, bc, bt, brp, sg = st[:7]
        return (pltpu.make_async_copy(w_exe.at[idx_v.at[0]], be, sg),
                pltpu.make_async_copy(w_cat.at[idx_v.at[1]], bc, sg),
                pltpu.make_async_copy(w_tag.at[idx_v.at[2]], bt, sg),
                pltpu.make_async_copy(w_rp.at[idxrp_v], brp, sg))

    def fire_gathers(st):
        for d in gather_descs(st):
            d.start()

    def wait_gathers(st):
        for d in gather_descs(st):
            d.wait()

    def wb_descs(l, st):
        return [pltpu.make_async_copy(st[8].at[t, :, pl.ds(0, CH)],
                                      out_hbm.at[l, t, wid], st[9])
                for t in range(D // 8)]

    def wb_start(l, st):
        for d in wb_descs(l, st):
            d.start()

    def wb_wait(l, st):
        for d in wb_descs(l, st):
            d.wait()

    def reduce(st):
        be, bc, bt, brp = st[2], st[3], st[4], st[5]
        ob = st[8]
        iota = lax.iota(jnp.int32, 16)
        dvs = [iota + (s * 16) for s in range(D // 16)]
        tvs = [dv >> 3 for dv in dvs]
        divs = [dv & 7 for dv in dvs]

        def red(b, _):
            bsplat = jnp.full((16,), b, jnp.int32)
            for s in range(D // 16):
                sl = pl.ds(s * 16, 16)
                v = (be[b, sl] + bc[b, sl]) + (bt[b, sl] + brp[b, sl])
                plsc.store_scatter(ob, [tvs[s], divs[s], bsplat], v)
            return _

        lax.fori_loop(0, CH, red, None)

    pltpu.sync_copy(idx_hbm.at[:, 0, pl.ds(b0, CH)], idx_v0)
    compute_rp(0, sets[0])
    fire_gathers(sets[0])
    idx_desc(1, sets[1]).start()

    def pair(p, _):
        lb = 2 * p + 1
        lc = 2 * p + 2
        idx_desc(lb, sets[1]).wait()
        compute_rp(lb, sets[1])
        fire_gathers(sets[1])
        wait_gathers(sets[0])
        idx_desc(lc, sets[0]).start()
        reduce(sets[0])
        wb_start(2 * p, sets[0])
        wb_wait(2 * p, sets[0])
        idx_desc(lc, sets[0]).wait()
        compute_rp(lc, sets[0])
        fire_gathers(sets[0])
        wait_gathers(sets[1])
        pl.when(p < npair - 1)(lambda: idx_desc(2 * p + 3, sets[1]).start())
        reduce(sets[1])
        wb_start(lb, sets[1])
        wb_wait(lb, sets[1])
        return _

    lax.fori_loop(0, npair, pair, None)
    wait_gathers(sets[0])
    reduce(sets[0])
    wb_start(L - 1, sets[0])
    wb_wait(L - 1, sets[0])


def kernel(input_e, category, tag, chapter, test, response,
           W_exe, W_cat, W_tag, W_chap, W_test, W_pos, W_resp):
    del chapter, test, W_chap, W_test
    B, Lc = input_e.shape
    n = B * Lc

    idx_t = jnp.stack([
        input_e.T.astype(jnp.int32),
        category.T.astype(jnp.int32),
        tag.T.astype(jnp.int32),
        response.T.astype(jnp.int32),
    ])
    w_rp = _build_resppos(W_resp.astype(jnp.float32),
                          W_pos[:L].astype(jnp.float32))

    mesh = plsc.VectorSubcoreMesh(core_axis_name="c", subcore_axis_name="s")
    out = pl.kernel(
        _sc_body,
        out_type=jax.ShapeDtypeStruct((Lc, D // 8, NW, 8, CH), jnp.float32),
        mesh=mesh,
        compiler_params=pltpu.CompilerParams(use_tc_tiling_on_sc=False,
                                             needs_layout_passes=False),
        scratch_types=(
            [pltpu.VMEM((4, CH), jnp.int32)] * 2
            + [pltpu.VMEM((CH,), jnp.int32)] * 2
            + [pltpu.VMEM((CH, D), jnp.float32)] * 8
            + [pltpu.VMEM((D // 8, 8, CH + 1), jnp.float32)] * 2
            + [pltpu.SemaphoreType.DMA] * 6
        ),
    )(idx_t, W_exe, W_cat, W_tag, w_rp)
    return out.transpose(2, 4, 0, 1, 3).reshape(B, Lc, D)

# --- scband reference (transcript-rebuilt; emitter-appended) ---
"""Pipeline reference for scband-encoder-block-72344429134288 (READ-ONLY COPY).

The authoritative reference and input builder live on the scoring server;
editing this copy changes nothing except your own understanding.
"""

import jax, jax.numpy as jnp
import numpy as np

N_DIMS = 64
TOTAL_EX = 100000
TOTAL_CAT = 1000
TOTAL_TAG = 1000
TOTAL_CHAP = 1000
TOTAL_TEST = 1000
TOTAL_RESPONSES = 4
SEQ_LEN = 200
BATCH = 4096
L = SEQ_LEN - 1


def setup_inputs(seed: int = 0) -> dict:
    key = jax.random.key(seed)
    ks = jax.random.split(key, 13)
    input_e = jax.random.randint(ks[0], (BATCH, L), 0, TOTAL_EX)
    category = jax.random.randint(ks[1], (BATCH, L), 0, TOTAL_CAT)
    tag = jax.random.randint(ks[2], (BATCH, L), 0, TOTAL_TAG)
    chapter = jax.random.randint(ks[3], (BATCH, L), 0, TOTAL_CHAP)
    test = jax.random.randint(ks[4], (BATCH, L), 0, TOTAL_TEST)
    response = jax.random.randint(ks[5], (BATCH, L), 0, TOTAL_RESPONSES)
    W_exe = jax.random.normal(ks[6], (TOTAL_EX, N_DIMS), dtype=jnp.float32)
    W_cat = jax.random.normal(ks[7], (TOTAL_CAT, N_DIMS), dtype=jnp.float32)
    W_tag = jax.random.normal(ks[8], (TOTAL_TAG, N_DIMS), dtype=jnp.float32)
    W_chap = jax.random.normal(ks[9], (TOTAL_CHAP, N_DIMS), dtype=jnp.float32)
    W_test = jax.random.normal(ks[10], (TOTAL_TEST, N_DIMS), dtype=jnp.float32)
    W_pos = jax.random.normal(ks[11], (SEQ_LEN, N_DIMS), dtype=jnp.float32)
    W_resp = jax.random.normal(ks[12], (TOTAL_RESPONSES, N_DIMS), dtype=jnp.float32)
    return {
        'input_e': input_e, 'category': category, 'tag': tag,
        'chapter': chapter, 'test': test, 'response': response,
        'W_exe': W_exe, 'W_cat': W_cat, 'W_tag': W_tag,
        'W_chap': W_chap, 'W_test': W_test, 'W_pos': W_pos, 'W_resp': W_resp,
    }


def reference(input_e, category, tag, chapter, test, response,
              W_exe, W_cat, W_tag, W_chap, W_test, W_pos, W_resp):
    # first_block=True path of EncoderBlock.forward
    _exe = jnp.take(W_exe, input_e, axis=0)
    _cat = jnp.take(W_cat, category, axis=0)
    _tag = jnp.take(W_tag, tag, axis=0)
    _chapter = jnp.take(W_chap, chapter, axis=0)  # computed but unused, faithful to original
    _test = jnp.take(W_test, test, axis=0)        # computed but unused, faithful to original
    _response = jnp.take(W_resp, response, axis=0)
    position_encoded = jnp.arange(SEQ_LEN - 1)    # pos_encode(seq_len - 1)
    _pos = jnp.take(W_pos, position_encoded, axis=0)  # [L, n_dims]
    interaction = _cat + _tag + _exe + _response + _pos[None, :, :]
    return interaction

if __name__ == "__main__":
    import jax
    _d = setup_inputs()
    print(jax.jit(kernel)(*tuple(_d.values())))

</pallas_src>

<mosaic_0001>
#map = affine_map<(d0, d1) -> (0, 0, 0)>
#map1 = affine_map<(d0, d1) -> (0, 0)>
#map2 = affine_map<(d0, d1) -> (0, 0, 0, 0, 0)>
module attributes {stable_mosaic.version = 14 : i64} {
  func.func @_sc_body(%arg0: i32, %arg1: i32, %arg2: memref<4x199x4096xi32, #tpu.memory_space<hbm>>, %arg3: memref<100000x64xf32, #tpu.memory_space<hbm>>, %arg4: memref<1000x64xf32, #tpu.memory_space<hbm>>, %arg5: memref<1000x64xf32, #tpu.memory_space<hbm>>, %arg6: memref<796x64xf32, #tpu.memory_space<hbm>>, %arg7: memref<199x8x32x8x128xf32, #tpu.memory_space<hbm>>, %arg8: memref<4x128xi32, #tpu.memory_space<vmem>>, %arg9: memref<4x128xi32, #tpu.memory_space<vmem>>, %arg10: memref<128xi32, #tpu.memory_space<vmem>>, %arg11: memref<128xi32, #tpu.memory_space<vmem>>, %arg12: memref<128x64xf32, #tpu.memory_space<vmem>>, %arg13: memref<128x64xf32, #tpu.memory_space<vmem>>, %arg14: memref<128x64xf32, #tpu.memory_space<vmem>>, %arg15: memref<128x64xf32, #tpu.memory_space<vmem>>, %arg16: memref<128x64xf32, #tpu.memory_space<vmem>>, %arg17: memref<128x64xf32, #tpu.memory_space<vmem>>, %arg18: memref<128x64xf32, #tpu.memory_space<vmem>>, %arg19: memref<128x64xf32, #tpu.memory_space<vmem>>, %arg20: memref<8x8x129xf32, #tpu.memory_space<vmem>>, %arg21: memref<8x8x129xf32, #tpu.memory_space<vmem>>, %arg22: memref<!tpu.dma_semaphore, #tpu.memory_space<semaphore_mem>>, %arg23: memref<!tpu.dma_semaphore, #tpu.memory_space<semaphore_mem>>, %arg24: memref<!tpu.dma_semaphore, #tpu.memory_space<semaphore_mem>>, %arg25: memref<!tpu.dma_semaphore, #tpu.memory_space<semaphore_mem>>, %arg26: memref<!tpu.dma_semaphore, #tpu.memory_space<semaphore_mem>>, %arg27: memref<!tpu.dma_semaphore, #tpu.memory_space<semaphore_mem>>) attributes {dimension_semantics = [#tpu.dimension_semantics<core_parallel>, #tpu.dimension_semantics<subcore_parallel>], iteration_bounds = array<i64: 2, 16>, scalar_prefetch = 0 : i64, scratch_operands = 20 : i64, tpu.core_type = #tpu.core_type<sc_vector_subcore>, window_params = [{transform_indices = #map}, {transform_indices = #map1}, {transform_indices = #map1}, {transform_indices = #map1}, {transform_indices = #map1}, {transform_indices = #map2}]} {
    %mul3A = arith.constant 2 : i32
    %mul3A_0 = arith.muli %arg1, %mul3A : i32
    %add3A = arith.addi %mul3A_0, %arg0 : i32
    %mul3A_1 = arith.constant 128 : i32
    %mul3A_2 = arith.muli %add3A, %mul3A_1 : i32
    %run_scoped3A = arith.constant 0 : i32
    "tpu.region"() ({
      %run_scoped3A_497 = tpu.sem_alloc : memref<!tpu.dma_semaphore, #tpu.memory_space<semaphore_mem>>
      %dma_start3A_498 = arith.constant 0 : i32
      %dma_start3A_499 = tpu.memref_slice %arg2[%dma_start3A_498, %run_scoped3A, %mul3A_2] : memref<4x199x4096xi32, #tpu.memory_space<hbm>> -> memref<4x1x128xi32, #tpu.memory_space<hbm>>
      %dma_start3A_500 = tpu.memref_squeeze %dma_start3A_499 : memref<4x1x128xi32, #tpu.memory_space<hbm>> -> memref<4x128xi32, #tpu.memory_space<hbm>>
      %dma_start3A_501 = arith.constant 0 : i32
      %dma_start3A_502 = tpu.memref_slice %arg2[%dma_start3A_501, %run_scoped3A, %mul3A_2] : memref<4x199x4096xi32, #tpu.memory_space<hbm>> -> memref<4x1x128xi32, #tpu.memory_space<hbm>>
      %dma_start3A_503 = tpu.memref_squeeze %dma_start3A_502 : memref<4x1x128xi32, #tpu.memory_space<hbm>> -> memref<4x128xi32, #tpu.memory_space<hbm>>
      tpu.enqueue_dma source(%dma_start3A_503 : memref<4x128xi32, #tpu.memory_space<hbm>>) target(%arg8 : memref<4x128xi32, #tpu.memory_space<vmem>>) target_semaphore(%run_scoped3A_497 : memref<!tpu.dma_semaphore, #tpu.memory_space<semaphore_mem>>)
      %dma_wait3A_504 = arith.constant 0 : i32
      %dma_wait3A_505 = tpu.memref_slice %arg2[%dma_wait3A_504, %run_scoped3A, %mul3A_2] : memref<4x199x4096xi32, #tpu.memory_space<hbm>> -> memref<4x1x128xi32, #tpu.memory_space<hbm>>
      %dma_wait3A_506 = tpu.memref_squeeze %dma_wait3A_505 : memref<4x1x128xi32, #tpu.memory_space<hbm>> -> memref<4x128xi32, #tpu.memory_space<hbm>>
      %dma_wait3A_507 = arith.constant 0 : i32
      %dma_wait3A_508 = tpu.memref_slice %arg2[%dma_wait3A_507, %run_scoped3A, %mul3A_2] : memref<4x199x4096xi32, #tpu.memory_space<hbm>> -> memref<4x1x128xi32, #tpu.memory_space<hbm>>
      %dma_wait3A_509 = tpu.memref_squeeze %dma_wait3A_508 : memref<4x1x128xi32, #tpu.memory_space<hbm>> -> memref<4x128xi32, #tpu.memory_space<hbm>>
      tpu.wait_dma2 semaphore(%run_scoped3A_497 : memref<!tpu.dma_semaphore, #tpu.memory_space<semaphore_mem>>) src(%dma_wait3A_509 : memref<4x128xi32, #tpu.memory_space<hbm>>) dst(%arg8 : memref<4x128xi32, #tpu.memory_space<vmem>>)
      tpu.yield
    }) : () -> ()
    %get3A = arith.constant 3 : i32
    %get3A_3 = arith.index_cast %get3A : i32 to index
    %get3A_4 = arith.constant 0 : index
    %get3A_5 = tpu.vector_load %arg8[%get3A_3, %get3A_4] {strides = array<i32>} : memref<4x128xi32, #tpu.memory_space<vmem>>, vector<16xi32>,
    %mul3A_6 = arith.constant 199 : i32
    %mul3A_7 = vector.broadcast %mul3A_6 : i32 to vector<16xi32>
    %mul3A_8 = arith.muli %get3A_5, %mul3A_7 : vector<16xi32>
    %add3A_9 = arith.constant 0 : i32
    %add3A_10 = vector.broadcast %add3A_9 : i32 to vector<16xi32>
    %add3A_11 = arith.addi %mul3A_8, %add3A_10 : vector<16xi32>
    %swap3A = arith.constant 0 : index
    %swap3A_12 = tpu.vector_load %arg10[%swap3A] {strides = array<i32>} : memref<128xi32, #tpu.memory_space<vmem>>, vector<16xi32>,
    tpu.vector_store %arg10[%swap3A], %add3A_11 {strides = array<i32>} : memref<128xi32, #tpu.memory_space<vmem>>, vector<16xi32>,
    %get3A_13 = arith.constant 3 : i32
    %get3A_14 = arith.index_cast %get3A_13 : i32 to index
    %get3A_15 = arith.constant 16 : index
    %get3A_16 = tpu.vector_load %arg8[%get3A_14, %get3A_15] {strides = array<i32>} : memref<4x128xi32, #tpu.memory_space<vmem>>, vector<16xi32>,
    %mul3A_17 = arith.constant 199 : i32
    %mul3A_18 = vector.broadcast %mul3A_17 : i32 to vector<16xi32>
    %mul3A_19 = arith.muli %get3A_16, %mul3A_18 : vector<16xi32>
    %add3A_20 = arith.constant 0 : i32
    %add3A_21 = vector.broadcast %add3A_20 : i32 to vector<16xi32>
    %add3A_22 = arith.addi %mul3A_19, %add3A_21 : vector<16xi32>
    %swap3A_23 = arith.constant 16 : index
    %swap3A_24 = tpu.vector_load %arg10[%swap3A_23] {strides = array<i32>} : memref<128xi32, #tpu.memory_space<vmem>>, vector<16xi32>,
    tpu.vector_store %arg10[%swap3A_23], %add3A_22 {strides = array<i32>} : memref<128xi32, #tpu.memory_space<vmem>>, vector<16xi32>,
    %get3A_25 = arith.constant 3 : i32
    %get3A_26 = arith.index_cast %get3A_25 : i32 to index
    %get3A_27 = arith.constant 32 : index
    %get3A_28 = tpu.vector_load %arg8[%get3A_26, %get3A_27] {strides = array<i32>} : memref<4x128xi32, #tpu.memory_space<vmem>>, vector<16xi32>,
    %mul3A_29 = arith.constant 199 : i32
    %mul3A_30 = vector.broadcast %mul3A_29 : i32 to vector<16xi32>
    %mul3A_31 = arith.muli %get3A_28, %mul3A_30 : vector<16xi32>
    %add3A_32 = arith.constant 0 : i32
    %add3A_33 = vector.broadcast %add3A_32 : i32 to vector<16xi32>
    %add3A_34 = arith.addi %mul3A_31, %add3A_33 : vector<16xi32>
    %swap3A_35 = arith.constant 32 : index
    %swap3A_36 = tpu.vector_load %arg10[%swap3A_35] {strides = array<i32>} : memref<128xi32, #tpu.memory_space<vmem>>, vector<16xi32>,
    tpu.vector_store %arg10[%swap3A_35], %add3A_34 {strides = array<i32>} : memref<128xi32, #tpu.memory_space<vmem>>, vector<16xi32>,
    %get3A_37 = arith.constant 3 : i32
    %get3A_38 = arith.index_cast %get3A_37 : i32 to index
    %get3A_39 = arith.constant 48 : index
    %get3A_40 = tpu.vector_load %arg8[%get3A_38, %get3A_39] {strides = array<i32>} : memref<4x128xi32, #tpu.memory_space<vmem>>, vector<16xi32>,
    %mul3A_41 = arith.constant 199 : i32
    %mul3A_42 = vector.broadcast %mul3A_41 : i32 to vector<16xi32>
    %mul3A_43 = arith.muli %get3A_40, %mul3A_42 : vector<16xi32>
    %add3A_44 = arith.constant 0 : i32
    %add3A_45 = vector.broadcast %add3A_44 : i32 to vector<16xi32>
    %add3A_46 = arith.addi %mul3A_43, %add3A_45 : vector<16xi32>
    %swap3A_47 = arith.constant 48 : index
    %swap3A_48 = tpu.vector_load %arg10[%swap3A_47] {strides = array<i32>} : memref<128xi32, #tpu.memory_space<vmem>>, vector<16xi32>,
    tpu.vector_store %arg10[%swap3A_47], %add3A_46 {strides = array<i32>} : memref<128xi32, #tpu.memory_space<vmem>>, vector<16xi32>,
    %get3A_49 = arith.constant 3 : i32
    %get3A_50 = arith.index_cast %get3A_49 : i32 to index
    %get3A_51 = arith.constant 64 : index
    %get3A_52 = tpu.vector_load %arg8[%get3A_50, %get3A_51] {strides = array<i32>} : memref<4x128xi32, #tpu.memory_space<vmem>>, vector<16xi32>,
    %mul3A_53 = arith.constant 199 : i32
    %mul3A_54 = vector.broadcast %mul3A_53 : i32 to vector<16xi32>
    %mul3A_55 = arith.muli %get3A_52, %mul3A_54 : vector<16xi32>
    %add3A_56 = arith.constant 0 : i32
    %add3A_57 = vector.broadcast %add3A_56 : i32 to vector<16xi32>
    %add3A_58 = arith.addi %mul3A_55, %add3A_57 : vector<16xi32>
    %swap3A_59 = arith.constant 64 : index
    %swap3A_60 = tpu.vector_load %arg10[%swap3A_59] {strides = array<i32>} : memref<128xi32, #tpu.memory_space<vmem>>, vector<16xi32>,
    tpu.vector_store %arg10[%swap3A_59], %add3A_58 {strides = array<i32>} : memref<128xi32, #tpu.memory_space<vmem>>, vector<16xi32>,
    %get3A_61 = arith.constant 3 : i32
    %get3A_62 = arith.index_cast %get3A_61 : i32 to index
    %get3A_63 = arith.constant 80 : index
    %get3A_64 = tpu.vector_load %arg8[%get3A_62, %get3A_63] {strides = array<i32>} : memref<4x128xi32, #tpu.memory_space<vmem>>, vector<16xi32>,
    %mul3A_65 = arith.constant 199 : i32
    %mul3A_66 = vector.broadcast %mul3A_65 : i32 to vector<16xi32>
    %mul3A_67 = arith.muli %get3A_64, %mul3A_66 : vector<16xi32>
    %add3A_68 = arith.constant 0 : i32
    %add3A_69 = vector.broadcast %add3A_68 : i32 to vector<16xi32>
    %add3A_70 = arith.addi %mul3A_67, %add3A_69 : vector<16xi32>
    %swap3A_71 = arith.constant 80 : index
    %swap3A_72 = tpu.vector_load %arg10[%swap3A_71] {strides = array<i32>} : memref<128xi32, #tpu.memory_space<vmem>>, vector<16xi32>,
    tpu.vector_store %arg10[%swap3A_71], %add3A_70 {strides = array<i32>} : memref<128xi32, #tpu.memory_space<vmem>>, vector<16xi32>,
    %get3A_73 = arith.constant 3 : i32
    %get3A_74 = arith.index_cast %get3A_73 : i32 to index
    %get3A_75 = arith.constant 96 : index
    %get3A_76 = tpu.vector_load %arg8[%get3A_74, %get3A_75] {strides = array<i32>} : memref<4x128xi32, #tpu.memory_space<vmem>>, vector<16xi32>,
    %mul3A_77 = arith.constant 199 : i32
    %mul3A_78 = vector.broadcast %mul3A_77 : i32 to vector<16xi32>
    %mul3A_79 = arith.muli %get3A_76, %mul3A_78 : vector<16xi32>
    %add3A_80 = arith.constant 0 : i32
    %add3A_81 = vector.broadcast %add3A_80 : i32 to vector<16xi32>
    %add3A_82 = arith.addi %mul3A_79, %add3A_81 : vector<16xi32>
    %swap3A_83 = arith.constant 96 : index
    %swap3A_84 = tpu.vector_load %arg10[%swap3A_83] {strides = array<i32>} : memref<128xi32, #tpu.memory_space<vmem>>, vector<16xi32>,
    tpu.vector_store %arg10[%swap3A_83], %add3A_82 {strides = array<i32>} : memref<128xi32, #tpu.memory_space<vmem>>, vector<16xi32>,
    %get3A_85 = arith.constant 3 : i32
    %get3A_86 = arith.index_cast %get3A_85 : i32 to index
    %get3A_87 = arith.constant 112 : index
    %get3A_88 = tpu.vector_load %arg8[%get3A_86, %get3A_87] {strides = array<i32>} : memref<4x128xi32, #tpu.memory_space<vmem>>, vector<16xi32>,
    %mul3A_89 = arith.constant 199 : i32
    %mul3A_90 = vector.broadcast %mul3A_89 : i32 to vector<16xi32>
    %mul3A_91 = arith.muli %get3A_88, %mul3A_90 : vector<16xi32>
    %add3A_92 = arith.constant 0 : i32
    %add3A_93 = vector.broadcast %add3A_92 : i32 to vector<16xi32>
    %add3A_94 = arith.addi %mul3A_91, %add3A_93 : vector<16xi32>
    %swap3A_95 = arith.constant 112 : index
    %swap3A_96 = tpu.vector_load %arg10[%swap3A_95] {strides = array<i32>} : memref<128xi32, #tpu.memory_space<vmem>>, vector<16xi32>,
    tpu.vector_store %arg10[%swap3A_95], %add3A_94 {strides = array<i32>} : memref<128xi32, #tpu.memory_space<vmem>>, vector<16xi32>,
    %dma_start3A = arith.constant 0 : i32
    %dma_start3A_97 = arith.constant 0 : i32
    %dma_start3A_98 = tpu.memref_slice %arg8[%dma_start3A, %dma_start3A_97] : memref<4x128xi32, #tpu.memory_space<vmem>> -> memref<1x128xi32, #tpu.memory_space<vmem>>
    %dma_start3A_99 = tpu.memref_squeeze %dma_start3A_98 : memref<1x128xi32, #tpu.memory_space<vmem>> -> memref<128xi32, #tpu.memory_space<vmem>>
    %dma_start3A_100 = arith.constant 0 : i32
    %dma_start3A_101 = arith.constant 0 : i32
    %dma_start3A_102 = tpu.memref_slice %arg3[%dma_start3A_100, %dma_start3A_101] : memref<100000x64xf32, #tpu.memory_space<hbm>> -> memref<100000x64xf32, #tpu.memory_space<hbm>>
    tpu.enqueue_indirect_dma source(%dma_start3A_102 : memref<100000x64xf32, #tpu.memory_space<hbm>>) target(%arg12 : memref<128x64xf32, #tpu.memory_space<vmem>>) offsets(%dma_start3A_99 : memref<128xi32, #tpu.memory_space<vmem>>) semaphore(%arg22 : memref<!tpu.dma_semaphore, #tpu.memory_space<semaphore_mem>>)
    %dma_start3A_103 = arith.constant 1 : i32
    %dma_start3A_104 = arith.constant 0 : i32
    %dma_start3A_105 = tpu.memref_slice %arg8[%dma_start3A_103, %dma_start3A_104] : memref<4x128xi32, #tpu.memory_space<vmem>> -> memref<1x128xi32, #tpu.memory_space<vmem>>
    %dma_start3A_106 = tpu.memref_squeeze %dma_start3A_105 : memref<1x128xi32, #tpu.memory_space<vmem>> -> memref<128xi32, #tpu.memory_space<vmem>>
    %dma_start3A_107 = arith.constant 0 : i32
    %dma_start3A_108 = arith.constant 0 : i32
    %dma_start3A_109 = tpu.memref_slice %arg4[%dma_start3A_107, %dma_start3A_108] : memref<1000x64xf32, #tpu.memory_space<hbm>> -> memref<1000x64xf32, #tpu.memory_space<hbm>>
    tpu.enqueue_indirect_dma source(%dma_start3A_109 : memref<1000x64xf32, #tpu.memory_space<hbm>>) target(%arg13 : memref<128x64xf32, #tpu.memory_space<vmem>>) offsets(%dma_start3A_106 : memref<128xi32, #tpu.memory_space<vmem>>) semaphore(%arg22 : memref<!tpu.dma_semaphore, #tpu.memory_space<semaphore_mem>>)
    %dma_start3A_110 = arith.constant 2 : i32
    %dma_start3A_111 = arith.constant 0 : i32
    %dma_start3A_112 = tpu.memref_slice %arg8[%dma_start3A_110, %dma_start3A_111] : memref<4x128xi32, #tpu.memory_space<vmem>> -> memref<1x128xi32, #tpu.memory_space<vmem>>
    %dma_start3A_113 = tpu.memref_squeeze %dma_start3A_112 : memref<1x128xi32, #tpu.memory_space<vmem>> -> memref<128xi32, #tpu.memory_space<vmem>>
    %dma_start3A_114 = arith.constant 0 : i32
    %dma_start3A_115 = arith.constant 0 : i32
    %dma_start3A_116 = tpu.memref_slice %arg5[%dma_start3A_114, %dma_start3A_115] : memref<1000x64xf32, #tpu.memory_space<hbm>> -> memref<1000x64xf32, #tpu.memory_space<hbm>>
    tpu.enqueue_indirect_dma source(%dma_start3A_116 : memref<1000x64xf32, #tpu.memory_space<hbm>>) target(%arg14 : memref<128x64xf32, #tpu.memory_space<vmem>>) offsets(%dma_start3A_113 : memref<128xi32, #tpu.memory_space<vmem>>) semaphore(%arg22 : memref<!tpu.dma_semaphore, #tpu.memory_space<semaphore_mem>>)
    %dma_start3A_117 = arith.constant 0 : i32
    %dma_start3A_118 = arith.constant 0 : i32
    %dma_start3A_119 = tpu.memref_slice %arg6[%dma_start3A_117, %dma_start3A_118] : memref<796x64xf32, #tpu.memory_space<hbm>> -> memref<796x64xf32, #tpu.memory_space<hbm>>
    tpu.enqueue_indirect_dma source(%dma_start3A_119 : memref<796x64xf32, #tpu.memory_space<hbm>>) target(%arg15 : memref<128x64xf32, #tpu.memory_space<vmem>>) offsets(%arg10 : memref<128xi32, #tpu.memory_space<vmem>>) semaphore(%arg22 : memref<!tpu.dma_semaphore, #tpu.memory_space<semaphore_mem>>)
    %dma_start3A_120 = arith.constant 1 : i32
    %dma_start3A_121 = arith.constant 0 : i32
    %dma_start3A_122 = tpu.memref_slice %arg2[%dma_start3A_121, %dma_start3A_120, %mul3A_2] : memref<4x199x4096xi32, #tpu.memory_space<hbm>> -> memref<4x1x128xi32, #tpu.memory_space<hbm>>
    %dma_start3A_123 = tpu.memref_squeeze %dma_start3A_122 : memref<4x1x128xi32, #tpu.memory_space<hbm>> -> memref<4x128xi32, #tpu.memory_space<hbm>>
    %dma_start3A_124 = arith.constant 0 : i32
    %dma_start3A_125 = tpu.memref_slice %arg2[%dma_start3A_124, %dma_start3A_120, %mul3A_2] : memref<4x199x4096xi32, #tpu.memory_space<hbm>> -> memref<4x1x128xi32, #tpu.memory_space<hbm>>
    %dma_start3A_126 = tpu.memref_squeeze %dma_start3A_125 : memref<4x1x128xi32, #tpu.memory_space<hbm>> -> memref<4x128xi32, #tpu.memory_space<hbm>>
    tpu.enqueue_dma source(%dma_start3A_126 : memref<4x128xi32, #tpu.memory_space<hbm>>) target(%arg9 : memref<4x128xi32, #tpu.memory_space<vmem>>) target_semaphore(%arg25 : memref<!tpu.dma_semaphore, #tpu.memory_space<semaphore_mem>>)
    %scan3A = arith.constant 0 : i32
    %scan3A_127 = arith.constant 99 : i32
    %scan3A_128 = arith.addi %scan3A, %scan3A_127 : i32
    %scan3A_129 = arith.constant 1 : i32
    scf.for %scan3A_497 = %scan3A to %scan3A_128 step %scan3A_129  : i32 {
      %mul3A_498 = arith.constant 2 : i32
      %mul3A_499 = arith.muli %mul3A_498, %scan3A_497 : i32
      %add3A_500 = arith.constant 1 : i32
      %add3A_501 = arith.addi %mul3A_499, %add3A_500 : i32
      %mul3A_502 = arith.constant 2 : i32
      %mul3A_503 = arith.muli %mul3A_502, %scan3A_497 : i32
      %add3A_504 = arith.constant 2 : i32
      %add3A_505 = arith.addi %mul3A_503, %add3A_504 : i32
      %dma_wait3A_506 = arith.constant 0 : i32
      %dma_wait3A_507 = tpu.memref_slice %arg2[%dma_wait3A_506, %add3A_501, %mul3A_2] : memref<4x199x4096xi32, #tpu.memory_space<hbm>> -> memref<4x1x128xi32, #tpu.memory_space<hbm>>
      %dma_wait3A_508 = tpu.memref_squeeze %dma_wait3A_507 : memref<4x1x128xi32, #tpu.memory_space<hbm>> -> memref<4x128xi32, #tpu.memory_space<hbm>>
      %dma_wait3A_509 = arith.constant 0 : i32
      %dma_wait3A_510 = tpu.memref_slice %arg2[%dma_wait3A_509, %add3A_501, %mul3A_2] : memref<4x199x4096xi32, #tpu.memory_space<hbm>> -> memref<4x1x128xi32, #tpu.memory_space<hbm>>
      %dma_wait3A_511 = tpu.memref_squeeze %dma_wait3A_510 : memref<4x1x128xi32, #tpu.memory_space<hbm>> -> memref<4x128xi32, #tpu.memory_space<hbm>>
      tpu.wait_dma2 semaphore(%arg25 : memref<!tpu.dma_semaphore, #tpu.memory_space<semaphore_mem>>) src(%dma_wait3A_511 : memref<4x128xi32, #tpu.memory_space<hbm>>) dst(%arg9 : memref<4x128xi32, #tpu.memory_space<vmem>>)
      %get3A_512 = arith.constant 3 : i32
      %get3A_513 = arith.index_cast %get3A_512 : i32 to index
      %get3A_514 = arith.constant 0 : index
      %get3A_515 = tpu.vector_load %arg9[%get3A_513, %get3A_514] {strides = array<i32>} : memref<4x128xi32, #tpu.memory_space<vmem>>, vector<16xi32>,
      %mul3A_516 = arith.constant 199 : i32
      %mul3A_517 = vector.broadcast %mul3A_516 : i32 to vector<16xi32>
      %mul3A_518 = arith.muli %get3A_515, %mul3A_517 : vector<16xi32>
      %add3A_519 = vector.broadcast %add3A_501 : i32 to vector<16xi32>
      %add3A_520 = arith.addi %mul3A_518, %add3A_519 : vector<16xi32>
      %swap3A_521 = arith.constant 0 : index
      %swap3A_522 = tpu.vector_load %arg11[%swap3A_521] {strides = array<i32>} : memref<128xi32, #tpu.memory_space<vmem>>, vector<16xi32>,
      tpu.vector_store %arg11[%swap3A_521], %add3A_520 {strides = array<i32>} : memref<128xi32, #tpu.memory_space<vmem>>, vector<16xi32>,
      %get3A_523 = arith.constant 3 : i32
      %get3A_524 = arith.index_cast %get3A_523 : i32 to index
      %get3A_525 = arith.constant 16 : index
      %get3A_526 = tpu.vector_load %arg9[%get3A_524, %get3A_525] {strides = array<i32>} : memref<4x128xi32, #tpu.memory_space<vmem>>, vector<16xi32>,
      %mul3A_527 = arith.constant 199 : i32
      %mul3A_528 = vector.broadcast %mul3A_527 : i32 to vector<16xi32>
      %mul3A_529 = arith.muli %get3A_526, %mul3A_528 : vector<16xi32>
      %add3A_530 = vector.broadcast %add3A_501 : i32 to vector<16xi32>
      %add3A_531 = arith.addi %mul3A_529, %add3A_530 : vector<16xi32>
      %swap3A_532 = arith.constant 16 : index
      %swap3A_533 = tpu.vector_load %arg11[%swap3A_532] {strides = array<i32>} : memref<128xi32, #tpu.memory_space<vmem>>, vector<16xi32>,
      tpu.vector_store %arg11[%swap3A_532], %add3A_531 {strides = array<i32>} : memref<128xi32, #tpu.memory_space<vmem>>, vector<16xi32>,
      %get3A_534 = arith.constant 3 : i32
      %get3A_535 = arith.index_cast %get3A_534 : i32 to index
      %get3A_536 = arith.constant 32 : index
      %get3A_537 = tpu.vector_load %arg9[%get3A_535, %get3A_536] {strides = array<i32>} : memref<4x128xi32, #tpu.memory_space<vmem>>, vector<16xi32>,
      %mul3A_538 = arith.constant 199 : i32
      %mul3A_539 = vector.broadcast %mul3A_538 : i32 to vector<16xi32>
      %mul3A_540 = arith.muli %get3A_537, %mul3A_539 : vector<16xi32>
      %add3A_541 = vector.broadcast %add3A_501 : i32 to vector<16xi32>
      %add3A_542 = arith.addi %mul3A_540, %add3A_541 : vector<16xi32>
      %swap3A_543 = arith.constant 32 : index
      %swap3A_544 = tpu.vector_load %arg11[%swap3A_543] {strides = array<i32>} : memref<128xi32, #tpu.memory_space<vmem>>, vector<16xi32>,
      tpu.vector_store %arg11[%swap3A_543], %add3A_542 {strides = array<i32>} : memref<128xi32, #tpu.memory_space<vmem>>, vector<16xi32>,
      %get3A_545 = arith.constant 3 : i32
      %get3A_546 = arith.index_cast %get3A_545 : i32 to index
      %get3A_547 = arith.constant 48 : index
      %get3A_548 = tpu.vector_load %arg9[%get3A_546, %get3A_547] {strides = array<i32>} : memref<4x128xi32, #tpu.memory_space<vmem>>, vector<16xi32>,
      %mul3A_549 = arith.constant 199 : i32
      %mul3A_550 = vector.broadcast %mul3A_549 : i32 to vector<16xi32>
      %mul3A_551 = arith.muli %get3A_548, %mul3A_550 : vector<16xi32>
      %add3A_552 = vector.broadcast %add3A_501 : i32 to vector<16xi32>
      %add3A_553 = arith.addi %mul3A_551, %add3A_552 : vector<16xi32>
      %swap3A_554 = arith.constant 48 : index
      %swap3A_555 = tpu.vector_load %arg11[%swap3A_554] {strides = array<i32>} : memref<128xi32, #tpu.memory_space<vmem>>, vector<16xi32>,
      tpu.vector_store %arg11[%swap3A_554], %add3A_553 {strides = array<i32>} : memref<128xi32, #tpu.memory_space<vmem>>, vector<16xi32>,
      %get3A_556 = arith.constant 3 : i32
      %get3A_557 = arith.index_cast %get3A_556 : i32 to index
      %get3A_558 = arith.constant 64 : index
      %get3A_559 = tpu.vector_load %arg9[%get3A_557, %get3A_558] {strides = array<i32>} : memref<4x128xi32, #tpu.memory_space<vmem>>, vector<16xi32>,
      %mul3A_560 = arith.constant 199 : i32
      %mul3A_561 = vector.broadcast %mul3A_560 : i32 to vector<16xi32>
      %mul3A_562 = arith.muli %get3A_559, %mul3A_561 : vector<16xi32>
      %add3A_563 = vector.broadcast %add3A_501 : i32 to vector<16xi32>
      %add3A_564 = arith.addi %mul3A_562, %add3A_563 : vector<16xi32>
      %swap3A_565 = arith.constant 64 : index
      %swap3A_566 = tpu.vector_load %arg11[%swap3A_565] {strides = array<i32>} : memref<128xi32, #tpu.memory_space<vmem>>, vector<16xi32>,
      tpu.vector_store %arg11[%swap3A_565], %add3A_564 {strides = array<i32>} : memref<128xi32, #tpu.memory_space<vmem>>, vector<16xi32>,
      %get3A_567 = arith.constant 3 : i32
      %get3A_568 = arith.index_cast %get3A_567 : i32 to index
      %get3A_569 = arith.constant 80 : index
      %get3A_570 = tpu.vector_load %arg9[%get3A_568, %get3A_569] {strides = array<i32>} : memref<4x128xi32, #tpu.memory_space<vmem>>, vector<16xi32>,
      %mul3A_571 = arith.constant 199 : i32
      %mul3A_572 = vector.broadcast %mul3A_571 : i32 to vector<16xi32>
      %mul3A_573 = arith.muli %get3A_570, %mul3A_572 : vector<16xi32>
      %add3A_574 = vector.broadcast %add3A_501 : i32 to vector<16xi32>
      %add3A_575 = arith.addi %mul3A_573, %add3A_574 : vector<16xi32>
      %swap3A_576 = arith.constant 80 : index
      %swap3A_577 = tpu.vector_load %arg11[%swap3A_576] {strides = array<i32>} : memref<128xi32, #tpu.memory_space<vmem>>, vector<16xi32>,
      tpu.vector_store %arg11[%swap3A_576], %add3A_575 {strides = array<i32>} : memref<128xi32, #tpu.memory_space<vmem>>, vector<16xi32>,
      %get3A_578 = arith.constant 3 : i32
      %get3A_579 = arith.index_cast %get3A_578 : i32 to index
      %get3A_580 = arith.constant 96 : index
      %get3A_581 = tpu.vector_load %arg9[%get3A_579, %get3A_580] {strides = array<i32>} : memref<4x128xi32, #tpu.memory_space<vmem>>, vector<16xi32>,
      %mul3A_582 = arith.constant 199 : i32
      %mul3A_583 = vector.broadcast %mul3A_582 : i32 to vector<16xi32>
      %mul3A_584 = arith.muli %get3A_581, %mul3A_583 : vector<16xi32>
      %add3A_585 = vector.broadcast %add3A_501 : i32 to vector<16xi32>
      %add3A_586 = arith.addi %mul3A_584, %add3A_585 : vector<16xi32>
      %swap3A_587 = arith.constant 96 : index
      %swap3A_588 = tpu.vector_load %arg11[%swap3A_587] {strides = array<i32>} : memref<128xi32, #tpu.memory_space<vmem>>, vector<16xi32>,
      tpu.vector_store %arg11[%swap3A_587], %add3A_586 {strides = array<i32>} : memref<128xi32, #tpu.memory_space<vmem>>, vector<16xi32>,
      %get3A_589 = arith.constant 3 : i32
      %get3A_590 = arith.index_cast %get3A_589 : i32 to index
      %get3A_591 = arith.constant 112 : index
      %get3A_592 = tpu.vector_load %arg9[%get3A_590, %get3A_591] {strides = array<i32>} : memref<4x128xi32, #tpu.memory_space<vmem>>, vector<16xi32>,
      %mul3A_593 = arith.constant 199 : i32
      %mul3A_594 = vector.broadcast %mul3A_593 : i32 to vector<16xi32>
      %mul3A_595 = arith.muli %get3A_592, %mul3A_594 : vector<16xi32>
      %add3A_596 = vector.broadcast %add3A_501 : i32 to vector<16xi32>
      %add3A_597 = arith.addi %mul3A_595, %add3A_596 : vector<16xi32>
      %swap3A_598 = arith.constant 112 : index
      %swap3A_599 = tpu.vector_load %arg11[%swap3A_598] {strides = array<i32>} : memref<128xi32, #tpu.memory_space<vmem>>, vector<16xi32>,
      tpu.vector_store %arg11[%swap3A_598], %add3A_597 {strides = array<i32>} : memref<128xi32, #tpu.memory_space<vmem>>, vector<16xi32>,
      %dma_start3A_600 = arith.constant 0 : i32
      %dma_start3A_601 = arith.constant 0 : i32
      %dma_start3A_602 = tpu.memref_slice %arg9[%dma_start3A_600, %dma_start3A_601] : memref<4x128xi32, #tpu.memory_space<vmem>> -> memref<1x128xi32, #tpu.memory_space<vmem>>
      %dma_start3A_603 = tpu.memref_squeeze %dma_start3A_602 : memref<1x128xi32, #tpu.memory_space<vmem>> -> memref<128xi32, #tpu.memory_space<vmem>>
      %dma_start3A_604 = arith.constant 0 : i32
      %dma_start3A_605 = arith.constant 0 : i32
      %dma_start3A_606 = tpu.memref_slice %arg3[%dma_start3A_604, %dma_start3A_605] : memref<100000x64xf32, #tpu.memory_space<hbm>> -> memref<100000x64xf32, #tpu.memory_space<hbm>>
      tpu.enqueue_indirect_dma source(%dma_start3A_606 : memref<100000x64xf32, #tpu.memory_space<hbm>>) target(%arg16 : memref<128x64xf32, #tpu.memory_space<vmem>>) offsets(%dma_start3A_603 : memref<128xi32, #tpu.memory_space<vmem>>) semaphore(%arg23 : memref<!tpu.dma_semaphore, #tpu.memory_space<semaphore_mem>>)
      %dma_start3A_607 = arith.constant 1 : i32
      %dma_start3A_608 = arith.constant 0 : i32
      %dma_start3A_609 = tpu.memref_slice %arg9[%dma_start3A_607, %dma_start3A_608] : memref<4x128xi32, #tpu.memory_space<vmem>> -> memref<1x128xi32, #tpu.memory_space<vmem>>
      %dma_start3A_610 = tpu.memref_squeeze %dma_start3A_609 : memref<1x128xi32, #tpu.memory_space<vmem>> -> memref<128xi32, #tpu.memory_space<vmem>>
      %dma_start3A_611 = arith.constant 0 : i32
      %dma_start3A_612 = arith.constant 0 : i32
      %dma_start3A_613 = tpu.memref_slice %arg4[%dma_start3A_611, %dma_start3A_612] : memref<1000x64xf32, #tpu.memory_space<hbm>> -> memref<1000x64xf32, #tpu.memory_space<hbm>>
      tpu.enqueue_indirect_dma source(%dma_start3A_613 : memref<1000x64xf32, #tpu.memory_space<hbm>>) target(%arg17 : memref<128x64xf32, #tpu.memory_space<vmem>>) offsets(%dma_start3A_610 : memref<128xi32, #tpu.memory_space<vmem>>) semaphore(%arg23 : memref<!tpu.dma_semaphore, #tpu.memory_space<semaphore_mem>>)
      %dma_start3A_614 = arith.constant 2 : i32
      %dma_start3A_615 = arith.constant 0 : i32
      %dma_start3A_616 = tpu.memref_slice %arg9[%dma_start3A_614, %dma_start3A_615] : memref<4x128xi32, #tpu.memory_space<vmem>> -> memref<1x128xi32, #tpu.memory_space<vmem>>
      %dma_start3A_617 = tpu.memref_squeeze %dma_start3A_616 : memref<1x128xi32, #tpu.memory_space<vmem>> -> memref<128xi32, #tpu.memory_space<vmem>>
      %dma_start3A_618 = arith.constant 0 : i32
      %dma_start3A_619 = arith.constant 0 : i32
      %dma_start3A_620 = tpu.memref_slice %arg5[%dma_start3A_618, %dma_start3A_619] : memref<1000x64xf32, #tpu.memory_space<hbm>> -> memref<1000x64xf32, #tpu.memory_space<hbm>>
      tpu.enqueue_indirect_dma source(%dma_start3A_620 : memref<1000x64xf32, #tpu.memory_space<hbm>>) target(%arg18 : memref<128x64xf32, #tpu.memory_space<vmem>>) offsets(%dma_start3A_617 : memref<128xi32, #tpu.memory_space<vmem>>) semaphore(%arg23 : memref<!tpu.dma_semaphore, #tpu.memory_space<semaphore_mem>>)
      %dma_start3A_621 = arith.constant 0 : i32
      %dma_start3A_622 = arith.constant 0 : i32
      %dma_start3A_623 = tpu.memref_slice %arg6[%dma_start3A_621, %dma_start3A_622] : memref<796x64xf32, #tpu.memory_space<hbm>> -> memref<796x64xf32, #tpu.memory_space<hbm>>
      tpu.enqueue_indirect_dma source(%dma_start3A_623 : memref<796x64xf32, #tpu.memory_space<hbm>>) target(%arg19 : memref<128x64xf32, #tpu.memory_space<vmem>>) offsets(%arg11 : memref<128xi32, #tpu.memory_space<vmem>>) semaphore(%arg23 : memref<!tpu.dma_semaphore, #tpu.memory_space<semaphore_mem>>)
      %dma_wait3A_624 = arith.constant 0 : i32
      %dma_wait3A_625 = arith.constant 0 : i32
      %dma_wait3A_626 = tpu.memref_slice %arg8[%dma_wait3A_624, %dma_wait3A_625] : memref<4x128xi32, #tpu.memory_space<vmem>> -> memref<1x128xi32, #tpu.memory_space<vmem>>
      %dma_wait3A_627 = tpu.memref_squeeze %dma_wait3A_626 : memref<1x128xi32, #tpu.memory_space<vmem>> -> memref<128xi32, #tpu.memory_space<vmem>>
      %dma_wait3A_628 = arith.constant 0 : i32
      %dma_wait3A_629 = arith.constant 0 : i32
      %dma_wait3A_630 = tpu.memref_slice %arg3[%dma_wait3A_628, %dma_wait3A_629] : memref<100000x64xf32, #tpu.memory_space<hbm>> -> memref<100000x64xf32, #tpu.memory_space<hbm>>
      tpu.wait_indirect_dma semaphore(%arg22 : memref<!tpu.dma_semaphore, #tpu.memory_space<semaphore_mem>>) src(%dma_wait3A_630 : memref<100000x64xf32, #tpu.memory_space<hbm>>) dst(%arg12 : memref<128x64xf32, #tpu.memory_space<vmem>>)
      %dma_wait3A_631 = arith.constant 1 : i32
      %dma_wait3A_632 = arith.constant 0 : i32
      %dma_wait3A_633 = tpu.memref_slice %arg8[%dma_wait3A_631, %dma_wait3A_632] : memref<4x128xi32, #tpu.memory_space<vmem>> -> memref<1x128xi32, #tpu.memory_space<vmem>>
      %dma_wait3A_634 = tpu.memref_squeeze %dma_wait3A_633 : memref<1x128xi32, #tpu.memory_space<vmem>> -> memref<128xi32, #tpu.memory_space<vmem>>
      %dma_wait3A_635 = arith.constant 0 : i32
      %dma_wait3A_636 = arith.constant 0 : i32
      %dma_wait3A_637 = tpu.memref_slice %arg4[%dma_wait3A_635, %dma_wait3A_636] : memref<1000x64xf32, #tpu.memory_space<hbm>> -> memref<1000x64xf32, #tpu.memory_space<hbm>>
      tpu.wait_indirect_dma semaphore(%arg22 : memref<!tpu.dma_semaphore, #tpu.memory_space<semaphore_mem>>) src(%dma_wait3A_637 : memref<1000x64xf32, #tpu.memory_space<hbm>>) dst(%arg13 : memref<128x64xf32, #tpu.memory_space<vmem>>)
      %dma_wait3A_638 = arith.constant 2 : i32
      %dma_wait3A_639 = arith.constant 0 : i32
      %dma_wait3A_640 = tpu.memref_slice %arg8[%dma_wait3A_638, %dma_wait3A_639] : memref<4x128xi32, #tpu.memory_space<vmem>> -> memref<1x128xi32, #tpu.memory_space<vmem>>
      %dma_wait3A_641 = tpu.memref_squeeze %dma_wait3A_640 : memref<1x128xi32, #tpu.memory_space<vmem>> -> memref<128xi32, #tpu.memory_space<vmem>>
      %dma_wait3A_642 = arith.constant 0 : i32
      %dma_wait3A_643 = arith.constant 0 : i32
      %dma_wait3A_644 = tpu.memref_slice %arg5[%dma_wait3A_642, %dma_wait3A_643] : memref<1000x64xf32, #tpu.memory_space<hbm>> -> memref<1000x64xf32, #tpu.memory_space<hbm>>
      tpu.wait_indirect_dma semaphore(%arg22 : memref<!tpu.dma_semaphore, #tpu.memory_space<semaphore_mem>>) src(%dma_wait3A_644 : memref<1000x64xf32, #tpu.memory_space<hbm>>) dst(%arg14 : memref<128x64xf32, #tpu.memory_space<vmem>>)
      %dma_wait3A_645 = arith.constant 0 : i32
      %dma_wait3A_646 = arith.constant 0 : i32
      %dma_wait3A_647 = tpu.memref_slice %arg6[%dma_wait3A_645, %dma_wait3A_646] : memref<796x64xf32, #tpu.memory_space<hbm>> -> memref<796x64xf32, #tpu.memory_space<hbm>>
      tpu.wait_indirect_dma semaphore(%arg22 : memref<!tpu.dma_semaphore, #tpu.memory_space<semaphore_mem>>) src(%dma_wait3A_647 : memref<796x64xf32, #tpu.memory_space<hbm>>) dst(%arg15 : memref<128x64xf32, #tpu.memory_space<vmem>>)
      %dma_start3A_648 = arith.constant 0 : i32
      %dma_start3A_649 = tpu.memref_slice %arg2[%dma_start3A_648, %add3A_505, %mul3A_2] : memref<4x199x4096xi32, #tpu.memory_space<hbm>> -> memref<4x1x128xi32, #tpu.memory_space<hbm>>
      %dma_start3A_650 = tpu.memref_squeeze %dma_start3A_649 : memref<4x1x128xi32, #tpu.memory_space<hbm>> -> memref<4x128xi32, #tpu.memory_space<hbm>>
      %dma_start3A_651 = arith.constant 0 : i32
      %dma_start3A_652 = tpu.memref_slice %arg2[%dma_start3A_651, %add3A_505, %mul3A_2] : memref<4x199x4096xi32, #tpu.memory_space<hbm>> -> memref<4x1x128xi32, #tpu.memory_space<hbm>>
      %dma_start3A_653 = tpu.memref_squeeze %dma_start3A_652 : memref<4x1x128xi32, #tpu.memory_space<hbm>> -> memref<4x128xi32, #tpu.memory_space<hbm>>
      tpu.enqueue_dma source(%dma_start3A_653 : memref<4x128xi32, #tpu.memory_space<hbm>>) target(%arg8 : memref<4x128xi32, #tpu.memory_space<vmem>>) target_semaphore(%arg24 : memref<!tpu.dma_semaphore, #tpu.memory_space<semaphore_mem>>)
      %iota3A_654 = tpu.iota {dimensions = array<i32: 0>} : vector<16xi32>
      %add3A_655 = arith.constant 0 : i32
      %add3A_656 = vector.broadcast %add3A_655 : i32 to vector<16xi32>
      %add3A_657 = arith.addi %iota3A_654, %add3A_656 : vector<16xi32>
      %add3A_658 = arith.constant 16 : i32
      %add3A_659 = vector.broadcast %add3A_658 : i32 to vector<16xi32>
      %add3A_660 = arith.addi %iota3A_654, %add3A_659 : vector<16xi32>
      %add3A_661 = arith.constant 32 : i32
      %add3A_662 = vector.broadcast %add3A_661 : i32 to vector<16xi32>
      %add3A_663 = arith.addi %iota3A_654, %add3A_662 : vector<16xi32>
      %add3A_664 = arith.constant 48 : i32
      %add3A_665 = vector.broadcast %add3A_664 : i32 to vector<16xi32>
      %add3A_666 = arith.addi %iota3A_654, %add3A_665 : vector<16xi32>
      %shift_right_arithmetic3A_667 = arith.constant 3 : i32
      %shift_right_arithmetic3A_668 = vector.broadcast %shift_right_arithmetic3A_667 : i32 to vector<16xi32>
      %shift_right_arithmetic3A_669 = arith.shrsi %add3A_657, %shift_right_arithmetic3A_668 : vector<16xi32>
      %shift_right_arithmetic3A_670 = arith.constant 3 : i32
      %shift_right_arithmetic3A_671 = vector.broadcast %shift_right_arithmetic3A_670 : i32 to vector<16xi32>
      %shift_right_arithmetic3A_672 = arith.shrsi %add3A_660, %shift_right_arithmetic3A_671 : vector<16xi32>
      %shift_right_arithmetic3A_673 = arith.constant 3 : i32
      %shift_right_arithmetic3A_674 = vector.broadcast %shift_right_arithmetic3A_673 : i32 to vector<16xi32>
      %shift_right_arithmetic3A_675 = arith.shrsi %add3A_663, %shift_right_arithmetic3A_674 : vector<16xi32>
      %shift_right_arithmetic3A_676 = arith.constant 3 : i32
      %shift_right_arithmetic3A_677 = vector.broadcast %shift_right_arithmetic3A_676 : i32 to vector<16xi32>
      %shift_right_arithmetic3A_678 = arith.shrsi %add3A_666, %shift_right_arithmetic3A_677 : vector<16xi32>
      %and3A_679 = arith.constant 7 : i32
      %and3A_680 = vector.broadcast %and3A_679 : i32 to vector<16xi32>
      %and3A_681 = arith.andi %add3A_657, %and3A_680 : vector<16xi32>
      %and3A_682 = arith.constant 7 : i32
      %and3A_683 = vector.broadcast %and3A_682 : i32 to vector<16xi32>
      %and3A_684 = arith.andi %add3A_660, %and3A_683 : vector<16xi32>
      %and3A_685 = arith.constant 7 : i32
      %and3A_686 = vector.broadcast %and3A_685 : i32 to vector<16xi32>
      %and3A_687 = arith.andi %add3A_663, %and3A_686 : vector<16xi32>
      %and3A_688 = arith.constant 7 : i32
      %and3A_689 = vector.broadcast %and3A_688 : i32 to vector<16xi32>
      %and3A_690 = arith.andi %add3A_666, %and3A_689 : vector<16xi32>
      %scan3A_691 = arith.constant 0 : i32
      %scan3A_692 = arith.constant 128 : i32
      %scan3A_693 = arith.addi %scan3A_691, %scan3A_692 : i32
      %scan3A_694 = arith.constant 1 : i32
      scf.for %scan3A_1462 = %scan3A_691 to %scan3A_693 step %scan3A_694  : i32 {
        %broadcast_in_dim3A = vector.broadcast %scan3A_1462 : i32 to vector<16xi32>
        %get3A_1463 = arith.index_cast %scan3A_1462 : i32 to index
        %get3A_1464 = arith.constant 0 : index
        %get3A_1465 = tpu.vector_load %arg12[%get3A_1463, %get3A_1464] {strides = array<i32>} : memref<128x64xf32, #tpu.memory_space<vmem>>, vector<16xf32>,
        %get3A_1466 = arith.index_cast %scan3A_1462 : i32 to index
        %get3A_1467 = arith.constant 0 : index
        %get3A_1468 = tpu.vector_load %arg13[%get3A_1466, %get3A_1467] {strides = array<i32>} : memref<128x64xf32, #tpu.memory_space<vmem>>, vector<16xf32>,
        %add3A_1469 = arith.addf %get3A_1465, %get3A_1468 : vector<16xf32>
        %get3A_1470 = arith.index_cast %scan3A_1462 : i32 to index
        %get3A_1471 = arith.constant 0 : index
        %get3A_1472 = tpu.vector_load %arg14[%get3A_1470, %get3A_1471] {strides = array<i32>} : memref<128x64xf32, #tpu.memory_space<vmem>>, vector<16xf32>,
        %get3A_1473 = arith.index_cast %scan3A_1462 : i32 to index
        %get3A_1474 = arith.constant 0 : index
        %get3A_1475 = tpu.vector_load %arg15[%get3A_1473, %get3A_1474] {strides = array<i32>} : memref<128x64xf32, #tpu.memory_space<vmem>>, vector<16xf32>,
        %add3A_1476 = arith.addf %get3A_1472, %get3A_1475 : vector<16xf32>
        %add3A_1477 = arith.addf %add3A_1469, %add3A_1476 : vector<16xf32>
        tpu.vector_store_idx %arg20[%shift_right_arithmetic3A_669, %and3A_681, %broadcast_in_dim3A], %add3A_1477 : memref<8x8x129xf32, #tpu.memory_space<vmem>>[vector<16xi32>, vector<16xi32>, vector<16xi32>], vector<16xf32>,
        %get3A_1478 = arith.index_cast %scan3A_1462 : i32 to index
        %get3A_1479 = arith.constant 16 : index
        %get3A_1480 = tpu.vector_load %arg12[%get3A_1478, %get3A_1479] {strides = array<i32>} : memref<128x64xf32, #tpu.memory_space<vmem>>, vector<16xf32>,
        %get3A_1481 = arith.index_cast %scan3A_1462 : i32 to index
        %get3A_1482 = arith.constant 16 : index
        %get3A_1483 = tpu.vector_load %arg13[%get3A_1481, %get3A_1482] {strides = array<i32>} : memref<128x64xf32, #tpu.memory_space<vmem>>, vector<16xf32>,
        %add3A_1484 = arith.addf %get3A_1480, %get3A_1483 : vector<16xf32>
        %get3A_1485 = arith.index_cast %scan3A_1462 : i32 to index
        %get3A_1486 = arith.constant 16 : index
        %get3A_1487 = tpu.vector_load %arg14[%get3A_1485, %get3A_1486] {strides = array<i32>} : memref<128x64xf32, #tpu.memory_space<vmem>>, vector<16xf32>,
        %get3A_1488 = arith.index_cast %scan3A_1462 : i32 to index
        %get3A_1489 = arith.constant 16 : index
        %get3A_1490 = tpu.vector_load %arg15[%get3A_1488, %get3A_1489] {strides = array<i32>} : memref<128x64xf32, #tpu.memory_space<vmem>>, vector<16xf32>,
        %add3A_1491 = arith.addf %get3A_1487, %get3A_1490 : vector<16xf32>
        %add3A_1492 = arith.addf %add3A_1484, %add3A_1491 : vector<16xf32>
        tpu.vector_store_idx %arg20[%shift_right_arithmetic3A_672, %and3A_684, %broadcast_in_dim3A], %add3A_1492 : memref<8x8x129xf32, #tpu.memory_space<vmem>>[vector<16xi32>, vector<16xi32>, vector<16xi32>], vector<16xf32>,
        %get3A_1493 = arith.index_cast %scan3A_1462 : i32 to index
        %get3A_1494 = arith.constant 32 : index
        %get3A_1495 = tpu.vector_load %arg12[%get3A_1493, %get3A_1494] {strides = array<i32>} : memref<128x64xf32, #tpu.memory_space<vmem>>, vector<16xf32>,
        %get3A_1496 = arith.index_cast %scan3A_1462 : i32 to index
        %get3A_1497 = arith.constant 32 : index
        %get3A_1498 = tpu.vector_load %arg13[%get3A_1496, %get3A_1497] {strides = array<i32>} : memref<128x64xf32, #tpu.memory_space<vmem>>, vector<16xf32>,
        %add3A_1499 = arith.addf %get3A_1495, %get3A_1498 : vector<16xf32>
        %get3A_1500 = arith.index_cast %scan3A_1462 : i32 to index
        %get3A_1501 = arith.constant 32 : index
        %get3A_1502 = tpu.vector_load %arg14[%get3A_1500, %get3A_1501] {strides = array<i32>} : memref<128x64xf32, #tpu.memory_space<vmem>>, vector<16xf32>,
        %get3A_1503 = arith.index_cast %scan3A_1462 : i32 to index
        %get3A_1504 = arith.constant 32 : index
        %get3A_1505 = tpu.vector_load %arg15[%get3A_1503, %get3A_1504] {strides = array<i32>} : memref<128x64xf32, #tpu.memory_space<vmem>>, vector<16xf32>,
        %add3A_1506 = arith.addf %get3A_1502, %get3A_1505 : vector<16xf32>
        %add3A_1507 = arith.addf %add3A_1499, %add3A_1506 : vector<16xf32>
        tpu.vector_store_idx %arg20[%shift_right_arithmetic3A_675, %and3A_687, %broadcast_in_dim3A], %add3A_1507 : memref<8x8x129xf32, #tpu.memory_space<vmem>>[vector<16xi32>, vector<16xi32>, vector<16xi32>], vector<16xf32>,
        %get3A_1508 = arith.index_cast %scan3A_1462 : i32 to index
        %get3A_1509 = arith.constant 48 : index
        %get3A_1510 = tpu.vector_load %arg12[%get3A_1508, %get3A_1509] {strides = array<i32>} : memref<128x64xf32, #tpu.memory_space<vmem>>, vector<16xf32>,
        %get3A_1511 = arith.index_cast %scan3A_1462 : i32 to index
        %get3A_1512 = arith.constant 48 : index
        %get3A_1513 = tpu.vector_load %arg13[%get3A_1511, %get3A_1512] {strides = array<i32>} : memref<128x64xf32, #tpu.memory_space<vmem>>, vector<16xf32>,
        %add3A_1514 = arith.addf %get3A_1510, %get3A_1513 : vector<16xf32>
        %get3A_1515 = arith.index_cast %scan3A_1462 : i32 to index
        %get3A_1516 = arith.constant 48 : index
        %get3A_1517 = tpu.vector_load %arg14[%get3A_1515, %get3A_1516] {strides = array<i32>} : memref<128x64xf32, #tpu.memory_space<vmem>>, vector<16xf32>,
        %get3A_1518 = arith.index_cast %scan3A_1462 : i32 to index
        %get3A_1519 = arith.constant 48 : index
        %get3A_1520 = tpu.vector_load %arg15[%get3A_1518, %get3A_1519] {strides = array<i32>} : memref<128x64xf32, #tpu.memory_space<vmem>>, vector<16xf32>,
        %add3A_1521 = arith.addf %get3A_1517, %get3A_1520 : vector<16xf32>
        %add3A_1522 = arith.addf %add3A_1514, %add3A_1521 : vector<16xf32>
        tpu.vector_store_idx %arg20[%shift_right_arithmetic3A_678, %and3A_690, %broadcast_in_dim3A], %add3A_1522 : memref<8x8x129xf32, #tpu.memory_space<vmem>>[vector<16xi32>, vector<16xi32>, vector<16xi32>], vector<16xf32>,
      }
      %scan3A_695 = arith.constant 128 : i32
      %mul3A_696 = arith.constant 2 : i32
      %mul3A_697 = arith.muli %mul3A_696, %scan3A_497 : i32
      %dma_start3A_698 = arith.constant 0 : i32
      %dma_start3A_699 = arith.constant 0 : i32
      %dma_start3A_700 = arith.constant 0 : i32
      %dma_start3A_701 = arith.constant 0 : i32
      %dma_start3A_702 = tpu.memref_slice %arg20[%dma_start3A_698, %dma_start3A_700, %dma_start3A_701] : memref<8x8x129xf32, #tpu.memory_space<vmem>> -> memref<1x8x128xf32, #tpu.memory_space<vmem>>
      %dma_start3A_703 = tpu.memref_squeeze %dma_start3A_702 : memref<1x8x128xf32, #tpu.memory_space<vmem>> -> memref<8x128xf32, #tpu.memory_space<vmem>>
      %dma_start3A_704 = arith.constant 0 : i32
      %dma_start3A_705 = arith.constant 0 : i32
      %dma_start3A_706 = tpu.memref_slice %arg7[%mul3A_697, %dma_start3A_699, %add3A, %dma_start3A_704, %dma_start3A_705] : memref<199x8x32x8x128xf32, #tpu.memory_space<hbm>> -> memref<1x1x1x8x128xf32, #tpu.memory_space<hbm>>
      %dma_start3A_707 = tpu.memref_squeeze %dma_start3A_706 : memref<1x1x1x8x128xf32, #tpu.memory_space<hbm>> -> memref<8x128xf32, #tpu.memory_space<hbm>>
      %dma_start3A_708 = arith.constant 0 : i32
      %dma_start3A_709 = arith.constant 0 : i32
      %dma_start3A_710 = tpu.memref_slice %arg7[%mul3A_697, %dma_start3A_699, %add3A, %dma_start3A_708, %dma_start3A_709] : memref<199x8x32x8x128xf32, #tpu.memory_space<hbm>> -> memref<1x1x1x8x128xf32, #tpu.memory_space<hbm>>
      %dma_start3A_711 = tpu.memref_squeeze %dma_start3A_710 : memref<1x1x1x8x128xf32, #tpu.memory_space<hbm>> -> memref<8x128xf32, #tpu.memory_space<hbm>>
      %dma_start3A_712 = arith.constant 0 : i32
      %dma_start3A_713 = arith.constant 0 : i32
      %dma_start3A_714 = tpu.memref_slice %arg20[%dma_start3A_698, %dma_start3A_712, %dma_start3A_713] : memref<8x8x129xf32, #tpu.memory_space<vmem>> -> memref<1x8x128xf32, #tpu.memory_space<vmem>>
      %dma_start3A_715 = tpu.memref_squeeze %dma_start3A_714 : memref<1x8x128xf32, #tpu.memory_space<vmem>> -> memref<8x128xf32, #tpu.memory_space<vmem>>
      tpu.enqueue_dma source(%dma_start3A_715 : memref<8x128xf32, #tpu.memory_space<vmem>>) target(%dma_start3A_711 : memref<8x128xf32, #tpu.memory_space<hbm>>) target_semaphore(%arg26 : memref<!tpu.dma_semaphore, #tpu.memory_space<semaphore_mem>>)
      %dma_start3A_716 = arith.constant 1 : i32
      %dma_start3A_717 = arith.constant 1 : i32
      %dma_start3A_718 = arith.constant 0 : i32
      %dma_start3A_719 = arith.constant 0 : i32
      %dma_start3A_720 = tpu.memref_slice %arg20[%dma_start3A_716, %dma_start3A_718, %dma_start3A_719] : memref<8x8x129xf32, #tpu.memory_space<vmem>> -> memref<1x8x128xf32, #tpu.memory_space<vmem>>
      %dma_start3A_721 = tpu.memref_squeeze %dma_start3A_720 : memref<1x8x128xf32, #tpu.memory_space<vmem>> -> memref<8x128xf32, #tpu.memory_space<vmem>>
      %dma_start3A_722 = arith.constant 0 : i32
      %dma_start3A_723 = arith.constant 0 : i32
      %dma_start3A_724 = tpu.memref_slice %arg7[%mul3A_697, %dma_start3A_717, %add3A, %dma_start3A_722, %dma_start3A_723] : memref<199x8x32x8x128xf32, #tpu.memory_space<hbm>> -> memref<1x1x1x8x128xf32, #tpu.memory_space<hbm>>
      %dma_start3A_725 = tpu.memref_squeeze %dma_start3A_724 : memref<1x1x1x8x128xf32, #tpu.memory_space<hbm>> -> memref<8x128xf32, #tpu.memory_space<hbm>>
      %dma_start3A_726 = arith.constant 0 : i32
      %dma_start3A_727 = arith.constant 0 : i32
      %dma_start3A_728 = tpu.memref_slice %arg7[%mul3A_697, %dma_start3A_717, %add3A, %dma_start3A_726, %dma_start3A_727] : memref<199x8x32x8x128xf32, #tpu.memory_space<hbm>> -> memref<1x1x1x8x128xf32, #tpu.memory_space<hbm>>
      %dma_start3A_729 = tpu.memref_squeeze %dma_start3A_728 : memref<1x1x1x8x128xf32, #tpu.memory_space<hbm>> -> memref<8x128xf32, #tpu.memory_space<hbm>>
      %dma_start3A_730 = arith.constant 0 : i32
      %dma_start3A_731 = arith.constant 0 : i32
      %dma_start3A_732 = tpu.memref_slice %arg20[%dma_start3A_716, %dma_start3A_730, %dma_start3A_731] : memref<8x8x129xf32, #tpu.memory_space<vmem>> -> memref<1x8x128xf32, #tpu.memory_space<vmem>>
      %dma_start3A_733 = tpu.memref_squeeze %dma_start3A_732 : memref<1x8x128xf32, #tpu.memory_space<vmem>> -> memref<8x128xf32, #tpu.memory_space<vmem>>
      tpu.enqueue_dma source(%dma_start3A_733 : memref<8x128xf32, #tpu.memory_space<vmem>>) target(%dma_start3A_729 : memref<8x128xf32, #tpu.memory_space<hbm>>) target_semaphore(%arg26 : memref<!tpu.dma_semaphore, #tpu.memory_space<semaphore_mem>>)
      %dma_start3A_734 = arith.constant 2 : i32
      %dma_start3A_735 = arith.constant 2 : i32
      %dma_start3A_736 = arith.constant 0 : i32
      %dma_start3A_737 = arith.constant 0 : i32
      %dma_start3A_738 = tpu.memref_slice %arg20[%dma_start3A_734, %dma_start3A_736, %dma_start3A_737] : memref<8x8x129xf32, #tpu.memory_space<vmem>> -> memref<1x8x128xf32, #tpu.memory_space<vmem>>
      %dma_start3A_739 = tpu.memref_squeeze %dma_start3A_738 : memref<1x8x128xf32, #tpu.memory_space<vmem>> -> memref<8x128xf32, #tpu.memory_space<vmem>>
      %dma_start3A_740 = arith.constant 0 : i32
      %dma_start3A_741 = arith.constant 0 : i32
      %dma_start3A_742 = tpu.memref_slice %arg7[%mul3A_697, %dma_start3A_735, %add3A, %dma_start3A_740, %dma_start3A_741] : memref<199x8x32x8x128xf32, #tpu.memory_space<hbm>> -> memref<1x1x1x8x128xf32, #tpu.memory_space<hbm>>
      %dma_start3A_743 = tpu.memref_squeeze %dma_start3A_742 : memref<1x1x1x8x128xf32, #tpu.memory_space<hbm>> -> memref<8x128xf32, #tpu.memory_space<hbm>>
      %dma_start3A_744 = arith.constant 0 : i32
      %dma_start3A_745 = arith.constant 0 : i32
      %dma_start3A_746 = tpu.memref_slice %arg7[%mul3A_697, %dma_start3A_735, %add3A, %dma_start3A_744, %dma_start3A_745] : memref<199x8x32x8x128xf32, #tpu.memory_space<hbm>> -> memref<1x1x1x8x128xf32, #tpu.memory_space<hbm>>
      %dma_start3A_747 = tpu.memref_squeeze %dma_start3A_746 : memref<1x1x1x8x128xf32, #tpu.memory_space<hbm>> -> memref<8x128xf32, #tpu.memory_space<hbm>>
      %dma_start3A_748 = arith.constant 0 : i32
      %dma_start3A_749 = arith.constant 0 : i32
      %dma_start3A_750 = tpu.memref_slice %arg20[%dma_start3A_734, %dma_start3A_748, %dma_start3A_749] : memref<8x8x129xf32, #tpu.memory_space<vmem>> -> memref<1x8x128xf32, #tpu.memory_space<vmem>>
      %dma_start3A_751 = tpu.memref_squeeze %dma_start3A_750 : memref<1x8x128xf32, #tpu.memory_space<vmem>> -> memref<8x128xf32, #tpu.memory_space<vmem>>
      tpu.enqueue_dma source(%dma_start3A_751 : memref<8x128xf32, #tpu.memory_space<vmem>>) target(%dma_start3A_747 : memref<8x128xf32, #tpu.memory_space<hbm>>) target_semaphore(%arg26 : memref<!tpu.dma_semaphore, #tpu.memory_space<semaphore_mem>>)
      %dma_start3A_752 = arith.constant 3 : i32
      %dma_start3A_753 = arith.constant 3 : i32
      %dma_start3A_754 = arith.constant 0 : i32
      %dma_start3A_755 = arith.constant 0 : i32
      %dma_start3A_756 = tpu.memref_slice %arg20[%dma_start3A_752, %dma_start3A_754, %dma_start3A_755] : memref<8x8x129xf32, #tpu.memory_space<vmem>> -> memref<1x8x128xf32, #tpu.memory_space<vmem>>
      %dma_start3A_757 = tpu.memref_squeeze %dma_start3A_756 : memref<1x8x128xf32, #tpu.memory_space<vmem>> -> memref<8x128xf32, #tpu.memory_space<vmem>>
      %dma_start3A_758 = arith.constant 0 : i32
      %dma_start3A_759 = arith.constant 0 : i32
      %dma_start3A_760 = tpu.memref_slice %arg7[%mul3A_697, %dma_start3A_753, %add3A, %dma_start3A_758, %dma_start3A_759] : memref<199x8x32x8x128xf32, #tpu.memory_space<hbm>> -> memref<1x1x1x8x128xf32, #tpu.memory_space<hbm>>
      %dma_start3A_761 = tpu.memref_squeeze %dma_start3A_760 : memref<1x1x1x8x128xf32, #tpu.memory_space<hbm>> -> memref<8x128xf32, #tpu.memory_space<hbm>>
      %dma_start3A_762 = arith.constant 0 : i32
      %dma_start3A_763 = arith.constant 0 : i32
      %dma_start3A_764 = tpu.memref_slice %arg7[%mul3A_697, %dma_start3A_753, %add3A, %dma_start3A_762, %dma_start3A_763] : memref<199x8x32x8x128xf32, #tpu.memory_space<hbm>> -> memref<1x1x1x8x128xf32, #tpu.memory_space<hbm>>
      %dma_start3A_765 = tpu.memref_squeeze %dma_start3A_764 : memref<1x1x1x8x128xf32, #tpu.memory_space<hbm>> -> memref<8x128xf32, #tpu.memory_space<hbm>>
      %dma_start3A_766 = arith.constant 0 : i32
      %dma_start3A_767 = arith.constant 0 : i32
      %dma_start3A_768 = tpu.memref_slice %arg20[%dma_start3A_752, %dma_start3A_766, %dma_start3A_767] : memref<8x8x129xf32, #tpu.memory_space<vmem>> -> memref<1x8x128xf32, #tpu.memory_space<vmem>>
      %dma_start3A_769 = tpu.memref_squeeze %dma_start3A_768 : memref<1x8x128xf32, #tpu.memory_space<vmem>> -> memref<8x128xf32, #tpu.memory_space<vmem>>
      tpu.enqueue_dma source(%dma_start3A_769 : memref<8x128xf32, #tpu.memory_space<vmem>>) target(%dma_start3A_765 : memref<8x128xf32, #tpu.memory_space<hbm>>) target_semaphore(%arg26 : memref<!tpu.dma_semaphore, #tpu.memory_space<semaphore_mem>>)
      %dma_start3A_770 = arith.constant 4 : i32
      %dma_start3A_771 = arith.constant 4 : i32
      %dma_start3A_772 = arith.constant 0 : i32
      %dma_start3A_773 = arith.constant 0 : i32
      %dma_start3A_774 = tpu.memref_slice %arg20[%dma_start3A_770, %dma_start3A_772, %dma_start3A_773] : memref<8x8x129xf32, #tpu.memory_space<vmem>> -> memref<1x8x128xf32, #tpu.memory_space<vmem>>
      %dma_start3A_775 = tpu.memref_squeeze %dma_start3A_774 : memref<1x8x128xf32, #tpu.memory_space<vmem>> -> memref<8x128xf32, #tpu.memory_space<vmem>>
      %dma_start3A_776 = arith.constant 0 : i32
      %dma_start3A_777 = arith.constant 0 : i32
      %dma_start3A_778 = tpu.memref_slice %arg7[%mul3A_697, %dma_start3A_771, %add3A, %dma_start3A_776, %dma_start3A_777] : memref<199x8x32x8x128xf32, #tpu.memory_space<hbm>> -> memref<1x1x1x8x128xf32, #tpu.memory_space<hbm>>
      %dma_start3A_779 = tpu.memref_squeeze %dma_start3A_778 : memref<1x1x1x8x128xf32, #tpu.memory_space<hbm>> -> memref<8x128xf32, #tpu.memory_space<hbm>>
      %dma_start3A_780 = arith.constant 0 : i32
      %dma_start3A_781 = arith.constant 0 : i32
      %dma_start3A_782 = tpu.memref_slice %arg7[%mul3A_697, %dma_start3A_771, %add3A, %dma_start3A_780, %dma_start3A_781] : memref<199x8x32x8x128xf32, #tpu.memory_space<hbm>> -> memref<1x1x1x8x128xf32, #tpu.memory_space<hbm>>
      %dma_start3A_783 = tpu.memref_squeeze %dma_start3A_782 : memref<1x1x1x8x128xf32, #tpu.memory_space<hbm>> -> memref<8x128xf32, #tpu.memory_space<hbm>>
      %dma_start3A_784 = arith.constant 0 : i32
      %dma_start3A_785 = arith.constant 0 : i32
      %dma_start3A_786 = tpu.memref_slice %arg20[%dma_start3A_770, %dma_start3A_784, %dma_start3A_785] : memref<8x8x129xf32, #tpu.memory_space<vmem>> -> memref<1x8x128xf32, #tpu.memory_space<vmem>>
      %dma_start3A_787 = tpu.memref_squeeze %dma_start3A_786 : memref<1x8x128xf32, #tpu.memory_space<vmem>> -> memref<8x128xf32, #tpu.memory_space<vmem>>
      tpu.enqueue_dma source(%dma_start3A_787 : memref<8x128xf32, #tpu.memory_space<vmem>>) target(%dma_start3A_783 : memref<8x128xf32, #tpu.memory_space<hbm>>) target_semaphore(%arg26 : memref<!tpu.dma_semaphore, #tpu.memory_space<semaphore_mem>>)
      %dma_start3A_788 = arith.constant 5 : i32
      %dma_start3A_789 = arith.constant 5 : i32
      %dma_start3A_790 = arith.constant 0 : i32
      %dma_start3A_791 = arith.constant 0 : i32
      %dma_start3A_792 = tpu.memref_slice %arg20[%dma_start3A_788, %dma_start3A_790, %dma_start3A_791] : memref<8x8x129xf32, #tpu.memory_space<vmem>> -> memref<1x8x128xf32, #tpu.memory_space<vmem>>
      %dma_start3A_793 = tpu.memref_squeeze %dma_start3A_792 : memref<1x8x128xf32, #tpu.memory_space<vmem>> -> memref<8x128xf32, #tpu.memory_space<vmem>>
      %dma_start3A_794 = arith.constant 0 : i32
      %dma_start3A_795 = arith.constant 0 : i32
      %dma_start3A_796 = tpu.memref_slice %arg7[%mul3A_697, %dma_start3A_789, %add3A, %dma_start3A_794, %dma_start3A_795] : memref<199x8x32x8x128xf32, #tpu.memory_space<hbm>> -> memref<1x1x1x8x128xf32, #tpu.memory_space<hbm>>
      %dma_start3A_797 = tpu.memref_squeeze %dma_start3A_796 : memref<1x1x1x8x128xf32, #tpu.memory_space<hbm>> -> memref<8x128xf32, #tpu.memory_space<hbm>>
      %dma_start3A_798 = arith.constant 0 : i32
      %dma_start3A_799 = arith.constant 0 : i32
      %dma_start3A_800 = tpu.memref_slice %arg7[%mul3A_697, %dma_start3A_789, %add3A, %dma_start3A_798, %dma_start3A_799] : memref<199x8x32x8x128xf32, #tpu.memory_space<hbm>> -> memref<1x1x1x8x128xf32, #tpu.memory_space<hbm>>
      %dma_start3A_801 = tpu.memref_squeeze %dma_start3A_800 : memref<1x1x1x8x128xf32, #tpu.memory_space<hbm>> -> memref<8x128xf32, #tpu.memory_space<hbm>>
      %dma_start3A_802 = arith.constant 0 : i32
      %dma_start3A_803 = arith.constant 0 : i32
      %dma_start3A_804 = tpu.memref_slice %arg20[%dma_start3A_788, %dma_start3A_802, %dma_start3A_803] : memref<8x8x129xf32, #tpu.memory_space<vmem>> -> memref<1x8x128xf32, #tpu.memory_space<vmem>>
      %dma_start3A_805 = tpu.memref_squeeze %dma_start3A_804 : memref<1x8x128xf32, #tpu.memory_space<vmem>> -> memref<8x128xf32, #tpu.memory_space<vmem>>
      tpu.enqueue_dma source(%dma_start3A_805 : memref<8x128xf32, #tpu.memory_space<vmem>>) target(%dma_start3A_801 : memref<8x128xf32, #tpu.memory_space<hbm>>) target_semaphore(%arg26 : memref<!tpu.dma_semaphore, #tpu.memory_space<semaphore_mem>>)
      %dma_start3A_806 = arith.constant 6 : i32
      %dma_start3A_807 = arith.constant 6 : i32
      %dma_start3A_808 = arith.constant 0 : i32
      %dma_start3A_809 = arith.constant 0 : i32
      %dma_start3A_810 = tpu.memref_slice %arg20[%dma_start3A_806, %dma_start3A_808, %dma_start3A_809] : memref<8x8x129xf32, #tpu.memory_space<vmem>> -> memref<1x8x128xf32, #tpu.memory_space<vmem>>
      %dma_start3A_811 = tpu.memref_squeeze %dma_start3A_810 : memref<1x8x128xf32, #tpu.memory_space<vmem>> -> memref<8x128xf32, #tpu.memory_space<vmem>>
      %dma_start3A_812 = arith.constant 0 : i32
      %dma_start3A_813 = arith.constant 0 : i32
      %dma_start3A_814 = tpu.memref_slice %arg7[%mul3A_697, %dma_start3A_807, %add3A, %dma_start3A_812, %dma_start3A_813] : memref<199x8x32x8x128xf32, #tpu.memory_space<hbm>> -> memref<1x1x1x8x128xf32, #tpu.memory_space<hbm>>
      %dma_start3A_815 = tpu.memref_squeeze %dma_start3A_814 : memref<1x1x1x8x128xf32, #tpu.memory_space<hbm>> -> memref<8x128xf32, #tpu.memory_space<hbm>>
      %dma_start3A_816 = arith.constant 0 : i32
      %dma_start3A_817 = arith.constant 0 : i32
      %dma_start3A_818 = tpu.memref_slice %arg7[%mul3A_697, %dma_start3A_807, %add3A, %dma_start3A_816, %dma_start3A_817] : memref<199x8x32x8x128xf32, #tpu.memory_space<hbm>> -> memref<1x1x1x8x128xf32, #tpu.memory_space<hbm>>
      %dma_start3A_819 = tpu.memref_squeeze %dma_start3A_818 : memref<1x1x1x8x128xf32, #tpu.memory_space<hbm>> -> memref<8x128xf32, #tpu.memory_space<hbm>>
      %dma_start3A_820 = arith.constant 0 : i32
      %dma_start3A_821 = arith.constant 0 : i32
      %dma_start3A_822 = tpu.memref_slice %arg20[%dma_start3A_806, %dma_start3A_820, %dma_start3A_821] : memref<8x8x129xf32, #tpu.memory_space<vmem>> -> memref<1x8x128xf32, #tpu.memory_space<vmem>>
      %dma_start3A_823 = tpu.memref_squeeze %dma_start3A_822 : memref<1x8x128xf32, #tpu.memory_space<vmem>> -> memref<8x128xf32, #tpu.memory_space<vmem>>
      tpu.enqueue_dma source(%dma_start3A_823 : memref<8x128xf32, #tpu.memory_space<vmem>>) target(%dma_start3A_819 : memref<8x128xf32, #tpu.memory_space<hbm>>) target_semaphore(%arg26 : memref<!tpu.dma_semaphore, #tpu.memory_space<semaphore_mem>>)
      %dma_start3A_824 = arith.constant 7 : i32
      %dma_start3A_825 = arith.constant 7 : i32
      %dma_start3A_826 = arith.constant 0 : i32
      %dma_start3A_827 = arith.constant 0 : i32
      %dma_start3A_828 = tpu.memref_slice %arg20[%dma_start3A_824, %dma_start3A_826, %dma_start3A_827] : memref<8x8x129xf32, #tpu.memory_space<vmem>> -> memref<1x8x128xf32, #tpu.memory_space<vmem>>
      %dma_start3A_829 = tpu.memref_squeeze %dma_start3A_828 : memref<1x8x128xf32, #tpu.memory_space<vmem>> -> memref<8x128xf32, #tpu.memory_space<vmem>>
      %dma_start3A_830 = arith.constant 0 : i32
      %dma_start3A_831 = arith.constant 0 : i32
      %dma_start3A_832 = tpu.memref_slice %arg7[%mul3A_697, %dma_start3A_825, %add3A, %dma_start3A_830, %dma_start3A_831] : memref<199x8x32x8x128xf32, #tpu.memory_space<hbm>> -> memref<1x1x1x8x128xf32, #tpu.memory_space<hbm>>
      %dma_start3A_833 = tpu.memref_squeeze %dma_start3A_832 : memref<1x1x1x8x128xf32, #tpu.memory_space<hbm>> -> memref<8x128xf32, #tpu.memory_space<hbm>>
      %dma_start3A_834 = arith.constant 0 : i32
      %dma_start3A_835 = arith.constant 0 : i32
      %dma_start3A_836 = tpu.memref_slice %arg7[%mul3A_697, %dma_start3A_825, %add3A, %dma_start3A_834, %dma_start3A_835] : memref<199x8x32x8x128xf32, #tpu.memory_space<hbm>> -> memref<1x1x1x8x128xf32, #tpu.memory_space<hbm>>
      %dma_start3A_837 = tpu.memref_squeeze %dma_start3A_836 : memref<1x1x1x8x128xf32, #tpu.memory_space<hbm>> -> memref<8x128xf32, #tpu.memory_space<hbm>>
      %dma_start3A_838 = arith.constant 0 : i32
      %dma_start3A_839 = arith.constant 0 : i32
      %dma_start3A_840 = tpu.memref_slice %arg20[%dma_start3A_824, %dma_start3A_838, %dma_start3A_839] : memref<8x8x129xf32, #tpu.memory_space<vmem>> -> memref<1x8x128xf32, #tpu.memory_space<vmem>>
      %dma_start3A_841 = tpu.memref_squeeze %dma_start3A_840 : memref<1x8x128xf32, #tpu.memory_space<vmem>> -> memref<8x128xf32, #tpu.memory_space<vmem>>
      tpu.enqueue_dma source(%dma_start3A_841 : memref<8x128xf32, #tpu.memory_space<vmem>>) target(%dma_start3A_837 : memref<8x128xf32, #tpu.memory_space<hbm>>) target_semaphore(%arg26 : memref<!tpu.dma_semaphore, #tpu.memory_space<semaphore_mem>>)
      %mul3A_842 = arith.constant 2 : i32
      %mul3A_843 = arith.muli %mul3A_842, %scan3A_497 : i32
      %dma_wait3A_844 = arith.constant 0 : i32
      %dma_wait3A_845 = arith.constant 0 : i32
      %dma_wait3A_846 = arith.constant 0 : i32
      %dma_wait3A_847 = arith.constant 0 : i32
      %dma_wait3A_848 = tpu.memref_slice %arg20[%dma_wait3A_844, %dma_wait3A_846, %dma_wait3A_847] : memref<8x8x129xf32, #tpu.memory_space<vmem>> -> memref<1x8x128xf32, #tpu.memory_space<vmem>>
      %dma_wait3A_849 = tpu.memref_squeeze %dma_wait3A_848 : memref<1x8x128xf32, #tpu.memory_space<vmem>> -> memref<8x128xf32, #tpu.memory_space<vmem>>
      %dma_wait3A_850 = arith.constant 0 : i32
      %dma_wait3A_851 = arith.constant 0 : i32
      %dma_wait3A_852 = tpu.memref_slice %arg7[%mul3A_843, %dma_wait3A_845, %add3A, %dma_wait3A_850, %dma_wait3A_851] : memref<199x8x32x8x128xf32, #tpu.memory_space<hbm>> -> memref<1x1x1x8x128xf32, #tpu.memory_space<hbm>>
      %dma_wait3A_853 = tpu.memref_squeeze %dma_wait3A_852 : memref<1x1x1x8x128xf32, #tpu.memory_space<hbm>> -> memref<8x128xf32, #tpu.memory_space<hbm>>
      %dma_wait3A_854 = arith.constant 0 : i32
      %dma_wait3A_855 = arith.constant 0 : i32
      %dma_wait3A_856 = tpu.memref_slice %arg7[%mul3A_843, %dma_wait3A_845, %add3A, %dma_wait3A_854, %dma_wait3A_855] : memref<199x8x32x8x128xf32, #tpu.memory_space<hbm>> -> memref<1x1x1x8x128xf32, #tpu.memory_space<hbm>>
      %dma_wait3A_857 = tpu.memref_squeeze %dma_wait3A_856 : memref<1x1x1x8x128xf32, #tpu.memory_space<hbm>> -> memref<8x128xf32, #tpu.memory_space<hbm>>
      %dma_wait3A_858 = arith.constant 0 : i32
      %dma_wait3A_859 = arith.constant 0 : i32
      %dma_wait3A_860 = tpu.memref_slice %arg20[%dma_wait3A_844, %dma_wait3A_858, %dma_wait3A_859] : memref<8x8x129xf32, #tpu.memory_space<vmem>> -> memref<1x8x128xf32, #tpu.memory_space<vmem>>
      %dma_wait3A_861 = tpu.memref_squeeze %dma_wait3A_860 : memref<1x8x128xf32, #tpu.memory_space<vmem>> -> memref<8x128xf32, #tpu.memory_space<vmem>>
      tpu.wait_dma2 semaphore(%arg26 : memref<!tpu.dma_semaphore, #tpu.memory_space<semaphore_mem>>) src(%dma_wait3A_861 : memref<8x128xf32, #tpu.memory_space<vmem>>) dst(%dma_wait3A_857 : memref<8x128xf32, #tpu.memory_space<hbm>>)
      %dma_wait3A_862 = arith.constant 1 : i32
      %dma_wait3A_863 = arith.constant 1 : i32
      %dma_wait3A_864 = arith.constant 0 : i32
      %dma_wait3A_865 = arith.constant 0 : i32
      %dma_wait3A_866 = tpu.memref_slice %arg20[%dma_wait3A_862, %dma_wait3A_864, %dma_wait3A_865] : memref<8x8x129xf32, #tpu.memory_space<vmem>> -> memref<1x8x128xf32, #tpu.memory_space<vmem>>
      %dma_wait3A_867 = tpu.memref_squeeze %dma_wait3A_866 : memref<1x8x128xf32, #tpu.memory_space<vmem>> -> memref<8x128xf32, #tpu.memory_space<vmem>>
      %dma_wait3A_868 = arith.constant 0 : i32
      %dma_wait3A_869 = arith.constant 0 : i32
      %dma_wait3A_870 = tpu.memref_slice %arg7[%mul3A_843, %dma_wait3A_863, %add3A, %dma_wait3A_868, %dma_wait3A_869] : memref<199x8x32x8x128xf32, #tpu.memory_space<hbm>> -> memref<1x1x1x8x128xf32, #tpu.memory_space<hbm>>
      %dma_wait3A_871 = tpu.memref_squeeze %dma_wait3A_870 : memref<1x1x1x8x128xf32, #tpu.memory_space<hbm>> -> memref<8x128xf32, #tpu.memory_space<hbm>>
      %dma_wait3A_872 = arith.constant 0 : i32
      %dma_wait3A_873 = arith.constant 0 : i32
      %dma_wait3A_874 = tpu.memref_slice %arg7[%mul3A_843, %dma_wait3A_863, %add3A, %dma_wait3A_872, %dma_wait3A_873] : memref<199x8x32x8x128xf32, #tpu.memory_space<hbm>> -> memref<1x1x1x8x128xf32, #tpu.memory_space<hbm>>
      %dma_wait3A_875 = tpu.memref_squeeze %dma_wait3A_874 : memref<1x1x1x8x128xf32, #tpu.memory_space<hbm>> -> memref<8x128xf32, #tpu.memory_space<hbm>>
      %dma_wait3A_876 = arith.constant 0 : i32
      %dma_wait3A_877 = arith.constant 0 : i32
      %dma_wait3A_878 = tpu.memref_slice %arg20[%dma_wait3A_862, %dma_wait3A_876, %dma_wait3A_877] : memref<8x8x129xf32, #tpu.memory_space<vmem>> -> memref<1x8x128xf32, #tpu.memory_space<vmem>>
      %dma_wait3A_879 = tpu.memref_squeeze %dma_wait3A_878 : memref<1x8x128xf32, #tpu.memory_space<vmem>> -> memref<8x128xf32, #tpu.memory_space<vmem>>
      tpu.wait_dma2 semaphore(%arg26 : memref<!tpu.dma_semaphore, #tpu.memory_space<semaphore_mem>>) src(%dma_wait3A_879 : memref<8x128xf32, #tpu.memory_space<vmem>>) dst(%dma_wait3A_875 : memref<8x128xf32, #tpu.memory_space<hbm>>)
      %dma_wait3A_880 = arith.constant 2 : i32
      %dma_wait3A_881 = arith.constant 2 : i32
      %dma_wait3A_882 = arith.constant 0 : i32
      %dma_wait3A_883 = arith.constant 0 : i32
      %dma_wait3A_884 = tpu.memref_slice %arg20[%dma_wait3A_880, %dma_wait3A_882, %dma_wait3A_883] : memref<8x8x129xf32, #tpu.memory_space<vmem>> -> memref<1x8x128xf32, #tpu.memory_space<vmem>>
      %dma_wait3A_885 = tpu.memref_squeeze %dma_wait3A_884 : memref<1x8x128xf32, #tpu.memory_space<vmem>> -> memref<8x128xf32, #tpu.memory_space<vmem>>
      %dma_wait3A_886 = arith.constant 0 : i32
      %dma_wait3A_887 = arith.constant 0 : i32
      %dma_wait3A_888 = tpu.memref_slice %arg7[%mul3A_843, %dma_wait3A_881, %add3A, %dma_wait3A_886, %dma_wait3A_887] : memref<199x8x32x8x128xf32, #tpu.memory_space<hbm>> -> memref<1x1x1x8x128xf32, #tpu.memory_space<hbm>>
      %dma_wait3A_889 = tpu.memref_squeeze %dma_wait3A_888 : memref<1x1x1x8x128xf32, #tpu.memory_space<hbm>> -> memref<8x128xf32, #tpu.memory_space<hbm>>
      %dma_wait3A_890 = arith.constant 0 : i32
      %dma_wait3A_891 = arith.constant 0 : i32
      %dma_wait3A_892 = tpu.memref_slice %arg7[%mul3A_843, %dma_wait3A_881, %add3A, %dma_wait3A_890, %dma_wait3A_891] : memref<199x8x32x8x128xf32, #tpu.memory_space<hbm>> -> memref<1x1x1x8x128xf32, #tpu.memory_space<hbm>>
      %dma_wait3A_893 = tpu.memref_squeeze %dma_wait3A_892 : memref<1x1x1x8x128xf32, #tpu.memory_space<hbm>> -> memref<8x128xf32, #tpu.memory_space<hbm>>
      %dma_wait3A_894 = arith.constant 0 : i32
      %dma_wait3A_895 = arith.constant 0 : i32
      %dma_wait3A_896 = tpu.memref_slice %arg20[%dma_wait3A_880, %dma_wait3A_894, %dma_wait3A_895] : memref<8x8x129xf32, #tpu.memory_space<vmem>> -> memref<1x8x128xf32, #tpu.memory_space<vmem>>
      %dma_wait3A_897 = tpu.memref_squeeze %dma_wait3A_896 : memref<1x8x128xf32, #tpu.memory_space<vmem>> -> memref<8x128xf32, #tpu.memory_space<vmem>>
      tpu.wait_dma2 semaphore(%arg26 : memref<!tpu.dma_semaphore, #tpu.memory_space<semaphore_mem>>) src(%dma_wait3A_897 : memref<8x128xf32, #tpu.memory_space<vmem>>) dst(%dma_wait3A_893 : memref<8x128xf32, #tpu.memory_space<hbm>>)
      %dma_wait3A_898 = arith.constant 3 : i32
      %dma_wait3A_899 = arith.constant 3 : i32
      %dma_wait3A_900 = arith.constant 0 : i32
      %dma_wait3A_901 = arith.constant 0 : i32
      %dma_wait3A_902 = tpu.memref_slice %arg20[%dma_wait3A_898, %dma_wait3A_900, %dma_wait3A_901] : memref<8x8x129xf32, #tpu.memory_space<vmem>> -> memref<1x8x128xf32, #tpu.memory_space<vmem>>
      %dma_wait3A_903 = tpu.memref_squeeze %dma_wait3A_902 : memref<1x8x128xf32, #tpu.memory_space<vmem>> -> memref<8x128xf32, #tpu.memory_space<vmem>>
      %dma_wait3A_904 = arith.constant 0 : i32
      %dma_wait3A_905 = arith.constant 0 : i32
      %dma_wait3A_906 = tpu.memref_slice %arg7[%mul3A_843, %dma_wait3A_899, %add3A, %dma_wait3A_904, %dma_wait3A_905] : memref<199x8x32x8x128xf32, #tpu.memory_space<hbm>> -> memref<1x1x1x8x128xf32, #tpu.memory_space<hbm>>
      %dma_wait3A_907 = tpu.memref_squeeze %dma_wait3A_906 : memref<1x1x1x8x128xf32, #tpu.memory_space<hbm>> -> memref<8x128xf32, #tpu.memory_space<hbm>>
      %dma_wait3A_908 = arith.constant 0 : i32
      %dma_wait3A_909 = arith.constant 0 : i32
      %dma_wait3A_910 = tpu.memref_slice %arg7[%mul3A_843, %dma_wait3A_899, %add3A, %dma_wait3A_908, %dma_wait3A_909] : memref<199x8x32x8x128xf32, #tpu.memory_space<hbm>> -> memref<1x1x1x8x128xf32, #tpu.memory_space<hbm>>
      %dma_wait3A_911 = tpu.memref_squeeze %dma_wait3A_910 : memref<1x1x1x8x128xf32, #tpu.memory_space<hbm>> -> memref<8x128xf32, #tpu.memory_space<hbm>>
      %dma_wait3A_912 = arith.constant 0 : i32
      %dma_wait3A_913 = arith.constant 0 : i32
      %dma_wait3A_914 = tpu.memref_slice %arg20[%dma_wait3A_898, %dma_wait3A_912, %dma_wait3A_913] : memref<8x8x129xf32, #tpu.memory_space<vmem>> -> memref<1x8x128xf32, #tpu.memory_space<vmem>>
      %dma_wait3A_915 = tpu.memref_squeeze %dma_wait3A_914 : memref<1x8x128xf32, #tpu.memory_space<vmem>> -> memref<8x128xf32, #tpu.memory_space<vmem>>
      tpu.wait_dma2 semaphore(%arg26 : memref<!tpu.dma_semaphore, #tpu.memory_space<semaphore_mem>>) src(%dma_wait3A_915 : memref<8x128xf32, #tpu.memory_space<vmem>>) dst(%dma_wait3A_911 : memref<8x128xf32, #tpu.memory_space<hbm>>)
      %dma_wait3A_916 = arith.constant 4 : i32
      %dma_wait3A_917 = arith.constant 4 : i32
      %dma_wait3A_918 = arith.constant 0 : i32
      %dma_wait3A_919 = arith.constant 0 : i32
      %dma_wait3A_920 = tpu.memref_slice %arg20[%dma_wait3A_916, %dma_wait3A_918, %dma_wait3A_919] : memref<8x8x129xf32, #tpu.memory_space<vmem>> -> memref<1x8x128xf32, #tpu.memory_space<vmem>>
      %dma_wait3A_921 = tpu.memref_squeeze %dma_wait3A_920 : memref<1x8x128xf32, #tpu.memory_space<vmem>> -> memref<8x128xf32, #tpu.memory_space<vmem>>
      %dma_wait3A_922 = arith.constant 0 : i32
      %dma_wait3A_923 = arith.constant 0 : i32
      %dma_wait3A_924 = tpu.memref_slice %arg7[%mul3A_843, %dma_wait3A_917, %add3A, %dma_wait3A_922, %dma_wait3A_923] : memref<199x8x32x8x128xf32, #tpu.memory_space<hbm>> -> memref<1x1x1x8x128xf32, #tpu.memory_space<hbm>>
      %dma_wait3A_925 = tpu.memref_squeeze %dma_wait3A_924 : memref<1x1x1x8x128xf32, #tpu.memory_space<hbm>> -> memref<8x128xf32, #tpu.memory_space<hbm>>
      %dma_wait3A_926 = arith.constant 0 : i32
      %dma_wait3A_927 = arith.constant 0 : i32
      %dma_wait3A_928 = tpu.memref_slice %arg7[%mul3A_843, %dma_wait3A_917, %add3A, %dma_wait3A_926, %dma_wait3A_927] : memref<199x8x32x8x128xf32, #tpu.memory_space<hbm>> -> memref<1x1x1x8x128xf32, #tpu.memory_space<hbm>>
      %dma_wait3A_929 = tpu.memref_squeeze %dma_wait3A_928 : memref<1x1x1x8x128xf32, #tpu.memory_space<hbm>> -> memref<8x128xf32, #tpu.memory_space<hbm>>
      %dma_wait3A_930 = arith.constant 0 : i32
      %dma_wait3A_931 = arith.constant 0 : i32
      %dma_wait3A_932 = tpu.memref_slice %arg20[%dma_wait3A_916, %dma_wait3A_930, %dma_wait3A_931] : memref<8x8x129xf32, #tpu.memory_space<vmem>> -> memref<1x8x128xf32, #tpu.memory_space<vmem>>
      %dma_wait3A_933 = tpu.memref_squeeze %dma_wait3A_932 : memref<1x8x128xf32, #tpu.memory_space<vmem>> -> memref<8x128xf32, #tpu.memory_space<vmem>>
      tpu.wait_dma2 semaphore(%arg26 : memref<!tpu.dma_semaphore, #tpu.memory_space<semaphore_mem>>) src(%dma_wait3A_933 : memref<8x128xf32, #tpu.memory_space<vmem>>) dst(%dma_wait3A_929 : memref<8x128xf32, #tpu.memory_space<hbm>>)
      %dma_wait3A_934 = arith.constant 5 : i32
      %dma_wait3A_935 = arith.constant 5 : i32
      %dma_wait3A_936 = arith.constant 0 : i32
      %dma_wait3A_937 = arith.constant 0 : i32
      %dma_wait3A_938 = tpu.memref_slice %arg20[%dma_wait3A_934, %dma_wait3A_936, %dma_wait3A_937] : memref<8x8x129xf32, #tpu.memory_space<vmem>> -> memref<1x8x128xf32, #tpu.memory_space<vmem>>
      %dma_wait3A_939 = tpu.memref_squeeze %dma_wait3A_938 : memref<1x8x128xf32, #tpu.memory_space<vmem>> -> memref<8x128xf32, #tpu.memory_space<vmem>>
      %dma_wait3A_940 = arith.constant 0 : i32
      %dma_wait3A_941 = arith.constant 0 : i32
      %dma_wait3A_942 = tpu.memref_slice %arg7[%mul3A_843, %dma_wait3A_935, %add3A, %dma_wait3A_940, %dma_wait3A_941] : memref<199x8x32x8x128xf32, #tpu.memory_space<hbm>> -> memref<1x1x1x8x128xf32, #tpu.memory_space<hbm>>
      %dma_wait3A_943 = tpu.memref_squeeze %dma_wait3A_942 : memref<1x1x1x8x128xf32, #tpu.memory_space<hbm>> -> memref<8x128xf32, #tpu.memory_space<hbm>>
      %dma_wait3A_944 = arith.constant 0 : i32
      %dma_wait3A_945 = arith.constant 0 : i32
      %dma_wait3A_946 = tpu.memref_slice %arg7[%mul3A_843, %dma_wait3A_935, %add3A, %dma_wait3A_944, %dma_wait3A_945] : memref<199x8x32x8x128xf32, #tpu.memory_space<hbm>> -> memref<1x1x1x8x128xf32, #tpu.memory_space<hbm>>
      %dma_wait3A_947 = tpu.memref_squeeze %dma_wait3A_946 : memref<1x1x1x8x128xf32, #tpu.memory_space<hbm>> -> memref<8x128xf32, #tpu.memory_space<hbm>>
      %dma_wait3A_948 = arith.constant 0 : i32
      %dma_wait3A_949 = arith.constant 0 : i32
      %dma_wait3A_950 = tpu.memref_slice %arg20[%dma_wait3A_934, %dma_wait3A_948, %dma_wait3A_949] : memref<8x8x129xf32, #tpu.memory_space<vmem>> -> memref<1x8x128xf32, #tpu.memory_space<vmem>>
      %dma_wait3A_951 = tpu.memref_squeeze %dma_wait3A_950 : memref<1x8x128xf32, #tpu.memory_space<vmem>> -> memref<8x128xf32, #tpu.memory_space<vmem>>
      tpu.wait_dma2 semaphore(%arg26 : memref<!tpu.dma_semaphore, #tpu.memory_space<semaphore_mem>>) src(%dma_wait3A_951 : memref<8x128xf32, #tpu.memory_space<vmem>>) dst(%dma_wait3A_947 : memref<8x128xf32, #tpu.memory_space<hbm>>)
      %dma_wait3A_952 = arith.constant 6 : i32
      %dma_wait3A_953 = arith.constant 6 : i32
      %dma_wait3A_954 = arith.constant 0 : i32
      %dma_wait3A_955 = arith.constant 0 : i32
      %dma_wait3A_956 = tpu.memref_slice %arg20[%dma_wait3A_952, %dma_wait3A_954, %dma_wait3A_955] : memref<8x8x129xf32, #tpu.memory_space<vmem>> -> memref<1x8x128xf32, #tpu.memory_space<vmem>>
      %dma_wait3A_957 = tpu.memref_squeeze %dma_wait3A_956 : memref<1x8x128xf32, #tpu.memory_space<vmem>> -> memref<8x128xf32, #tpu.memory_space<vmem>>
      %dma_wait3A_958 = arith.constant 0 : i32
      %dma_wait3A_959 = arith.constant 0 : i32
      %dma_wait3A_960 = tpu.memref_slice %arg7[%mul3A_843, %dma_wait3A_953, %add3A, %dma_wait3A_958, %dma_wait3A_959] : memref<199x8x32x8x128xf32, #tpu.memory_space<hbm>> -> memref<1x1x1x8x128xf32, #tpu.memory_space<hbm>>
      %dma_wait3A_961 = tpu.memref_squeeze %dma_wait3A_960 : memref<1x1x1x8x128xf32, #tpu.memory_space<hbm>> -> memref<8x128xf32, #tpu.memory_space<hbm>>
      %dma_wait3A_962 = arith.constant 0 : i32
      %dma_wait3A_963 = arith.constant 0 : i32
      %dma_wait3A_964 = tpu.memref_slice %arg7[%mul3A_843, %dma_wait3A_953, %add3A, %dma_wait3A_962, %dma_wait3A_963] : memref<199x8x32x8x128xf32, #tpu.memory_space<hbm>> -> memref<1x1x1x8x128xf32, #tpu.memory_space<hbm>>
      %dma_wait3A_965 = tpu.memref_squeeze %dma_wait3A_964 : memref<1x1x1x8x128xf32, #tpu.memory_space<hbm>> -> memref<8x128xf32, #tpu.memory_space<hbm>>
      %dma_wait3A_966 = arith.constant 0 : i32
      %dma_wait3A_967 = arith.constant 0 : i32
      %dma_wait3A_968 = tpu.memref_slice %arg20[%dma_wait3A_952, %dma_wait3A_966, %dma_wait3A_967] : memref<8x8x129xf32, #tpu.memory_space<vmem>> -> memref<1x8x128xf32, #tpu.memory_space<vmem>>
      %dma_wait3A_969 = tpu.memref_squeeze %dma_wait3A_968 : memref<1x8x128xf32, #tpu.memory_space<vmem>> -> memref<8x128xf32, #tpu.memory_space<vmem>>
      tpu.wait_dma2 semaphore(%arg26 : memref<!tpu.dma_semaphore, #tpu.memory_space<semaphore_mem>>) src(%dma_wait3A_969 : memref<8x128xf32, #tpu.memory_space<vmem>>) dst(%dma_wait3A_965 : memref<8x128xf32, #tpu.memory_space<hbm>>)
      %dma_wait3A_970 = arith.constant 7 : i32
      %dma_wait3A_971 = arith.constant 7 : i32
      %dma_wait3A_972 = arith.constant 0 : i32
      %dma_wait3A_973 = arith.constant 0 : i32
      %dma_wait3A_974 = tpu.memref_slice %arg20[%dma_wait3A_970, %dma_wait3A_972, %dma_wait3A_973] : memref<8x8x129xf32, #tpu.memory_space<vmem>> -> memref<1x8x128xf32, #tpu.memory_space<vmem>>
      %dma_wait3A_975 = tpu.memref_squeeze %dma_wait3A_974 : memref<1x8x128xf32, #tpu.memory_space<vmem>> -> memref<8x128xf32, #tpu.memory_space<vmem>>
      %dma_wait3A_976 = arith.constant 0 : i32
      %dma_wait3A_977 = arith.constant 0 : i32
      %dma_wait3A_978 = tpu.memref_slice %arg7[%mul3A_843, %dma_wait3A_971, %add3A, %dma_wait3A_976, %dma_wait3A_977] : memref<199x8x32x8x128xf32, #tpu.memory_space<hbm>> -> memref<1x1x1x8x128xf32, #tpu.memory_space<hbm>>
      %dma_wait3A_979 = tpu.memref_squeeze %dma_wait3A_978 : memref<1x1x1x8x128xf32, #tpu.memory_space<hbm>> -> memref<8x128xf32, #tpu.memory_space<hbm>>
      %dma_wait3A_980 = arith.constant 0 : i32
      %dma_wait3A_981 = arith.constant 0 : i32
      %dma_wait3A_982 = tpu.memref_slice %arg7[%mul3A_843, %dma_wait3A_971, %add3A, %dma_wait3A_980, %dma_wait3A_981] : memref<199x8x32x8x128xf32, #tpu.memory_space<hbm>> -> memref<1x1x1x8x128xf32, #tpu.memory_space<hbm>>
      %dma_wait3A_983 = tpu.memref_squeeze %dma_wait3A_982 : memref<1x1x1x8x128xf32, #tpu.memory_space<hbm>> -> memref<8x128xf32, #tpu.memory_space<hbm>>
      %dma_wait3A_984 = arith.constant 0 : i32
      %dma_wait3A_985 = arith.constant 0 : i32
      %dma_wait3A_986 = tpu.memref_slice %arg20[%dma_wait3A_970, %dma_wait3A_984, %dma_wait3A_985] : memref<8x8x129xf32, #tpu.memory_space<vmem>> -> memref<1x8x128xf32, #tpu.memory_space<vmem>>
      %dma_wait3A_987 = tpu.memref_squeeze %dma_wait3A_986 : memref<1x8x128xf32, #tpu.memory_space<vmem>> -> memref<8x128xf32, #tpu.memory_space<vmem>>
      tpu.wait_dma2 semaphore(%arg26 : memref<!tpu.dma_semaphore, #tpu.memory_space<semaphore_mem>>) src(%dma_wait3A_987 : memref<8x128xf32, #tpu.memory_space<vmem>>) dst(%dma_wait3A_983 : memref<8x128xf32, #tpu.memory_space<hbm>>)
      %dma_wait3A_988 = arith.constant 0 : i32
      %dma_wait3A_989 = tpu.memref_slice %arg2[%dma_wait3A_988, %add3A_505, %mul3A_2] : memref<4x199x4096xi32, #tpu.memory_space<hbm>> -> memref<4x1x128xi32, #tpu.memory_space<hbm>>
      %dma_wait3A_990 = tpu.memref_squeeze %dma_wait3A_989 : memref<4x1x128xi32, #tpu.memory_space<hbm>> -> memref<4x128xi32, #tpu.memory_space<hbm>>
      %dma_wait3A_991 = arith.constant 0 : i32
      %dma_wait3A_992 = tpu.memref_slice %arg2[%dma_wait3A_991, %add3A_505, %mul3A_2] : memref<4x199x4096xi32, #tpu.memory_space<hbm>> -> memref<4x1x128xi32, #tpu.memory_space<hbm>>
      %dma_wait3A_993 = tpu.memref_squeeze %dma_wait3A_992 : memref<4x1x128xi32, #tpu.memory_space<hbm>> -> memref<4x128xi32, #tpu.memory_space<hbm>>
      tpu.wait_dma2 semaphore(%arg24 : memref<!tpu.dma_semaphore, #tpu.memory_space<semaphore_mem>>) src(%dma_wait3A_993 : memref<4x128xi32, #tpu.memory_space<hbm>>) dst(%arg8 : memref<4x128xi32, #tpu.memory_space<vmem>>)
      %get3A_994 = arith.constant 3 : i32
      %get3A_995 = arith.index_cast %get3A_994 : i32 to index
      %get3A_996 = arith.constant 0 : index
      %get3A_997 = tpu.vector_load %arg8[%get3A_995, %get3A_996] {strides = array<i32>} : memref<4x128xi32, #tpu.memory_space<vmem>>, vector<16xi32>,
      %mul3A_998 = arith.constant 199 : i32
      %mul3A_999 = vector.broadcast %mul3A_998 : i32 to vector<16xi32>
      %mul3A_1000 = arith.muli %get3A_997, %mul3A_999 : vector<16xi32>
      %add3A_1001 = vector.broadcast %add3A_505 : i32 to vector<16xi32>
      %add3A_1002 = arith.addi %mul3A_1000, %add3A_1001 : vector<16xi32>
      %swap3A_1003 = arith.constant 0 : index
      %swap3A_1004 = tpu.vector_load %arg10[%swap3A_1003] {strides = array<i32>} : memref<128xi32, #tpu.memory_space<vmem>>, vector<16xi32>,
      tpu.vector_store %arg10[%swap3A_1003], %add3A_1002 {strides = array<i32>} : memref<128xi32, #tpu.memory_space<vmem>>, vector<16xi32>,
      %get3A_1005 = arith.constant 3 : i32
      %get3A_1006 = arith.index_cast %get3A_1005 : i32 to index
      %get3A_1007 = arith.constant 16 : index
      %get3A_1008 = tpu.vector_load %arg8[%get3A_1006, %get3A_1007] {strides = array<i32>} : memref<4x128xi32, #tpu.memory_space<vmem>>, vector<16xi32>,
      %mul3A_1009 = arith.constant 199 : i32
      %mul3A_1010 = vector.broadcast %mul3A_1009 : i32 to vector<16xi32>
      %mul3A_1011 = arith.muli %get3A_1008, %mul3A_1010 : vector<16xi32>
      %add3A_1012 = vector.broadcast %add3A_505 : i32 to vector<16xi32>
      %add3A_1013 = arith.addi %mul3A_1011, %add3A_1012 : vector<16xi32>
      %swap3A_1014 = arith.constant 16 : index
      %swap3A_1015 = tpu.vector_load %arg10[%swap3A_1014] {strides = array<i32>} : memref<128xi32, #tpu.memory_space<vmem>>, vector<16xi32>,
      tpu.vector_store %arg10[%swap3A_1014], %add3A_1013 {strides = array<i32>} : memref<128xi32, #tpu.memory_space<vmem>>, vector<16xi32>,
      %get3A_1016 = arith.constant 3 : i32
      %get3A_1017 = arith.index_cast %get3A_1016 : i32 to index
      %get3A_1018 = arith.constant 32 : index
      %get3A_1019 = tpu.vector_load %arg8[%get3A_1017, %get3A_1018] {strides = array<i32>} : memref<4x128xi32, #tpu.memory_space<vmem>>, vector<16xi32>,
      %mul3A_1020 = arith.constant 199 : i32
      %mul3A_1021 = vector.broadcast %mul3A_1020 : i32 to vector<16xi32>
      %mul3A_1022 = arith.muli %get3A_1019, %mul3A_1021 : vector<16xi32>
      %add3A_1023 = vector.broadcast %add3A_505 : i32 to vector<16xi32>
      %add3A_1024 = arith.addi %mul3A_1022, %add3A_1023 : vector<16xi32>
      %swap3A_1025 = arith.constant 32 : index
      %swap3A_1026 = tpu.vector_load %arg10[%swap3A_1025] {strides = array<i32>} : memref<128xi32, #tpu.memory_space<vmem>>, vector<16xi32>,
      tpu.vector_store %arg10[%swap3A_1025], %add3A_1024 {strides = array<i32>} : memref<128xi32, #tpu.memory_space<vmem>>, vector<16xi32>,
      %get3A_1027 = arith.constant 3 : i32
      %get3A_1028 = arith.index_cast %get3A_1027 : i32 to index
      %get3A_1029 = arith.constant 48 : index
      %get3A_1030 = tpu.vector_load %arg8[%get3A_1028, %get3A_1029] {strides = array<i32>} : memref<4x128xi32, #tpu.memory_space<vmem>>, vector<16xi32>,
      %mul3A_1031 = arith.constant 199 : i32
      %mul3A_1032 = vector.broadcast %mul3A_1031 : i32 to vector<16xi32>
      %mul3A_1033 = arith.muli %get3A_1030, %mul3A_1032 : vector<16xi32>
      %add3A_1034 = vector.broadcast %add3A_505 : i32 to vector<16xi32>
      %add3A_1035 = arith.addi %mul3A_1033, %add3A_1034 : vector<16xi32>
      %swap3A_1036 = arith.constant 48 : index
      %swap3A_1037 = tpu.vector_load %arg10[%swap3A_1036] {strides = array<i32>} : memref<128xi32, #tpu.memory_space<vmem>>, vector<16xi32>,
      tpu.vector_store %arg10[%swap3A_1036], %add3A_1035 {strides = array<i32>} : memref<128xi32, #tpu.memory_space<vmem>>, vector<16xi32>,
      %get3A_1038 = arith.constant 3 : i32
      %get3A_1039 = arith.index_cast %get3A_1038 : i32 to index
      %get3A_1040 = arith.constant 64 : index
      %get3A_1041 = tpu.vector_load %arg8[%get3A_1039, %get3A_1040] {strides = array<i32>} : memref<4x128xi32, #tpu.memory_space<vmem>>, vector<16xi32>,
      %mul3A_1042 = arith.constant 199 : i32
      %mul3A_1043 = vector.broadcast %mul3A_1042 : i32 to vector<16xi32>
      %mul3A_1044 = arith.muli %get3A_1041, %mul3A_1043 : vector<16xi32>
      %add3A_1045 = vector.broadcast %add3A_505 : i32 to vector<16xi32>
      %add3A_1046 = arith.addi %mul3A_1044, %add3A_1045 : vector<16xi32>
      %swap3A_1047 = arith.constant 64 : index
      %swap3A_1048 = tpu.vector_load %arg10[%swap3A_1047] {strides = array<i32>} : memref<128xi32, #tpu.memory_space<vmem>>, vector<16xi32>,
      tpu.vector_store %arg10[%swap3A_1047], %add3A_1046 {strides = array<i32>} : memref<128xi32, #tpu.memory_space<vmem>>, vector<16xi32>,
      %get3A_1049 = arith.constant 3 : i32
      %get3A_1050 = arith.index_cast %get3A_1049 : i32 to index
      %get3A_1051 = arith.constant 80 : index
      %get3A_1052 = tpu.vector_load %arg8[%get3A_1050, %get3A_1051] {strides = array<i32>} : memref<4x128xi32, #tpu.memory_space<vmem>>, vector<16xi32>,
      %mul3A_1053 = arith.constant 199 : i32
      %mul3A_1054 = vector.broadcast %mul3A_1053 : i32 to vector<16xi32>
      %mul3A_1055 = arith.muli %get3A_1052, %mul3A_1054 : vector<16xi32>
      %add3A_1056 = vector.broadcast %add3A_505 : i32 to vector<16xi32>
      %add3A_1057 = arith.addi %mul3A_1055, %add3A_1056 : vector<16xi32>
      %swap3A_1058 = arith.constant 80 : index
      %swap3A_1059 = tpu.vector_load %arg10[%swap3A_1058] {strides = array<i32>} : memref<128xi32, #tpu.memory_space<vmem>>, vector<16xi32>,
      tpu.vector_store %arg10[%swap3A_1058], %add3A_1057 {strides = array<i32>} : memref<128xi32, #tpu.memory_space<vmem>>, vector<16xi32>,
      %get3A_1060 = arith.constant 3 : i32
      %get3A_1061 = arith.index_cast %get3A_1060 : i32 to index
      %get3A_1062 = arith.constant 96 : index
      %get3A_1063 = tpu.vector_load %arg8[%get3A_1061, %get3A_1062] {strides = array<i32>} : memref<4x128xi32, #tpu.memory_space<vmem>>, vector<16xi32>,
      %mul3A_1064 = arith.constant 199 : i32
      %mul3A_1065 = vector.broadcast %mul3A_1064 : i32 to vector<16xi32>
      %mul3A_1066 = arith.muli %get3A_1063, %mul3A_1065 : vector<16xi32>
      %add3A_1067 = vector.broadcast %add3A_505 : i32 to vector<16xi32>
      %add3A_1068 = arith.addi %mul3A_1066, %add3A_1067 : vector<16xi32>
      %swap3A_1069 = arith.constant 96 : index
      %swap3A_1070 = tpu.vector_load %arg10[%swap3A_1069] {strides = array<i32>} : memref<128xi32, #tpu.memory_space<vmem>>, vector<16xi32>,
      tpu.vector_store %arg10[%swap3A_1069], %add3A_1068 {strides = array<i32>} : memref<128xi32, #tpu.memory_space<vmem>>, vector<16xi32>,
      %get3A_1071 = arith.constant 3 : i32
      %get3A_1072 = arith.index_cast %get3A_1071 : i32 to index
      %get3A_1073 = arith.constant 112 : index
      %get3A_1074 = tpu.vector_load %arg8[%get3A_1072, %get3A_1073] {strides = array<i32>} : memref<4x128xi32, #tpu.memory_space<vmem>>, vector<16xi32>,
      %mul3A_1075 = arith.constant 199 : i32
      %mul3A_1076 = vector.broadcast %mul3A_1075 : i32 to vector<16xi32>
      %mul3A_1077 = arith.muli %get3A_1074, %mul3A_1076 : vector<16xi32>
      %add3A_1078 = vector.broadcast %add3A_505 : i32 to vector<16xi32>
      %add3A_1079 = arith.addi %mul3A_1077, %add3A_1078 : vector<16xi32>
      %swap3A_1080 = arith.constant 112 : index
      %swap3A_1081 = tpu.vector_load %arg10[%swap3A_1080] {strides = array<i32>} : memref<128xi32, #tpu.memory_space<vmem>>, vector<16xi32>,
      tpu.vector_store %arg10[%swap3A_1080], %add3A_1079 {strides = array<i32>} : memref<128xi32, #tpu.memory_space<vmem>>, vector<16xi32>,
      %dma_start3A_1082 = arith.constant 0 : i32
      %dma_start3A_1083 = arith.constant 0 : i32
      %dma_start3A_1084 = tpu.memref_slice %arg8[%dma_start3A_1082, %dma_start3A_1083] : memref<4x128xi32, #tpu.memory_space<vmem>> -> memref<1x128xi32, #tpu.memory_space<vmem>>
      %dma_start3A_1085 = tpu.memref_squeeze %dma_start3A_1084 : memref<1x128xi32, #tpu.memory_space<vmem>> -> memref<128xi32, #tpu.memory_space<vmem>>
      %dma_start3A_1086 = arith.constant 0 : i32
      %dma_start3A_1087 = arith.constant 0 : i32
      %dma_start3A_1088 = tpu.memref_slice %arg3[%dma_start3A_1086, %dma_start3A_1087] : memref<100000x64xf32, #tpu.memory_space<hbm>> -> memref<100000x64xf32, #tpu.memory_space<hbm>>
      tpu.enqueue_indirect_dma source(%dma_start3A_1088 : memref<100000x64xf32, #tpu.memory_space<hbm>>) target(%arg12 : memref<128x64xf32, #tpu.memory_space<vmem>>) offsets(%dma_start3A_1085 : memref<128xi32, #tpu.memory_space<vmem>>) semaphore(%arg22 : memref<!tpu.dma_semaphore, #tpu.memory_space<semaphore_mem>>)
      %dma_start3A_1089 = arith.constant 1 : i32
      %dma_start3A_1090 = arith.constant 0 : i32
      %dma_start3A_1091 = tpu.memref_slice %arg8[%dma_start3A_1089, %dma_start3A_1090] : memref<4x128xi32, #tpu.memory_space<vmem>> -> memref<1x128xi32, #tpu.memory_space<vmem>>
      %dma_start3A_1092 = tpu.memref_squeeze %dma_start3A_1091 : memref<1x128xi32, #tpu.memory_space<vmem>> -> memref<128xi32, #tpu.memory_space<vmem>>
      %dma_start3A_1093 = arith.constant 0 : i32
      %dma_start3A_1094 = arith.constant 0 : i32
      %dma_start3A_1095 = tpu.memref_slice %arg4[%dma_start3A_1093, %dma_start3A_1094] : memref<1000x64xf32, #tpu.memory_space<hbm>> -> memref<1000x64xf32, #tpu.memory_space<hbm>>
      tpu.enqueue_indirect_dma source(%dma_start3A_1095 : memref<1000x64xf32, #tpu.memory_space<hbm>>) target(%arg13 : memref<128x64xf32, #tpu.memory_space<vmem>>) offsets(%dma_start3A_1092 : memref<128xi32, #tpu.memory_space<vmem>>) semaphore(%arg22 : memref<!tpu.dma_semaphore, #tpu.memory_space<semaphore_mem>>)
      %dma_start3A_1096 = arith.constant 2 : i32
      %dma_start3A_1097 = arith.constant 0 : i32
      %dma_start3A_1098 = tpu.memref_slice %arg8[%dma_start3A_1096, %dma_start3A_1097] : memref<4x128xi32, #tpu.memory_space<vmem>> -> memref<1x128xi32, #tpu.memory_space<vmem>>
      %dma_start3A_1099 = tpu.memref_squeeze %dma_start3A_1098 : memref<1x128xi32, #tpu.memory_space<vmem>> -> memref<128xi32, #tpu.memory_space<vmem>>
      %dma_start3A_1100 = arith.constant 0 : i32
      %dma_start3A_1101 = arith.constant 0 : i32
      %dma_start3A_1102 = tpu.memref_slice %arg5[%dma_start3A_1100, %dma_start3A_1101] : memref<1000x64xf32, #tpu.memory_space<hbm>> -> memref<1000x64xf32, #tpu.memory_space<hbm>>
      tpu.enqueue_indirect_dma source(%dma_start3A_1102 : memref<1000x64xf32, #tpu.memory_space<hbm>>) target(%arg14 : memref<128x64xf32, #tpu.memory_space<vmem>>) offsets(%dma_start3A_1099 : memref<128xi32, #tpu.memory_space<vmem>>) semaphore(%arg22 : memref<!tpu.dma_semaphore, #tpu.memory_space<semaphore_mem>>)
      %dma_start3A_1103 = arith.constant 0 : i32
      %dma_start3A_1104 = arith.constant 0 : i32
      %dma_start3A_1105 = tpu.memref_slice %arg6[%dma_start3A_1103, %dma_start3A_1104] : memref<796x64xf32, #tpu.memory_space<hbm>> -> memref<796x64xf32, #tpu.memory_space<hbm>>
      tpu.enqueue_indirect_dma source(%dma_start3A_1105 : memref<796x64xf32, #tpu.memory_space<hbm>>) target(%arg15 : memref<128x64xf32, #tpu.memory_space<vmem>>) offsets(%arg10 : memref<128xi32, #tpu.memory_space<vmem>>) semaphore(%arg22 : memref<!tpu.dma_semaphore, #tpu.memory_space<semaphore_mem>>)
      %dma_wait3A_1106 = arith.constant 0 : i32
      %dma_wait3A_1107 = arith.constant 0 : i32
      %dma_wait3A_1108 = tpu.memref_slice %arg9[%dma_wait3A_1106, %dma_wait3A_1107] : memref<4x128xi32, #tpu.memory_space<vmem>> -> memref<1x128xi32, #tpu.memory_space<vmem>>
      %dma_wait3A_1109 = tpu.memref_squeeze %dma_wait3A_1108 : memref<1x128xi32, #tpu.memory_space<vmem>> -> memref<128xi32, #tpu.memory_space<vmem>>
      %dma_wait3A_1110 = arith.constant 0 : i32
      %dma_wait3A_1111 = arith.constant 0 : i32
      %dma_wait3A_1112 = tpu.memref_slice %arg3[%dma_wait3A_1110, %dma_wait3A_1111] : memref<100000x64xf32, #tpu.memory_space<hbm>> -> memref<100000x64xf32, #tpu.memory_space<hbm>>
      tpu.wait_indirect_dma semaphore(%arg23 : memref<!tpu.dma_semaphore, #tpu.memory_space<semaphore_mem>>) src(%dma_wait3A_1112 : memref<100000x64xf32, #tpu.memory_space<hbm>>) dst(%arg16 : memref<128x64xf32, #tpu.memory_space<vmem>>)
      %dma_wait3A_1113 = arith.constant 1 : i32
      %dma_wait3A_1114 = arith.constant 0 : i32
      %dma_wait3A_1115 = tpu.memref_slice %arg9[%dma_wait3A_1113, %dma_wait3A_1114] : memref<4x128xi32, #tpu.memory_space<vmem>> -> memref<1x128xi32, #tpu.memory_space<vmem>>
      %dma_wait3A_1116 = tpu.memref_squeeze %dma_wait3A_1115 : memref<1x128xi32, #tpu.memory_space<vmem>> -> memref<128xi32, #tpu.memory_space<vmem>>
      %dma_wait3A_1117 = arith.constant 0 : i32
      %dma_wait3A_1118 = arith.constant 0 : i32
      %dma_wait3A_1119 = tpu.memref_slice %arg4[%dma_wait3A_1117, %dma_wait3A_1118] : memref<1000x64xf32, #tpu.memory_space<hbm>> -> memref<1000x64xf32, #tpu.memory_space<hbm>>
      tpu.wait_indirect_dma semaphore(%arg23 : memref<!tpu.dma_semaphore, #tpu.memory_space<semaphore_mem>>) src(%dma_wait3A_1119 : memref<1000x64xf32, #tpu.memory_space<hbm>>) dst(%arg17 : memref<128x64xf32, #tpu.memory_space<vmem>>)
      %dma_wait3A_1120 = arith.constant 2 : i32
      %dma_wait3A_1121 = arith.constant 0 : i32
      %dma_wait3A_1122 = tpu.memref_slice %arg9[%dma_wait3A_1120, %dma_wait3A_1121] : memref<4x128xi32, #tpu.memory_space<vmem>> -> memref<1x128xi32, #tpu.memory_space<vmem>>
      %dma_wait3A_1123 = tpu.memref_squeeze %dma_wait3A_1122 : memref<1x128xi32, #tpu.memory_space<vmem>> -> memref<128xi32, #tpu.memory_space<vmem>>
      %dma_wait3A_1124 = arith.constant 0 : i32
      %dma_wait3A_1125 = arith.constant 0 : i32
      %dma_wait3A_1126 = tpu.memref_slice %arg5[%dma_wait3A_1124, %dma_wait3A_1125] : memref<1000x64xf32, #tpu.memory_space<hbm>> -> memref<1000x64xf32, #tpu.memory_space<hbm>>
      tpu.wait_indirect_dma semaphore(%arg23 : memref<!tpu.dma_semaphore, #tpu.memory_space<semaphore_mem>>) src(%dma_wait3A_1126 : memref<1000x64xf32, #tpu.memory_space<hbm>>) dst(%arg18 : memref<128x64xf32, #tpu.memory_space<vmem>>)
      %dma_wait3A_1127 = arith.constant 0 : i32
      %dma_wait3A_1128 = arith.constant 0 : i32
      %dma_wait3A_1129 = tpu.memref_slice %arg6[%dma_wait3A_1127, %dma_wait3A_1128] : memref<796x64xf32, #tpu.memory_space<hbm>> -> memref<796x64xf32, #tpu.memory_space<hbm>>
      tpu.wait_indirect_dma semaphore(%arg23 : memref<!tpu.dma_semaphore, #tpu.memory_space<semaphore_mem>>) src(%dma_wait3A_1129 : memref<796x64xf32, #tpu.memory_space<hbm>>) dst(%arg19 : memref<128x64xf32, #tpu.memory_space<vmem>>)
      %lt3A = arith.constant 98 : i32
      %lt3A_1130 = arith.cmpi slt, %scan3A_497, %lt3A : i32
      %convert_element_type3A = arith.extui %lt3A_1130 : i1 to i32
      %cond3A = arith.constant 0 : i32
      %cond3A_1131 = arith.cmpi ne, %convert_element_type3A, %cond3A : i32
      scf.if %cond3A_1131 {
        %mul3A_1462 = arith.constant 2 : i32
        %mul3A_1463 = arith.muli %mul3A_1462, %scan3A_497 : i32
        %add3A_1464 = arith.constant 3 : i32
        %add3A_1465 = arith.addi %mul3A_1463, %add3A_1464 : i32
        %dma_start3A_1466 = arith.constant 0 : i32
        %dma_start3A_1467 = tpu.memref_slice %arg2[%dma_start3A_1466, %add3A_1465, %mul3A_2] : memref<4x199x4096xi32, #tpu.memory_space<hbm>> -> memref<4x1x128xi32, #tpu.memory_space<hbm>>
        %dma_start3A_1468 = tpu.memref_squeeze %dma_start3A_1467 : memref<4x1x128xi32, #tpu.memory_space<hbm>> -> memref<4x128xi32, #tpu.memory_space<hbm>>
        %dma_start3A_1469 = arith.constant 0 : i32
        %dma_start3A_1470 = tpu.memref_slice %arg2[%dma_start3A_1469, %add3A_1465, %mul3A_2] : memref<4x199x4096xi32, #tpu.memory_space<hbm>> -> memref<4x1x128xi32, #tpu.memory_space<hbm>>
        %dma_start3A_1471 = tpu.memref_squeeze %dma_start3A_1470 : memref<4x1x128xi32, #tpu.memory_space<hbm>> -> memref<4x128xi32, #tpu.memory_space<hbm>>
        tpu.enqueue_dma source(%dma_start3A_1471 : memref<4x128xi32, #tpu.memory_space<hbm>>) target(%arg9 : memref<4x128xi32, #tpu.memory_space<vmem>>) target_semaphore(%arg25 : memref<!tpu.dma_semaphore, #tpu.memory_space<semaphore_mem>>)
      } else {
      }
      %iota3A_1132 = tpu.iota {dimensions = array<i32: 0>} : vector<16xi32>
      %add3A_1133 = arith.constant 0 : i32
      %add3A_1134 = vector.broadcast %add3A_1133 : i32 to vector<16xi32>
      %add3A_1135 = arith.addi %iota3A_1132, %add3A_1134 : vector<16xi32>
      %add3A_1136 = arith.constant 16 : i32
      %add3A_1137 = vector.broadcast %add3A_1136 : i32 to vector<16xi32>
      %add3A_1138 = arith.addi %iota3A_1132, %add3A_1137 : vector<16xi32>
      %add3A_1139 = arith.constant 32 : i32
      %add3A_1140 = vector.broadcast %add3A_1139 : i32 to vector<16xi32>
      %add3A_1141 = arith.addi %iota3A_1132, %add3A_1140 : vector<16xi32>
      %add3A_1142 = arith.constant 48 : i32
      %add3A_1143 = vector.broadcast %add3A_1142 : i32 to vector<16xi32>
      %add3A_1144 = arith.addi %iota3A_1132, %add3A_1143 : vector<16xi32>
      %shift_right_arithmetic3A_1145 = arith.constant 3 : i32
      %shift_right_arithmetic3A_1146 = vector.broadcast %shift_right_arithmetic3A_1145 : i32 to vector<16xi32>
      %shift_right_arithmetic3A_1147 = arith.shrsi %add3A_1135, %shift_right_arithmetic3A_1146 : vector<16xi32>
      %shift_right_arithmetic3A_1148 = arith.constant 3 : i32
      %shift_right_arithmetic3A_1149 = vector.broadcast %shift_right_arithmetic3A_1148 : i32 to vector<16xi32>
      %shift_right_arithmetic3A_1150 = arith.shrsi %add3A_1138, %shift_right_arithmetic3A_1149 : vector<16xi32>
      %shift_right_arithmetic3A_1151 = arith.constant 3 : i32
      %shift_right_arithmetic3A_1152 = vector.broadcast %shift_right_arithmetic3A_1151 : i32 to vector<16xi32>
      %shift_right_arithmetic3A_1153 = arith.shrsi %add3A_1141, %shift_right_arithmetic3A_1152 : vector<16xi32>
      %shift_right_arithmetic3A_1154 = arith.constant 3 : i32
      %shift_right_arithmetic3A_1155 = vector.broadcast %shift_right_arithmetic3A_1154 : i32 to vector<16xi32>
      %shift_right_arithmetic3A_1156 = arith.shrsi %add3A_1144, %shift_right_arithmetic3A_1155 : vector<16xi32>
      %and3A_1157 = arith.constant 7 : i32
      %and3A_1158 = vector.broadcast %and3A_1157 : i32 to vector<16xi32>
      %and3A_1159 = arith.andi %add3A_1135, %and3A_1158 : vector<16xi32>
      %and3A_1160 = arith.constant 7 : i32
      %and3A_1161 = vector.broadcast %and3A_1160 : i32 to vector<16xi32>
      %and3A_1162 = arith.andi %add3A_1138, %and3A_1161 : vector<16xi32>
      %and3A_1163 = arith.constant 7 : i32
      %and3A_1164 = vector.broadcast %and3A_1163 : i32 to vector<16xi32>
      %and3A_1165 = arith.andi %add3A_1141, %and3A_1164 : vector<16xi32>
      %and3A_1166 = arith.constant 7 : i32
      %and3A_1167 = vector.broadcast %and3A_1166 : i32 to vector<16xi32>
      %and3A_1168 = arith.andi %add3A_1144, %and3A_1167 : vector<16xi32>
      %scan3A_1169 = arith.constant 0 : i32
      %scan3A_1170 = arith.constant 128 : i32
      %scan3A_1171 = arith.addi %scan3A_1169, %scan3A_1170 : i32
      %scan3A_1172 = arith.constant 1 : i32
      scf.for %scan3A_1462 = %scan3A_1169 to %scan3A_1171 step %scan3A_1172  : i32 {
        %broadcast_in_dim3A = vector.broadcast %scan3A_1462 : i32 to vector<16xi32>
        %get3A_1463 = arith.index_cast %scan3A_1462 : i32 to index
        %get3A_1464 = arith.constant 0 : index
        %get3A_1465 = tpu.vector_load %arg16[%get3A_1463, %get3A_1464] {strides = array<i32>} : memref<128x64xf32, #tpu.memory_space<vmem>>, vector<16xf32>,
        %get3A_1466 = arith.index_cast %scan3A_1462 : i32 to index
        %get3A_1467 = arith.constant 0 : index
        %get3A_1468 = tpu.vector_load %arg17[%get3A_1466, %get3A_1467] {strides = array<i32>} : memref<128x64xf32, #tpu.memory_space<vmem>>, vector<16xf32>,
        %add3A_1469 = arith.addf %get3A_1465, %get3A_1468 : vector<16xf32>
        %get3A_1470 = arith.index_cast %scan3A_1462 : i32 to index
        %get3A_1471 = arith.constant 0 : index
        %get3A_1472 = tpu.vector_load %arg18[%get3A_1470, %get3A_1471] {strides = array<i32>} : memref<128x64xf32, #tpu.memory_space<vmem>>, vector<16xf32>,
        %get3A_1473 = arith.index_cast %scan3A_1462 : i32 to index
        %get3A_1474 = arith.constant 0 : index
        %get3A_1475 = tpu.vector_load %arg19[%get3A_1473, %get3A_1474] {strides = array<i32>} : memref<128x64xf32, #tpu.memory_space<vmem>>, vector<16xf32>,
        %add3A_1476 = arith.addf %get3A_1472, %get3A_1475 : vector<16xf32>
        %add3A_1477 = arith.addf %add3A_1469, %add3A_1476 : vector<16xf32>
        tpu.vector_store_idx %arg21[%shift_right_arithmetic3A_1147, %and3A_1159, %broadcast_in_dim3A], %add3A_1477 : memref<8x8x129xf32, #tpu.memory_space<vmem>>[vector<16xi32>, vector<16xi32>, vector<16xi32>], vector<16xf32>,
        %get3A_1478 = arith.index_cast %scan3A_1462 : i32 to index
        %get3A_1479 = arith.constant 16 : index
        %get3A_1480 = tpu.vector_load %arg16[%get3A_1478, %get3A_1479] {strides = array<i32>} : memref<128x64xf32, #tpu.memory_space<vmem>>, vector<16xf32>,
        %get3A_1481 = arith.index_cast %scan3A_1462 : i32 to index
        %get3A_1482 = arith.constant 16 : index
        %get3A_1483 = tpu.vector_load %arg17[%get3A_1481, %get3A_1482] {strides = array<i32>} : memref<128x64xf32, #tpu.memory_space<vmem>>, vector<16xf32>,
        %add3A_1484 = arith.addf %get3A_1480, %get3A_1483 : vector<16xf32>
        %get3A_1485 = arith.index_cast %scan3A_1462 : i32 to index
        %get3A_1486 = arith.constant 16 : index
        %get3A_1487 = tpu.vector_load %arg18[%get3A_1485, %get3A_1486] {strides = array<i32>} : memref<128x64xf32, #tpu.memory_space<vmem>>, vector<16xf32>,
        %get3A_1488 = arith.index_cast %scan3A_1462 : i32 to index
        %get3A_1489 = arith.constant 16 : index
        %get3A_1490 = tpu.vector_load %arg19[%get3A_1488, %get3A_1489] {strides = array<i32>} : memref<128x64xf32, #tpu.memory_space<vmem>>, vector<16xf32>,
        %add3A_1491 = arith.addf %get3A_1487, %get3A_1490 : vector<16xf32>
        %add3A_1492 = arith.addf %add3A_1484, %add3A_1491 : vector<16xf32>
        tpu.vector_store_idx %arg21[%shift_right_arithmetic3A_1150, %and3A_1162, %broadcast_in_dim3A], %add3A_1492 : memref<8x8x129xf32, #tpu.memory_space<vmem>>[vector<16xi32>, vector<16xi32>, vector<16xi32>], vector<16xf32>,
        %get3A_1493 = arith.index_cast %scan3A_1462 : i32 to index
        %get3A_1494 = arith.constant 32 : index
        %get3A_1495 = tpu.vector_load %arg16[%get3A_1493, %get3A_1494] {strides = array<i32>} : memref<128x64xf32, #tpu.memory_space<vmem>>, vector<16xf32>,
        %get3A_1496 = arith.index_cast %scan3A_1462 : i32 to index
        %get3A_1497 = arith.constant 32 : index
        %get3A_1498 = tpu.vector_load %arg17[%get3A_1496, %get3A_1497] {strides = array<i32>} : memref<128x64xf32, #tpu.memory_space<vmem>>, vector<16xf32>,
        %add3A_1499 = arith.addf %get3A_1495, %get3A_1498 : vector<16xf32>
        %get3A_1500 = arith.index_cast %scan3A_1462 : i32 to index
        %get3A_1501 = arith.constant 32 : index
        %get3A_1502 = tpu.vector_load %arg18[%get3A_1500, %get3A_1501] {strides = array<i32>} : memref<128x64xf32, #tpu.memory_space<vmem>>, vector<16xf32>,
        %get3A_1503 = arith.index_cast %scan3A_1462 : i32 to index
        %get3A_1504 = arith.constant 32 : index
        %get3A_1505 = tpu.vector_load %arg19[%get3A_1503, %get3A_1504] {strides = array<i32>} : memref<128x64xf32, #tpu.memory_space<vmem>>, vector<16xf32>,
        %add3A_1506 = arith.addf %get3A_1502, %get3A_1505 : vector<16xf32>
        %add3A_1507 = arith.addf %add3A_1499, %add3A_1506 : vector<16xf32>
        tpu.vector_store_idx %arg21[%shift_right_arithmetic3A_1153, %and3A_1165, %broadcast_in_dim3A], %add3A_1507 : memref<8x8x129xf32, #tpu.memory_space<vmem>>[vector<16xi32>, vector<16xi32>, vector<16xi32>], vector<16xf32>,
        %get3A_1508 = arith.index_cast %scan3A_1462 : i32 to index
        %get3A_1509 = arith.constant 48 : index
        %get3A_1510 = tpu.vector_load %arg16[%get3A_1508, %get3A_1509] {strides = array<i32>} : memref<128x64xf32, #tpu.memory_space<vmem>>, vector<16xf32>,
        %get3A_1511 = arith.index_cast %scan3A_1462 : i32 to index
        %get3A_1512 = arith.constant 48 : index
        %get3A_1513 = tpu.vector_load %arg17[%get3A_1511, %get3A_1512] {strides = array<i32>} : memref<128x64xf32, #tpu.memory_space<vmem>>, vector<16xf32>,
        %add3A_1514 = arith.addf %get3A_1510, %get3A_1513 : vector<16xf32>
        %get3A_1515 = arith.index_cast %scan3A_1462 : i32 to index
        %get3A_1516 = arith.constant 48 : index
        %get3A_1517 = tpu.vector_load %arg18[%get3A_1515, %get3A_1516] {strides = array<i32>} : memref<128x64xf32, #tpu.memory_space<vmem>>, vector<16xf32>,
        %get3A_1518 = arith.index_cast %scan3A_1462 : i32 to index
        %get3A_1519 = arith.constant 48 : index
        %get3A_1520 = tpu.vector_load %arg19[%get3A_1518, %get3A_1519] {strides = array<i32>} : memref<128x64xf32, #tpu.memory_space<vmem>>, vector<16xf32>,
        %add3A_1521 = arith.addf %get3A_1517, %get3A_1520 : vector<16xf32>
        %add3A_1522 = arith.addf %add3A_1514, %add3A_1521 : vector<16xf32>
        tpu.vector_store_idx %arg21[%shift_right_arithmetic3A_1156, %and3A_1168, %broadcast_in_dim3A], %add3A_1522 : memref<8x8x129xf32, #tpu.memory_space<vmem>>[vector<16xi32>, vector<16xi32>, vector<16xi32>], vector<16xf32>,
      }
      %scan3A_1173 = arith.constant 128 : i32
      %dma_start3A_1174 = arith.constant 0 : i32
      %dma_start3A_1175 = arith.constant 0 : i32
      %dma_start3A_1176 = arith.constant 0 : i32
      %dma_start3A_1177 = arith.constant 0 : i32
      %dma_start3A_1178 = tpu.memref_slice %arg21[%dma_start3A_1174, %dma_start3A_1176, %dma_start3A_1177] : memref<8x8x129xf32, #tpu.memory_space<vmem>> -> memref<1x8x128xf32, #tpu.memory_space<vmem>>
      %dma_start3A_1179 = tpu.memref_squeeze %dma_start3A_1178 : memref<1x8x128xf32, #tpu.memory_space<vmem>> -> memref<8x128xf32, #tpu.memory_space<vmem>>
      %dma_start3A_1180 = arith.constant 0 : i32
      %dma_start3A_1181 = arith.constant 0 : i32
      %dma_start3A_1182 = tpu.memref_slice %arg7[%add3A_501, %dma_start3A_1175, %add3A, %dma_start3A_1180, %dma_start3A_1181] : memref<199x8x32x8x128xf32, #tpu.memory_space<hbm>> -> memref<1x1x1x8x128xf32, #tpu.memory_space<hbm>>
      %dma_start3A_1183 = tpu.memref_squeeze %dma_start3A_1182 : memref<1x1x1x8x128xf32, #tpu.memory_space<hbm>> -> memref<8x128xf32, #tpu.memory_space<hbm>>
      %dma_start3A_1184 = arith.constant 0 : i32
      %dma_start3A_1185 = arith.constant 0 : i32
      %dma_start3A_1186 = tpu.memref_slice %arg7[%add3A_501, %dma_start3A_1175, %add3A, %dma_start3A_1184, %dma_start3A_1185] : memref<199x8x32x8x128xf32, #tpu.memory_space<hbm>> -> memref<1x1x1x8x128xf32, #tpu.memory_space<hbm>>
      %dma_start3A_1187 = tpu.memref_squeeze %dma_start3A_1186 : memref<1x1x1x8x128xf32, #tpu.memory_space<hbm>> -> memref<8x128xf32, #tpu.memory_space<hbm>>
      %dma_start3A_1188 = arith.constant 0 : i32
      %dma_start3A_1189 = arith.constant 0 : i32
      %dma_start3A_1190 = tpu.memref_slice %arg21[%dma_start3A_1174, %dma_start3A_1188, %dma_start3A_1189] : memref<8x8x129xf32, #tpu.memory_space<vmem>> -> memref<1x8x128xf32, #tpu.memory_space<vmem>>
      %dma_start3A_1191 = tpu.memref_squeeze %dma_start3A_1190 : memref<1x8x128xf32, #tpu.memory_space<vmem>> -> memref<8x128xf32, #tpu.memory_space<vmem>>
      tpu.enqueue_dma source(%dma_start3A_1191 : memref<8x128xf32, #tpu.memory_space<vmem>>) target(%dma_start3A_1187 : memref<8x128xf32, #tpu.memory_space<hbm>>) target_semaphore(%arg27 : memref<!tpu.dma_semaphore, #tpu.memory_space<semaphore_mem>>)
      %dma_start3A_1192 = arith.constant 1 : i32
      %dma_start3A_1193 = arith.constant 1 : i32
      %dma_start3A_1194 = arith.constant 0 : i32
      %dma_start3A_1195 = arith.constant 0 : i32
      %dma_start3A_1196 = tpu.memref_slice %arg21[%dma_start3A_1192, %dma_start3A_1194, %dma_start3A_1195] : memref<8x8x129xf32, #tpu.memory_space<vmem>> -> memref<1x8x128xf32, #tpu.memory_space<vmem>>
      %dma_start3A_1197 = tpu.memref_squeeze %dma_start3A_1196 : memref<1x8x128xf32, #tpu.memory_space<vmem>> -> memref<8x128xf32, #tpu.memory_space<vmem>>
      %dma_start3A_1198 = arith.constant 0 : i32
      %dma_start3A_1199 = arith.constant 0 : i32
      %dma_start3A_1200 = tpu.memref_slice %arg7[%add3A_501, %dma_start3A_1193, %add3A, %dma_start3A_1198, %dma_start3A_1199] : memref<199x8x32x8x128xf32, #tpu.memory_space<hbm>> -> memref<1x1x1x8x128xf32, #tpu.memory_space<hbm>>
      %dma_start3A_1201 = tpu.memref_squeeze %dma_start3A_1200 : memref<1x1x1x8x128xf32, #tpu.memory_space<hbm>> -> memref<8x128xf32, #tpu.memory_space<hbm>>
      %dma_start3A_1202 = arith.constant 0 : i32
      %dma_start3A_1203 = arith.constant 0 : i32
      %dma_start3A_1204 = tpu.memref_slice %arg7[%add3A_501, %dma_start3A_1193, %add3A, %dma_start3A_1202, %dma_start3A_1203] : memref<199x8x32x8x128xf32, #tpu.memory_space<hbm>> -> memref<1x1x1x8x128xf32, #tpu.memory_space<hbm>>
      %dma_start3A_1205 = tpu.memref_squeeze %dma_start3A_1204 : memref<1x1x1x8x128xf32, #tpu.memory_space<hbm>> -> memref<8x128xf32, #tpu.memory_space<hbm>>
      %dma_start3A_1206 = arith.constant 0 : i32
      %dma_start3A_1207 = arith.constant 0 : i32
      %dma_start3A_1208 = tpu.memref_slice %arg21[%dma_start3A_1192, %dma_start3A_1206, %dma_start3A_1207] : memref<8x8x129xf32, #tpu.memory_space<vmem>> -> memref<1x8x128xf32, #tpu.memory_space<vmem>>
      %dma_start3A_1209 = tpu.memref_squeeze %dma_start3A_1208 : memref<1x8x128xf32, #tpu.memory_space<vmem>> -> memref<8x128xf32, #tpu.memory_space<vmem>>
      tpu.enqueue_dma source(%dma_start3A_1209 : memref<8x128xf32, #tpu.memory_space<vmem>>) target(%dma_start3A_1205 : memref<8x128xf32, #tpu.memory_space<hbm>>) target_semaphore(%arg27 : memref<!tpu.dma_semaphore, #tpu.memory_space<semaphore_mem>>)
      %dma_start3A_1210 = arith.constant 2 : i32
      %dma_start3A_1211 = arith.constant 2 : i32
      %dma_start3A_1212 = arith.constant 0 : i32
      %dma_start3A_1213 = arith.constant 0 : i32
      %dma_start3A_1214 = tpu.memref_slice %arg21[%dma_start3A_1210, %dma_start3A_1212, %dma_start3A_1213] : memref<8x8x129xf32, #tpu.memory_space<vmem>> -> memref<1x8x128xf32, #tpu.memory_space<vmem>>
      %dma_start3A_1215 = tpu.memref_squeeze %dma_start3A_1214 : memref<1x8x128xf32, #tpu.memory_space<vmem>> -> memref<8x128xf32, #tpu.memory_space<vmem>>
      %dma_start3A_1216 = arith.constant 0 : i32
      %dma_start3A_1217 = arith.constant 0 : i32
      %dma_start3A_1218 = tpu.memref_slice %arg7[%add3A_501, %dma_start3A_1211, %add3A, %dma_start3A_1216, %dma_start3A_1217] : memref<199x8x32x8x128xf32, #tpu.memory_space<hbm>> -> memref<1x1x1x8x128xf32, #tpu.memory_space<hbm>>
      %dma_start3A_1219 = tpu.memref_squeeze %dma_start3A_1218 : memref<1x1x1x8x128xf32, #tpu.memory_space<hbm>> -> memref<8x128xf32, #tpu.memory_space<hbm>>
      %dma_start3A_1220 = arith.constant 0 : i32
      %dma_start3A_1221 = arith.constant 0 : i32
      %dma_start3A_1222 = tpu.memref_slice %arg7[%add3A_501, %dma_start3A_1211, %add3A, %dma_start3A_1220, %dma_start3A_1221] : memref<199x8x32x8x128xf32, #tpu.memory_space<hbm>> -> memref<1x1x1x8x128xf32, #tpu.memory_space<hbm>>
      %dma_start3A_1223 = tpu.memref_squeeze %dma_start3A_1222 : memref<1x1x1x8x128xf32, #tpu.memory_space<hbm>> -> memref<8x128xf32, #tpu.memory_space<hbm>>
      %dma_start3A_1224 = arith.constant 0 : i32
      %dma_start3A_1225 = arith.constant 0 : i32
      %dma_start3A_1226 = tpu.memref_slice %arg21[%dma_start3A_1210, %dma_start3A_1224, %dma_start3A_1225] : memref<8x8x129xf32, #tpu.memory_space<vmem>> -> memref<1x8x128xf32, #tpu.memory_space<vmem>>
      %dma_start3A_1227 = tpu.memref_squeeze %dma_start3A_1226 : memref<1x8x128xf32, #tpu.memory_space<vmem>> -> memref<8x128xf32, #tpu.memory_space<vmem>>
      tpu.enqueue_dma source(%dma_start3A_1227 : memref<8x128xf32, #tpu.memory_space<vmem>>) target(%dma_start3A_1223 : memref<8x128xf32, #tpu.memory_space<hbm>>) target_semaphore(%arg27 : memref<!tpu.dma_semaphore, #tpu.memory_space<semaphore_mem>>)
      %dma_start3A_1228 = arith.constant 3 : i32
      %dma_start3A_1229 = arith.constant 3 : i32
      %dma_start3A_1230 = arith.constant 0 : i32
      %dma_start3A_1231 = arith.constant 0 : i32
      %dma_start3A_1232 = tpu.memref_slice %arg21[%dma_start3A_1228, %dma_start3A_1230, %dma_start3A_1231] : memref<8x8x129xf32, #tpu.memory_space<vmem>> -> memref<1x8x128xf32, #tpu.memory_space<vmem>>
      %dma_start3A_1233 = tpu.memref_squeeze %dma_start3A_1232 : memref<1x8x128xf32, #tpu.memory_space<vmem>> -> memref<8x128xf32, #tpu.memory_space<vmem>>
      %dma_start3A_1234 = arith.constant 0 : i32
      %dma_start3A_1235 = arith.constant 0 : i32
      %dma_start3A_1236 = tpu.memref_slice %arg7[%add3A_501, %dma_start3A_1229, %add3A, %dma_start3A_1234, %dma_start3A_1235] : memref<199x8x32x8x128xf32, #tpu.memory_space<hbm>> -> memref<1x1x1x8x128xf32, #tpu.memory_space<hbm>>
      %dma_start3A_1237 = tpu.memref_squeeze %dma_start3A_1236 : memref<1x1x1x8x128xf32, #tpu.memory_space<hbm>> -> memref<8x128xf32, #tpu.memory_space<hbm>>
      %dma_start3A_1238 = arith.constant 0 : i32
      %dma_start3A_1239 = arith.constant 0 : i32
      %dma_start3A_1240 = tpu.memref_slice %arg7[%add3A_501, %dma_start3A_1229, %add3A, %dma_start3A_1238, %dma_start3A_1239] : memref<199x8x32x8x128xf32, #tpu.memory_space<hbm>> -> memref<1x1x1x8x128xf32, #tpu.memory_space<hbm>>
      %dma_start3A_1241 = tpu.memref_squeeze %dma_start3A_1240 : memref<1x1x1x8x128xf32, #tpu.memory_space<hbm>> -> memref<8x128xf32, #tpu.memory_space<hbm>>
      %dma_start3A_1242 = arith.constant 0 : i32
      %dma_start3A_1243 = arith.constant 0 : i32
      %dma_start3A_1244 = tpu.memref_slice %arg21[%dma_start3A_1228, %dma_start3A_1242, %dma_start3A_1243] : memref<8x8x129xf32, #tpu.memory_space<vmem>> -> memref<1x8x128xf32, #tpu.memory_space<vmem>>
      %dma_start3A_1245 = tpu.memref_squeeze %dma_start3A_1244 : memref<1x8x128xf32, #tpu.memory_space<vmem>> -> memref<8x128xf32, #tpu.memory_space<vmem>>
      tpu.enqueue_dma source(%dma_start3A_1245 : memref<8x128xf32, #tpu.memory_space<vmem>>) target(%dma_start3A_1241 : memref<8x128xf32, #tpu.memory_space<hbm>>) target_semaphore(%arg27 : memref<!tpu.dma_semaphore, #tpu.memory_space<semaphore_mem>>)
      %dma_start3A_1246 = arith.constant 4 : i32
      %dma_start3A_1247 = arith.constant 4 : i32
      %dma_start3A_1248 = arith.constant 0 : i32
      %dma_start3A_1249 = arith.constant 0 : i32
      %dma_start3A_1250 = tpu.memref_slice %arg21[%dma_start3A_1246, %dma_start3A_1248, %dma_start3A_1249] : memref<8x8x129xf32, #tpu.memory_space<vmem>> -> memref<1x8x128xf32, #tpu.memory_space<vmem>>
      %dma_start3A_1251 = tpu.memref_squeeze %dma_start3A_1250 : memref<1x8x128xf32, #tpu.memory_space<vmem>> -> memref<8x128xf32, #tpu.memory_space<vmem>>
      %dma_start3A_1252 = arith.constant 0 : i32
      %dma_start3A_1253 = arith.constant 0 : i32
      %dma_start3A_1254 = tpu.memref_slice %arg7[%add3A_501, %dma_start3A_1247, %add3A, %dma_start3A_1252, %dma_start3A_1253] : memref<199x8x32x8x128xf32, #tpu.memory_space<hbm>> -> memref<1x1x1x8x128xf32, #tpu.memory_space<hbm>>
      %dma_start3A_1255 = tpu.memref_squeeze %dma_start3A_1254 : memref<1x1x1x8x128xf32, #tpu.memory_space<hbm>> -> memref<8x128xf32, #tpu.memory_space<hbm>>
      %dma_start3A_1256 = arith.constant 0 : i32
      %dma_start3A_1257 = arith.constant 0 : i32
      %dma_start3A_1258 = tpu.memref_slice %arg7[%add3A_501, %dma_start3A_1247, %add3A, %dma_start3A_1256, %dma_start3A_1257] : memref<199x8x32x8x128xf32, #tpu.memory_space<hbm>> -> memref<1x1x1x8x128xf32, #tpu.memory_space<hbm>>
      %dma_start3A_1259 = tpu.memref_squeeze %dma_start3A_1258 : memref<1x1x1x8x128xf32, #tpu.memory_space<hbm>> -> memref<8x128xf32, #tpu.memory_space<hbm>>
      %dma_start3A_1260 = arith.constant 0 : i32
      %dma_start3A_1261 = arith.constant 0 : i32
      %dma_start3A_1262 = tpu.memref_slice %arg21[%dma_start3A_1246, %dma_start3A_1260, %dma_start3A_1261] : memref<8x8x129xf32, #tpu.memory_space<vmem>> -> memref<1x8x128xf32, #tpu.memory_space<vmem>>
      %dma_start3A_1263 = tpu.memref_squeeze %dma_start3A_1262 : memref<1x8x128xf32, #tpu.memory_space<vmem>> -> memref<8x128xf32, #tpu.memory_space<vmem>>
      tpu.enqueue_dma source(%dma_start3A_1263 : memref<8x128xf32, #tpu.memory_space<vmem>>) target(%dma_start3A_1259 : memref<8x128xf32, #tpu.memory_space<hbm>>) target_semaphore(%arg27 : memref<!tpu.dma_semaphore, #tpu.memory_space<semaphore_mem>>)
      %dma_start3A_1264 = arith.constant 5 : i32
      %dma_start3A_1265 = arith.constant 5 : i32
      %dma_start3A_1266 = arith.constant 0 : i32
      %dma_start3A_1267 = arith.constant 0 : i32
      %dma_start3A_1268 = tpu.memref_slice %arg21[%dma_start3A_1264, %dma_start3A_1266, %dma_start3A_1267] : memref<8x8x129xf32, #tpu.memory_space<vmem>> -> memref<1x8x128xf32, #tpu.memory_space<vmem>>
      %dma_start3A_1269 = tpu.memref_squeeze %dma_start3A_1268 : memref<1x8x128xf32, #tpu.memory_space<vmem>> -> memref<8x128xf32, #tpu.memory_space<vmem>>
      %dma_start3A_1270 = arith.constant 0 : i32
      %dma_start3A_1271 = arith.constant 0 : i32
      %dma_start3A_1272 = tpu.memref_slice %arg7[%add3A_501, %dma_start3A_1265, %add3A, %dma_start3A_1270, %dma_start3A_1271] : memref<199x8x32x8x128xf32, #tpu.memory_space<hbm>> -> memref<1x1x1x8x128xf32, #tpu.memory_space<hbm>>
      %dma_start3A_1273 = tpu.memref_squeeze %dma_start3A_1272 : memref<1x1x1x8x128xf32, #tpu.memory_space<hbm>> -> memref<8x128xf32, #tpu.memory_space<hbm>>
      %dma_start3A_1274 = arith.constant 0 : i32
      %dma_start3A_1275 = arith.constant 0 : i32
      %dma_start3A_1276 = tpu.memref_slice %arg7[%add3A_501, %dma_start3A_1265, %add3A, %dma_start3A_1274, %dma_start3A_1275] : memref<199x8x32x8x128xf32, #tpu.memory_space<hbm>> -> memref<1x1x1x8x128xf32, #tpu.memory_space<hbm>>
      %dma_start3A_1277 = tpu.memref_squeeze %dma_start3A_1276 : memref<1x1x1x8x128xf32, #tpu.memory_space<hbm>> -> memref<8x128xf32, #tpu.memory_space<hbm>>
      %dma_start3A_1278 = arith.constant 0 : i32
      %dma_start3A_1279 = arith.constant 0 : i32
      %dma_start3A_1280 = tpu.memref_slice %arg21[%dma_start3A_1264, %dma_start3A_1278, %dma_start3A_1279] : memref<8x8x129xf32, #tpu.memory_space<vmem>> -> memref<1x8x128xf32, #tpu.memory_space<vmem>>
      %dma_start3A_1281 = tpu.memref_squeeze %dma_start3A_1280 : memref<1x8x128xf32, #tpu.memory_space<vmem>> -> memref<8x128xf32, #tpu.memory_space<vmem>>
      tpu.enqueue_dma source(%dma_start3A_1281 : memref<8x128xf32, #tpu.memory_space<vmem>>) target(%dma_start3A_1277 : memref<8x128xf32, #tpu.memory_space<hbm>>) target_semaphore(%arg27 : memref<!tpu.dma_semaphore, #tpu.memory_space<semaphore_mem>>)
      %dma_start3A_1282 = arith.constant 6 : i32
      %dma_start3A_1283 = arith.constant 6 : i32
      %dma_start3A_1284 = arith.constant 0 : i32
      %dma_start3A_1285 = arith.constant 0 : i32
      %dma_start3A_1286 = tpu.memref_slice %arg21[%dma_start3A_1282, %dma_start3A_1284, %dma_start3A_1285] : memref<8x8x129xf32, #tpu.memory_space<vmem>> -> memref<1x8x128xf32, #tpu.memory_space<vmem>>
      %dma_start3A_1287 = tpu.memref_squeeze %dma_start3A_1286 : memref<1x8x128xf32, #tpu.memory_space<vmem>> -> memref<8x128xf32, #tpu.memory_space<vmem>>
      %dma_start3A_1288 = arith.constant 0 : i32
      %dma_start3A_1289 = arith.constant 0 : i32
      %dma_start3A_1290 = tpu.memref_slice %arg7[%add3A_501, %dma_start3A_1283, %add3A, %dma_start3A_1288, %dma_start3A_1289] : memref<199x8x32x8x128xf32, #tpu.memory_space<hbm>> -> memref<1x1x1x8x128xf32, #tpu.memory_space<hbm>>
      %dma_start3A_1291 = tpu.memref_squeeze %dma_start3A_1290 : memref<1x1x1x8x128xf32, #tpu.memory_space<hbm>> -> memref<8x128xf32, #tpu.memory_space<hbm>>
      %dma_start3A_1292 = arith.constant 0 : i32
      %dma_start3A_1293 = arith.constant 0 : i32
      %dma_start3A_1294 = tpu.memref_slice %arg7[%add3A_501, %dma_start3A_1283, %add3A, %dma_start3A_1292, %dma_start3A_1293] : memref<199x8x32x8x128xf32, #tpu.memory_space<hbm>> -> memref<1x1x1x8x128xf32, #tpu.memory_space<hbm>>
      %dma_start3A_1295 = tpu.memref_squeeze %dma_start3A_1294 : memref<1x1x1x8x128xf32, #tpu.memory_space<hbm>> -> memref<8x128xf32, #tpu.memory_space<hbm>>
      %dma_start3A_1296 = arith.constant 0 : i32
      %dma_start3A_1297 = arith.constant 0 : i32
      %dma_start3A_1298 = tpu.memref_slice %arg21[%dma_start3A_1282, %dma_start3A_1296, %dma_start3A_1297] : memref<8x8x129xf32, #tpu.memory_space<vmem>> -> memref<1x8x128xf32, #tpu.memory_space<vmem>>
      %dma_start3A_1299 = tpu.memref_squeeze %dma_start3A_1298 : memref<1x8x128xf32, #tpu.memory_space<vmem>> -> memref<8x128xf32, #tpu.memory_space<vmem>>
      tpu.enqueue_dma source(%dma_start3A_1299 : memref<8x128xf32, #tpu.memory_space<vmem>>) target(%dma_start3A_1295 : memref<8x128xf32, #tpu.memory_space<hbm>>) target_semaphore(%arg27 : memref<!tpu.dma_semaphore, #tpu.memory_space<semaphore_mem>>)
      %dma_start3A_1300 = arith.constant 7 : i32
      %dma_start3A_1301 = arith.constant 7 : i32
      %dma_start3A_1302 = arith.constant 0 : i32
      %dma_start3A_1303 = arith.constant 0 : i32
      %dma_start3A_1304 = tpu.memref_slice %arg21[%dma_start3A_1300, %dma_start3A_1302, %dma_start3A_1303] : memref<8x8x129xf32, #tpu.memory_space<vmem>> -> memref<1x8x128xf32, #tpu.memory_space<vmem>>
      %dma_start3A_1305 = tpu.memref_squeeze %dma_start3A_1304 : memref<1x8x128xf32, #tpu.memory_space<vmem>> -> memref<8x128xf32, #tpu.memory_space<vmem>>
      %dma_start3A_1306 = arith.constant 0 : i32
      %dma_start3A_1307 = arith.constant 0 : i32
      %dma_start3A_1308 = tpu.memref_slice %arg7[%add3A_501, %dma_start3A_1301, %add3A, %dma_start3A_1306, %dma_start3A_1307] : memref<199x8x32x8x128xf32, #tpu.memory_space<hbm>> -> memref<1x1x1x8x128xf32, #tpu.memory_space<hbm>>
      %dma_start3A_1309 = tpu.memref_squeeze %dma_start3A_1308 : memref<1x1x1x8x128xf32, #tpu.memory_space<hbm>> -> memref<8x128xf32, #tpu.memory_space<hbm>>
      %dma_start3A_1310 = arith.constant 0 : i32
      %dma_start3A_1311 = arith.constant 0 : i32
      %dma_start3A_1312 = tpu.memref_slice %arg7[%add3A_501, %dma_start3A_1301, %add3A, %dma_start3A_1310, %dma_start3A_1311] : memref<199x8x32x8x128xf32, #tpu.memory_space<hbm>> -> memref<1x1x1x8x128xf32, #tpu.memory_space<hbm>>
      %dma_start3A_1313 = tpu.memref_squeeze %dma_start3A_1312 : memref<1x1x1x8x128xf32, #tpu.memory_space<hbm>> -> memref<8x128xf32, #tpu.memory_space<hbm>>
      %dma_start3A_1314 = arith.constant 0 : i32
      %dma_start3A_1315 = arith.constant 0 : i32
      %dma_start3A_1316 = tpu.memref_slice %arg21[%dma_start3A_1300, %dma_start3A_1314, %dma_start3A_1315] : memref<8x8x129xf32, #tpu.memory_space<vmem>> -> memref<1x8x128xf32, #tpu.memory_space<vmem>>
      %dma_start3A_1317 = tpu.memref_squeeze %dma_start3A_1316 : memref<1x8x128xf32, #tpu.memory_space<vmem>> -> memref<8x128xf32, #tpu.memory_space<vmem>>
      tpu.enqueue_dma source(%dma_start3A_1317 : memref<8x128xf32, #tpu.memory_space<vmem>>) target(%dma_start3A_1313 : memref<8x128xf32, #tpu.memory_space<hbm>>) target_semaphore(%arg27 : memref<!tpu.dma_semaphore, #tpu.memory_space<semaphore_mem>>)
      %dma_wait3A_1318 = arith.constant 0 : i32
      %dma_wait3A_1319 = arith.constant 0 : i32
      %dma_wait3A_1320 = arith.constant 0 : i32
      %dma_wait3A_1321 = arith.constant 0 : i32
      %dma_wait3A_1322 = tpu.memref_slice %arg21[%dma_wait3A_1318, %dma_wait3A_1320, %dma_wait3A_1321] : memref<8x8x129xf32, #tpu.memory_space<vmem>> -> memref<1x8x128xf32, #tpu.memory_space<vmem>>
      %dma_wait3A_1323 = tpu.memref_squeeze %dma_wait3A_1322 : memref<1x8x128xf32, #tpu.memory_space<vmem>> -> memref<8x128xf32, #tpu.memory_space<vmem>>
      %dma_wait3A_1324 = arith.constant 0 : i32
      %dma_wait3A_1325 = arith.constant 0 : i32
      %dma_wait3A_1326 = tpu.memref_slice %arg7[%add3A_501, %dma_wait3A_1319, %add3A, %dma_wait3A_1324, %dma_wait3A_1325] : memref<199x8x32x8x128xf32, #tpu.memory_space<hbm>> -> memref<1x1x1x8x128xf32, #tpu.memory_space<hbm>>
      %dma_wait3A_1327 = tpu.memref_squeeze %dma_wait3A_1326 : memref<1x1x1x8x128xf32, #tpu.memory_space<hbm>> -> memref<8x128xf32, #tpu.memory_space<hbm>>
      %dma_wait3A_1328 = arith.constant 0 : i32
      %dma_wait3A_1329 = arith.constant 0 : i32
      %dma_wait3A_1330 = tpu.memref_slice %arg7[%add3A_501, %dma_wait3A_1319, %add3A, %dma_wait3A_1328, %dma_wait3A_1329] : memref<199x8x32x8x128xf32, #tpu.memory_space<hbm>> -> memref<1x1x1x8x128xf32, #tpu.memory_space<hbm>>
      %dma_wait3A_1331 = tpu.memref_squeeze %dma_wait3A_1330 : memref<1x1x1x8x128xf32, #tpu.memory_space<hbm>> -> memref<8x128xf32, #tpu.memory_space<hbm>>
      %dma_wait3A_1332 = arith.constant 0 : i32
      %dma_wait3A_1333 = arith.constant 0 : i32
      %dma_wait3A_1334 = tpu.memref_slice %arg21[%dma_wait3A_1318, %dma_wait3A_1332, %dma_wait3A_1333] : memref<8x8x129xf32, #tpu.memory_space<vmem>> -> memref<1x8x128xf32, #tpu.memory_space<vmem>>
      %dma_wait3A_1335 = tpu.memref_squeeze %dma_wait3A_1334 : memref<1x8x128xf32, #tpu.memory_space<vmem>> -> memref<8x128xf32, #tpu.memory_space<vmem>>
      tpu.wait_dma2 semaphore(%arg27 : memref<!tpu.dma_semaphore, #tpu.memory_space<semaphore_mem>>) src(%dma_wait3A_1335 : memref<8x128xf32, #tpu.memory_space<vmem>>) dst(%dma_wait3A_1331 : memref<8x128xf32, #tpu.memory_space<hbm>>)
      %dma_wait3A_1336 = arith.constant 1 : i32
      %dma_wait3A_1337 = arith.constant 1 : i32
      %dma_wait3A_1338 = arith.constant 0 : i32
      %dma_wait3A_1339 = arith.constant 0 : i32
      %dma_wait3A_1340 = tpu.memref_slice %arg21[%dma_wait3A_1336, %dma_wait3A_1338, %dma_wait3A_1339] : memref<8x8x129xf32, #tpu.memory_space<vmem>> -> memref<1x8x128xf32, #tpu.memory_space<vmem>>
      %dma_wait3A_1341 = tpu.memref_squeeze %dma_wait3A_1340 : memref<1x8x128xf32, #tpu.memory_space<vmem>> -> memref<8x128xf32, #tpu.memory_space<vmem>>
      %dma_wait3A_1342 = arith.constant 0 : i32
      %dma_wait3A_1343 = arith.constant 0 : i32
      %dma_wait3A_1344 = tpu.memref_slice %arg7[%add3A_501, %dma_wait3A_1337, %add3A, %dma_wait3A_1342, %dma_wait3A_1343] : memref<199x8x32x8x128xf32, #tpu.memory_space<hbm>> -> memref<1x1x1x8x128xf32, #tpu.memory_space<hbm>>
      %dma_wait3A_1345 = tpu.memref_squeeze %dma_wait3A_1344 : memref<1x1x1x8x128xf32, #tpu.memory_space<hbm>> -> memref<8x128xf32, #tpu.memory_space<hbm>>
      %dma_wait3A_1346 = arith.constant 0 : i32
      %dma_wait3A_1347 = arith.constant 0 : i32
      %dma_wait3A_1348 = tpu.memref_slice %arg7[%add3A_501, %dma_wait3A_1337, %add3A, %dma_wait3A_1346, %dma_wait3A_1347] : memref<199x8x32x8x128xf32, #tpu.memory_space<hbm>> -> memref<1x1x1x8x128xf32, #tpu.memory_space<hbm>>
      %dma_wait3A_1349 = tpu.memref_squeeze %dma_wait3A_1348 : memref<1x1x1x8x128xf32, #tpu.memory_space<hbm>> -> memref<8x128xf32, #tpu.memory_space<hbm>>
      %dma_wait3A_1350 = arith.constant 0 : i32
      %dma_wait3A_1351 = arith.constant 0 : i32
      %dma_wait3A_1352 = tpu.memref_slice %arg21[%dma_wait3A_1336, %dma_wait3A_1350, %dma_wait3A_1351] : memref<8x8x129xf32, #tpu.memory_space<vmem>> -> memref<1x8x128xf32, #tpu.memory_space<vmem>>
      %dma_wait3A_1353 = tpu.memref_squeeze %dma_wait3A_1352 : memref<1x8x128xf32, #tpu.memory_space<vmem>> -> memref<8x128xf32, #tpu.memory_space<vmem>>
      tpu.wait_dma2 semaphore(%arg27 : memref<!tpu.dma_semaphore, #tpu.memory_space<semaphore_mem>>) src(%dma_wait3A_1353 : memref<8x128xf32, #tpu.memory_space<vmem>>) dst(%dma_wait3A_1349 : memref<8x128xf32, #tpu.memory_space<hbm>>)
      %dma_wait3A_1354 = arith.constant 2 : i32
      %dma_wait3A_1355 = arith.constant 2 : i32
      %dma_wait3A_1356 = arith.constant 0 : i32
      %dma_wait3A_1357 = arith.constant 0 : i32
      %dma_wait3A_1358 = tpu.memref_slice %arg21[%dma_wait3A_1354, %dma_wait3A_1356, %dma_wait3A_1357] : memref<8x8x129xf32, #tpu.memory_space<vmem>> -> memref<1x8x128xf32, #tpu.memory_space<vmem>>
      %dma_wait3A_1359 = tpu.memref_squeeze %dma_wait3A_1358 : memref<1x8x128xf32, #tpu.memory_space<vmem>> -> memref<8x128xf32, #tpu.memory_space<vmem>>
      %dma_wait3A_1360 = arith.constant 0 : i32
      %dma_wait3A_1361 = arith.constant 0 : i32
      %dma_wait3A_1362 = tpu.memref_slice %arg7[%add3A_501, %dma_wait3A_1355, %add3A, %dma_wait3A_1360, %dma_wait3A_1361] : memref<199x8x32x8x128xf32, #tpu.memory_space<hbm>> -> memref<1x1x1x8x128xf32, #tpu.memory_space<hbm>>
      %dma_wait3A_1363 = tpu.memref_squeeze %dma_wait3A_1362 : memref<1x1x1x8x128xf32, #tpu.memory_space<hbm>> -> memref<8x128xf32, #tpu.memory_space<hbm>>
      %dma_wait3A_1364 = arith.constant 0 : i32
      %dma_wait3A_1365 = arith.constant 0 : i32
      %dma_wait3A_1366 = tpu.memref_slice %arg7[%add3A_501, %dma_wait3A_1355, %add3A, %dma_wait3A_1364, %dma_wait3A_1365] : memref<199x8x32x8x128xf32, #tpu.memory_space<hbm>> -> memref<1x1x1x8x128xf32, #tpu.memory_space<hbm>>
      %dma_wait3A_1367 = tpu.memref_squeeze %dma_wait3A_1366 : memref<1x1x1x8x128xf32, #tpu.memory_space<hbm>> -> memref<8x128xf32, #tpu.memory_space<hbm>>
      %dma_wait3A_1368 = arith.constant 0 : i32
      %dma_wait3A_1369 = arith.constant 0 : i32
      %dma_wait3A_1370 = tpu.memref_slice %arg21[%dma_wait3A_1354, %dma_wait3A_1368, %dma_wait3A_1369] : memref<8x8x129xf32, #tpu.memory_space<vmem>> -> memref<1x8x128xf32, #tpu.memory_space<vmem>>
      %dma_wait3A_1371 = tpu.memref_squeeze %dma_wait3A_1370 : memref<1x8x128xf32, #tpu.memory_space<vmem>> -> memref<8x128xf32, #tpu.memory_space<vmem>>
      tpu.wait_dma2 semaphore(%arg27 : memref<!tpu.dma_semaphore, #tpu.memory_space<semaphore_mem>>) src(%dma_wait3A_1371 : memref<8x128xf32, #tpu.memory_space<vmem>>) dst(%dma_wait3A_1367 : memref<8x128xf32, #tpu.memory_space<hbm>>)
      %dma_wait3A_1372 = arith.constant 3 : i32
      %dma_wait3A_1373 = arith.constant 3 : i32
      %dma_wait3A_1374 = arith.constant 0 : i32
      %dma_wait3A_1375 = arith.constant 0 : i32
      %dma_wait3A_1376 = tpu.memref_slice %arg21[%dma_wait3A_1372, %dma_wait3A_1374, %dma_wait3A_1375] : memref<8x8x129xf32, #tpu.memory_space<vmem>> -> memref<1x8x128xf32, #tpu.memory_space<vmem>>
      %dma_wait3A_1377 = tpu.memref_squeeze %dma_wait3A_1376 : memref<1x8x128xf32, #tpu.memory_space<vmem>> -> memref<8x128xf32, #tpu.memory_space<vmem>>
      %dma_wait3A_1378 = arith.constant 0 : i32
      %dma_wait3A_1379 = arith.constant 0 : i32
      %dma_wait3A_1380 = tpu.memref_slice %arg7[%add3A_501, %dma_wait3A_1373, %add3A, %dma_wait3A_1378, %dma_wait3A_1379] : memref<199x8x32x8x128xf32, #tpu.memory_space<hbm>> -> memref<1x1x1x8x128xf32, #tpu.memory_space<hbm>>
      %dma_wait3A_1381 = tpu.memref_squeeze %dma_wait3A_1380 : memref<1x1x1x8x128xf32, #tpu.memory_space<hbm>> -> memref<8x128xf32, #tpu.memory_space<hbm>>
      %dma_wait3A_1382 = arith.constant 0 : i32
      %dma_wait3A_1383 = arith.constant 0 : i32
      %dma_wait3A_1384 = tpu.memref_slice %arg7[%add3A_501, %dma_wait3A_1373, %add3A, %dma_wait3A_1382, %dma_wait3A_1383] : memref<199x8x32x8x128xf32, #tpu.memory_space<hbm>> -> memref<1x1x1x8x128xf32, #tpu.memory_space<hbm>>
      %dma_wait3A_1385 = tpu.memref_squeeze %dma_wait3A_1384 : memref<1x1x1x8x128xf32, #tpu.memory_space<hbm>> -> memref<8x128xf32, #tpu.memory_space<hbm>>
      %dma_wait3A_1386 = arith.constant 0 : i32
      %dma_wait3A_1387 = arith.constant 0 : i32
      %dma_wait3A_1388 = tpu.memref_slice %arg21[%dma_wait3A_1372, %dma_wait3A_1386, %dma_wait3A_1387] : memref<8x8x129xf32, #tpu.memory_space<vmem>> -> memref<1x8x128xf32, #tpu.memory_space<vmem>>
      %dma_wait3A_1389 = tpu.memref_squeeze %dma_wait3A_1388 : memref<1x8x128xf32, #tpu.memory_space<vmem>> -> memref<8x128xf32, #tpu.memory_space<vmem>>
      tpu.wait_dma2 semaphore(%arg27 : memref<!tpu.dma_semaphore, #tpu.memory_space<semaphore_mem>>) src(%dma_wait3A_1389 : memref<8x128xf32, #tpu.memory_space<vmem>>) dst(%dma_wait3A_1385 : memref<8x128xf32, #tpu.memory_space<hbm>>)
      %dma_wait3A_1390 = arith.constant 4 : i32
      %dma_wait3A_1391 = arith.constant 4 : i32
      %dma_wait3A_1392 = arith.constant 0 : i32
      %dma_wait3A_1393 = arith.constant 0 : i32
      %dma_wait3A_1394 = tpu.memref_slice %arg21[%dma_wait3A_1390, %dma_wait3A_1392, %dma_wait3A_1393] : memref<8x8x129xf32, #tpu.memory_space<vmem>> -> memref<1x8x128xf32, #tpu.memory_space<vmem>>
      %dma_wait3A_1395 = tpu.memref_squeeze %dma_wait3A_1394 : memref<1x8x128xf32, #tpu.memory_space<vmem>> -> memref<8x128xf32, #tpu.memory_space<vmem>>
      %dma_wait3A_1396 = arith.constant 0 : i32
      %dma_wait3A_1397 = arith.constant 0 : i32
      %dma_wait3A_1398 = tpu.memref_slice %arg7[%add3A_501, %dma_wait3A_1391, %add3A, %dma_wait3A_1396, %dma_wait3A_1397] : memref<199x8x32x8x128xf32, #tpu.memory_space<hbm>> -> memref<1x1x1x8x128xf32, #tpu.memory_space<hbm>>
      %dma_wait3A_1399 = tpu.memref_squeeze %dma_wait3A_1398 : memref<1x1x1x8x128xf32, #tpu.memory_space<hbm>> -> memref<8x128xf32, #tpu.memory_space<hbm>>
      %dma_wait3A_1400 = arith.constant 0 : i32
      %dma_wait3A_1401 = arith.constant 0 : i32
      %dma_wait3A_1402 = tpu.memref_slice %arg7[%add3A_501, %dma_wait3A_1391, %add3A, %dma_wait3A_1400, %dma_wait3A_1401] : memref<199x8x32x8x128xf32, #tpu.memory_space<hbm>> -> memref<1x1x1x8x128xf32, #tpu.memory_space<hbm>>
      %dma_wait3A_1403 = tpu.memref_squeeze %dma_wait3A_1402 : memref<1x1x1x8x128xf32, #tpu.memory_space<hbm>> -> memref<8x128xf32, #tpu.memory_space<hbm>>
      %dma_wait3A_1404 = arith.constant 0 : i32
      %dma_wait3A_1405 = arith.constant 0 : i32
      %dma_wait3A_1406 = tpu.memref_slice %arg21[%dma_wait3A_1390, %dma_wait3A_1404, %dma_wait3A_1405] : memref<8x8x129xf32, #tpu.memory_space<vmem>> -> memref<1x8x128xf32, #tpu.memory_space<vmem>>
      %dma_wait3A_1407 = tpu.memref_squeeze %dma_wait3A_1406 : memref<1x8x128xf32, #tpu.memory_space<vmem>> -> memref<8x128xf32, #tpu.memory_space<vmem>>
      tpu.wait_dma2 semaphore(%arg27 : memref<!tpu.dma_semaphore, #tpu.memory_space<semaphore_mem>>) src(%dma_wait3A_1407 : memref<8x128xf32, #tpu.memory_space<vmem>>) dst(%dma_wait3A_1403 : memref<8x128xf32, #tpu.memory_space<hbm>>)
      %dma_wait3A_1408 = arith.constant 5 : i32
      %dma_wait3A_1409 = arith.constant 5 : i32
      %dma_wait3A_1410 = arith.constant 0 : i32
      %dma_wait3A_1411 = arith.constant 0 : i32
      %dma_wait3A_1412 = tpu.memref_slice %arg21[%dma_wait3A_1408, %dma_wait3A_1410, %dma_wait3A_1411] : memref<8x8x129xf32, #tpu.memory_space<vmem>> -> memref<1x8x128xf32, #tpu.memory_space<vmem>>
      %dma_wait3A_1413 = tpu.memref_squeeze %dma_wait3A_1412 : memref<1x8x128xf32, #tpu.memory_space<vmem>> -> memref<8x128xf32, #tpu.memory_space<vmem>>
      %dma_wait3A_1414 = arith.constant 0 : i32
      %dma_wait3A_1415 = arith.constant 0 : i32
      %dma_wait3A_1416 = tpu.memref_slice %arg7[%add3A_501, %dma_wait3A_1409, %add3A, %dma_wait3A_1414, %dma_wait3A_1415] : memref<199x8x32x8x128xf32, #tpu.memory_space<hbm>> -> memref<1x1x1x8x128xf32, #tpu.memory_space<hbm>>
      %dma_wait3A_1417 = tpu.memref_squeeze %dma_wait3A_1416 : memref<1x1x1x8x128xf32, #tpu.memory_space<hbm>> -> memref<8x128xf32, #tpu.memory_space<hbm>>
      %dma_wait3A_1418 = arith.constant 0 : i32
      %dma_wait3A_1419 = arith.constant 0 : i32
      %dma_wait3A_1420 = tpu.memref_slice %arg7[%add3A_501, %dma_wait3A_1409, %add3A, %dma_wait3A_1418, %dma_wait3A_1419] : memref<199x8x32x8x128xf32, #tpu.memory_space<hbm>> -> memref<1x1x1x8x128xf32, #tpu.memory_space<hbm>>
      %dma_wait3A_1421 = tpu.memref_squeeze %dma_wait3A_1420 : memref<1x1x1x8x128xf32, #tpu.memory_space<hbm>> -> memref<8x128xf32, #tpu.memory_space<hbm>>
      %dma_wait3A_1422 = arith.constant 0 : i32
      %dma_wait3A_1423 = arith.constant 0 : i32
      %dma_wait3A_1424 = tpu.memref_slice %arg21[%dma_wait3A_1408, %dma_wait3A_1422, %dma_wait3A_1423] : memref<8x8x129xf32, #tpu.memory_space<vmem>> -> memref<1x8x128xf32, #tpu.memory_space<vmem>>
      %dma_wait3A_1425 = tpu.memref_squeeze %dma_wait3A_1424 : memref<1x8x128xf32, #tpu.memory_space<vmem>> -> memref<8x128xf32, #tpu.memory_space<vmem>>
      tpu.wait_dma2 semaphore(%arg27 : memref<!tpu.dma_semaphore, #tpu.memory_space<semaphore_mem>>) src(%dma_wait3A_1425 : memref<8x128xf32, #tpu.memory_space<vmem>>) dst(%dma_wait3A_1421 : memref<8x128xf32, #tpu.memory_space<hbm>>)
      %dma_wait3A_1426 = arith.constant 6 : i32
      %dma_wait3A_1427 = arith.constant 6 : i32
      %dma_wait3A_1428 = arith.constant 0 : i32
      %dma_wait3A_1429 = arith.constant 0 : i32
      %dma_wait3A_1430 = tpu.memref_slice %arg21[%dma_wait3A_1426, %dma_wait3A_1428, %dma_wait3A_1429] : memref<8x8x129xf32, #tpu.memory_space<vmem>> -> memref<1x8x128xf32, #tpu.memory_space<vmem>>
      %dma_wait3A_1431 = tpu.memref_squeeze %dma_wait3A_1430 : memref<1x8x128xf32, #tpu.memory_space<vmem>> -> memref<8x128xf32, #tpu.memory_space<vmem>>
      %dma_wait3A_1432 = arith.constant 0 : i32
      %dma_wait3A_1433 = arith.constant 0 : i32
      %dma_wait3A_1434 = tpu.memref_slice %arg7[%add3A_501, %dma_wait3A_1427, %add3A, %dma_wait3A_1432, %dma_wait3A_1433] : memref<199x8x32x8x128xf32, #tpu.memory_space<hbm>> -> memref<1x1x1x8x128xf32, #tpu.memory_space<hbm>>
      %dma_wait3A_1435 = tpu.memref_squeeze %dma_wait3A_1434 : memref<1x1x1x8x128xf32, #tpu.memory_space<hbm>> -> memref<8x128xf32, #tpu.memory_space<hbm>>
      %dma_wait3A_1436 = arith.constant 0 : i32
      %dma_wait3A_1437 = arith.constant 0 : i32
      %dma_wait3A_1438 = tpu.memref_slice %arg7[%add3A_501, %dma_wait3A_1427, %add3A, %dma_wait3A_1436, %dma_wait3A_1437] : memref<199x8x32x8x128xf32, #tpu.memory_space<hbm>> -> memref<1x1x1x8x128xf32, #tpu.memory_space<hbm>>
      %dma_wait3A_1439 = tpu.memref_squeeze %dma_wait3A_1438 : memref<1x1x1x8x128xf32, #tpu.memory_space<hbm>> -> memref<8x128xf32, #tpu.memory_space<hbm>>
      %dma_wait3A_1440 = arith.constant 0 : i32
      %dma_wait3A_1441 = arith.constant 0 : i32
      %dma_wait3A_1442 = tpu.memref_slice %arg21[%dma_wait3A_1426, %dma_wait3A_1440, %dma_wait3A_1441] : memref<8x8x129xf32, #tpu.memory_space<vmem>> -> memref<1x8x128xf32, #tpu.memory_space<vmem>>
      %dma_wait3A_1443 = tpu.memref_squeeze %dma_wait3A_1442 : memref<1x8x128xf32, #tpu.memory_space<vmem>> -> memref<8x128xf32, #tpu.memory_space<vmem>>
      tpu.wait_dma2 semaphore(%arg27 : memref<!tpu.dma_semaphore, #tpu.memory_space<semaphore_mem>>) src(%dma_wait3A_1443 : memref<8x128xf32, #tpu.memory_space<vmem>>) dst(%dma_wait3A_1439 : memref<8x128xf32, #tpu.memory_space<hbm>>)
      %dma_wait3A_1444 = arith.constant 7 : i32
      %dma_wait3A_1445 = arith.constant 7 : i32
      %dma_wait3A_1446 = arith.constant 0 : i32
      %dma_wait3A_1447 = arith.constant 0 : i32
      %dma_wait3A_1448 = tpu.memref_slice %arg21[%dma_wait3A_1444, %dma_wait3A_1446, %dma_wait3A_1447] : memref<8x8x129xf32, #tpu.memory_space<vmem>> -> memref<1x8x128xf32, #tpu.memory_space<vmem>>
      %dma_wait3A_1449 = tpu.memref_squeeze %dma_wait3A_1448 : memref<1x8x128xf32, #tpu.memory_space<vmem>> -> memref<8x128xf32, #tpu.memory_space<vmem>>
      %dma_wait3A_1450 = arith.constant 0 : i32
      %dma_wait3A_1451 = arith.constant 0 : i32
      %dma_wait3A_1452 = tpu.memref_slice %arg7[%add3A_501, %dma_wait3A_1445, %add3A, %dma_wait3A_1450, %dma_wait3A_1451] : memref<199x8x32x8x128xf32, #tpu.memory_space<hbm>> -> memref<1x1x1x8x128xf32, #tpu.memory_space<hbm>>
      %dma_wait3A_1453 = tpu.memref_squeeze %dma_wait3A_1452 : memref<1x1x1x8x128xf32, #tpu.memory_space<hbm>> -> memref<8x128xf32, #tpu.memory_space<hbm>>
      %dma_wait3A_1454 = arith.constant 0 : i32
      %dma_wait3A_1455 = arith.constant 0 : i32
      %dma_wait3A_1456 = tpu.memref_slice %arg7[%add3A_501, %dma_wait3A_1445, %add3A, %dma_wait3A_1454, %dma_wait3A_1455] : memref<199x8x32x8x128xf32, #tpu.memory_space<hbm>> -> memref<1x1x1x8x128xf32, #tpu.memory_space<hbm>>
      %dma_wait3A_1457 = tpu.memref_squeeze %dma_wait3A_1456 : memref<1x1x1x8x128xf32, #tpu.memory_space<hbm>> -> memref<8x128xf32, #tpu.memory_space<hbm>>
      %dma_wait3A_1458 = arith.constant 0 : i32
      %dma_wait3A_1459 = arith.constant 0 : i32
      %dma_wait3A_1460 = tpu.memref_slice %arg21[%dma_wait3A_1444, %dma_wait3A_1458, %dma_wait3A_1459] : memref<8x8x129xf32, #tpu.memory_space<vmem>> -> memref<1x8x128xf32, #tpu.memory_space<vmem>>
      %dma_wait3A_1461 = tpu.memref_squeeze %dma_wait3A_1460 : memref<1x8x128xf32, #tpu.memory_space<vmem>> -> memref<8x128xf32, #tpu.memory_space<vmem>>
      tpu.wait_dma2 semaphore(%arg27 : memref<!tpu.dma_semaphore, #tpu.memory_space<semaphore_mem>>) src(%dma_wait3A_1461 : memref<8x128xf32, #tpu.memory_space<vmem>>) dst(%dma_wait3A_1457 : memref<8x128xf32, #tpu.memory_space<hbm>>)
    }
    %scan3A_130 = arith.constant 99 : i32
    %dma_wait3A = arith.constant 0 : i32
    %dma_wait3A_131 = arith.constant 0 : i32
    %dma_wait3A_132 = tpu.memref_slice %arg8[%dma_wait3A, %dma_wait3A_131] : memref<4x128xi32, #tpu.memory_space<vmem>> -> memref<1x128xi32, #tpu.memory_space<vmem>>
    %dma_wait3A_133 = tpu.memref_squeeze %dma_wait3A_132 : memref<1x128xi32, #tpu.memory_space<vmem>> -> memref<128xi32, #tpu.memory_space<vmem>>
    %dma_wait3A_134 = arith.constant 0 : i32
    %dma_wait3A_135 = arith.constant 0 : i32
    %dma_wait3A_136 = tpu.memref_slice %arg3[%dma_wait3A_134, %dma_wait3A_135] : memref<100000x64xf32, #tpu.memory_space<hbm>> -> memref<100000x64xf32, #tpu.memory_space<hbm>>
    tpu.wait_indirect_dma semaphore(%arg22 : memref<!tpu.dma_semaphore, #tpu.memory_space<semaphore_mem>>) src(%dma_wait3A_136 : memref<100000x64xf32, #tpu.memory_space<hbm>>) dst(%arg12 : memref<128x64xf32, #tpu.memory_space<vmem>>)
    %dma_wait3A_137 = arith.constant 1 : i32
    %dma_wait3A_138 = arith.constant 0 : i32
    %dma_wait3A_139 = tpu.memref_slice %arg8[%dma_wait3A_137, %dma_wait3A_138] : memref<4x128xi32, #tpu.memory_space<vmem>> -> memref<1x128xi32, #tpu.memory_space<vmem>>
    %dma_wait3A_140 = tpu.memref_squeeze %dma_wait3A_139 : memref<1x128xi32, #tpu.memory_space<vmem>> -> memref<128xi32, #tpu.memory_space<vmem>>
    %dma_wait3A_141 = arith.constant 0 : i32
    %dma_wait3A_142 = arith.constant 0 : i32
    %dma_wait3A_143 = tpu.memref_slice %arg4[%dma_wait3A_141, %dma_wait3A_142] : memref<1000x64xf32, #tpu.memory_space<hbm>> -> memref<1000x64xf32, #tpu.memory_space<hbm>>
    tpu.wait_indirect_dma semaphore(%arg22 : memref<!tpu.dma_semaphore, #tpu.memory_space<semaphore_mem>>) src(%dma_wait3A_143 : memref<1000x64xf32, #tpu.memory_space<hbm>>) dst(%arg13 : memref<128x64xf32, #tpu.memory_space<vmem>>)
    %dma_wait3A_144 = arith.constant 2 : i32
    %dma_wait3A_145 = arith.constant 0 : i32
    %dma_wait3A_146 = tpu.memref_slice %arg8[%dma_wait3A_144, %dma_wait3A_145] : memref<4x128xi32, #tpu.memory_space<vmem>> -> memref<1x128xi32, #tpu.memory_space<vmem>>
    %dma_wait3A_147 = tpu.memref_squeeze %dma_wait3A_146 : memref<1x128xi32, #tpu.memory_space<vmem>> -> memref<128xi32, #tpu.memory_space<vmem>>
    %dma_wait3A_148 = arith.constant 0 : i32
    %dma_wait3A_149 = arith.constant 0 : i32
    %dma_wait3A_150 = tpu.memref_slice %arg5[%dma_wait3A_148, %dma_wait3A_149] : memref<1000x64xf32, #tpu.memory_space<hbm>> -> memref<1000x64xf32, #tpu.memory_space<hbm>>
    tpu.wait_indirect_dma semaphore(%arg22 : memref<!tpu.dma_semaphore, #tpu.memory_space<semaphore_mem>>) src(%dma_wait3A_150 : memref<1000x64xf32, #tpu.memory_space<hbm>>) dst(%arg14 : memref<128x64xf32, #tpu.memory_space<vmem>>)
    %dma_wait3A_151 = arith.constant 0 : i32
    %dma_wait3A_152 = arith.constant 0 : i32
    %dma_wait3A_153 = tpu.memref_slice %arg6[%dma_wait3A_151, %dma_wait3A_152] : memref<796x64xf32, #tpu.memory_space<hbm>> -> memref<796x64xf32, #tpu.memory_space<hbm>>
    tpu.wait_indirect_dma semaphore(%arg22 : memref<!tpu.dma_semaphore, #tpu.memory_space<semaphore_mem>>) src(%dma_wait3A_153 : memref<796x64xf32, #tpu.memory_space<hbm>>) dst(%arg15 : memref<128x64xf32, #tpu.memory_space<vmem>>)
    %iota3A = tpu.iota {dimensions = array<i32: 0>} : vector<16xi32>
    %add3A_154 = arith.constant 0 : i32
    %add3A_155 = vector.broadcast %add3A_154 : i32 to vector<16xi32>
    %add3A_156 = arith.addi %iota3A, %add3A_155 : vector<16xi32>
    %add3A_157 = arith.constant 16 : i32
    %add3A_158 = vector.broadcast %add3A_157 : i32 to vector<16xi32>
    %add3A_159 = arith.addi %iota3A, %add3A_158 : vector<16xi32>
    %add3A_160 = arith.constant 32 : i32
    %add3A_161 = vector.broadcast %add3A_160 : i32 to vector<16xi32>
    %add3A_162 = arith.addi %iota3A, %add3A_161 : vector<16xi32>
    %add3A_163 = arith.constant 48 : i32
    %add3A_164 = vector.broadcast %add3A_163 : i32 to vector<16xi32>
    %add3A_165 = arith.addi %iota3A, %add3A_164 : vector<16xi32>
    %shift_right_arithmetic3A = arith.constant 3 : i32
    %shift_right_arithmetic3A_166 = vector.broadcast %shift_right_arithmetic3A : i32 to vector<16xi32>
    %shift_right_arithmetic3A_167 = arith.shrsi %add3A_156, %shift_right_arithmetic3A_166 : vector<16xi32>
    %shift_right_arithmetic3A_168 = arith.constant 3 : i32
    %shift_right_arithmetic3A_169 = vector.broadcast %shift_right_arithmetic3A_168 : i32 to vector<16xi32>
    %shift_right_arithmetic3A_170 = arith.shrsi %add3A_159, %shift_right_arithmetic3A_169 : vector<16xi32>
    %shift_right_arithmetic3A_171 = arith.constant 3 : i32
    %shift_right_arithmetic3A_172 = vector.broadcast %shift_right_arithmetic3A_171 : i32 to vector<16xi32>
    %shift_right_arithmetic3A_173 = arith.shrsi %add3A_162, %shift_right_arithmetic3A_172 : vector<16xi32>
    %shift_right_arithmetic3A_174 = arith.constant 3 : i32
    %shift_right_arithmetic3A_175 = vector.broadcast %shift_right_arithmetic3A_174 : i32 to vector<16xi32>
    %shift_right_arithmetic3A_176 = arith.shrsi %add3A_165, %shift_right_arithmetic3A_175 : vector<16xi32>
    %and3A = arith.constant 7 : i32
    %and3A_177 = vector.broadcast %and3A : i32 to vector<16xi32>
    %and3A_178 = arith.andi %add3A_156, %and3A_177 : vector<16xi32>
    %and3A_179 = arith.constant 7 : i32
    %and3A_180 = vector.broadcast %and3A_179 : i32 to vector<16xi32>
    %and3A_181 = arith.andi %add3A_159, %and3A_180 : vector<16xi32>
    %and3A_182 = arith.constant 7 : i32
    %and3A_183 = vector.broadcast %and3A_182 : i32 to vector<16xi32>
    %and3A_184 = arith.andi %add3A_162, %and3A_183 : vector<16xi32>
    %and3A_185 = arith.constant 7 : i32
    %and3A_186 = vector.broadcast %and3A_185 : i32 to vector<16xi32>
    %and3A_187 = arith.andi %add3A_165, %and3A_186 : vector<16xi32>
    %scan3A_188 = arith.constant 0 : i32
    %scan3A_189 = arith.constant 128 : i32
    %scan3A_190 = arith.addi %scan3A_188, %scan3A_189 : i32
    %scan3A_191 = arith.constant 1 : i32
    scf.for %scan3A_497 = %scan3A_188 to %scan3A_190 step %scan3A_191  : i32 {
      %broadcast_in_dim3A = vector.broadcast %scan3A_497 : i32 to vector<16xi32>
      %get3A_498 = arith.index_cast %scan3A_497 : i32 to index
      %get3A_499 = arith.constant 0 : index
      %get3A_500 = tpu.vector_load %arg12[%get3A_498, %get3A_499] {strides = array<i32>} : memref<128x64xf32, #tpu.memory_space<vmem>>, vector<16xf32>,
      %get3A_501 = arith.index_cast %scan3A_497 : i32 to index
      %get3A_502 = arith.constant 0 : index
      %get3A_503 = tpu.vector_load %arg13[%get3A_501, %get3A_502] {strides = array<i32>} : memref<128x64xf32, #tpu.memory_space<vmem>>, vector<16xf32>,
      %add3A_504 = arith.addf %get3A_500, %get3A_503 : vector<16xf32>
      %get3A_505 = arith.index_cast %scan3A_497 : i32 to index
      %get3A_506 = arith.constant 0 : index
      %get3A_507 = tpu.vector_load %arg14[%get3A_505, %get3A_506] {strides = array<i32>} : memref<128x64xf32, #tpu.memory_space<vmem>>, vector<16xf32>,
      %get3A_508 = arith.index_cast %scan3A_497 : i32 to index
      %get3A_509 = arith.constant 0 : index
      %get3A_510 = tpu.vector_load %arg15[%get3A_508, %get3A_509] {strides = array<i32>} : memref<128x64xf32, #tpu.memory_space<vmem>>, vector<16xf32>,
      %add3A_511 = arith.addf %get3A_507, %get3A_510 : vector<16xf32>
      %add3A_512 = arith.addf %add3A_504, %add3A_511 : vector<16xf32>
      tpu.vector_store_idx %arg20[%shift_right_arithmetic3A_167, %and3A_178, %broadcast_in_dim3A], %add3A_512 : memref<8x8x129xf32, #tpu.memory_space<vmem>>[vector<16xi32>, vector<16xi32>, vector<16xi32>], vector<16xf32>,
      %get3A_513 = arith.index_cast %scan3A_497 : i32 to index
      %get3A_514 = arith.constant 16 : index
      %get3A_515 = tpu.vector_load %arg12[%get3A_513, %get3A_514] {strides = array<i32>} : memref<128x64xf32, #tpu.memory_space<vmem>>, vector<16xf32>,
      %get3A_516 = arith.index_cast %scan3A_497 : i32 to index
      %get3A_517 = arith.constant 16 : index
      %get3A_518 = tpu.vector_load %arg13[%get3A_516, %get3A_517] {strides = array<i32>} : memref<128x64xf32, #tpu.memory_space<vmem>>, vector<16xf32>,
      %add3A_519 = arith.addf %get3A_515, %get3A_518 : vector<16xf32>
      %get3A_520 = arith.index_cast %scan3A_497 : i32 to index
      %get3A_521 = arith.constant 16 : index
      %get3A_522 = tpu.vector_load %arg14[%get3A_520, %get3A_521] {strides = array<i32>} : memref<128x64xf32, #tpu.memory_space<vmem>>, vector<16xf32>,
      %get3A_523 = arith.index_cast %scan3A_497 : i32 to index
      %get3A_524 = arith.constant 16 : index
      %get3A_525 = tpu.vector_load %arg15[%get3A_523, %get3A_524] {strides = array<i32>} : memref<128x64xf32, #tpu.memory_space<vmem>>, vector<16xf32>,
      %add3A_526 = arith.addf %get3A_522, %get3A_525 : vector<16xf32>
      %add3A_527 = arith.addf %add3A_519, %add3A_526 : vector<16xf32>
      tpu.vector_store_idx %arg20[%shift_right_arithmetic3A_170, %and3A_181, %broadcast_in_dim3A], %add3A_527 : memref<8x8x129xf32, #tpu.memory_space<vmem>>[vector<16xi32>, vector<16xi32>, vector<16xi32>], vector<16xf32>,
      %get3A_528 = arith.index_cast %scan3A_497 : i32 to index
      %get3A_529 = arith.constant 32 : index
      %get3A_530 = tpu.vector_load %arg12[%get3A_528, %get3A_529] {strides = array<i32>} : memref<128x64xf32, #tpu.memory_space<vmem>>, vector<16xf32>,
      %get3A_531 = arith.index_cast %scan3A_497 : i32 to index
      %get3A_532 = arith.constant 32 : index
      %get3A_533 = tpu.vector_load %arg13[%get3A_531, %get3A_532] {strides = array<i32>} : memref<128x64xf32, #tpu.memory_space<vmem>>, vector<16xf32>,
      %add3A_534 = arith.addf %get3A_530, %get3A_533 : vector<16xf32>
      %get3A_535 = arith.index_cast %scan3A_497 : i32 to index
      %get3A_536 = arith.constant 32 : index
      %get3A_537 = tpu.vector_load %arg14[%get3A_535, %get3A_536] {strides = array<i32>} : memref<128x64xf32, #tpu.memory_space<vmem>>, vector<16xf32>,
      %get3A_538 = arith.index_cast %scan3A_497 : i32 to index
      %get3A_539 = arith.constant 32 : index
      %get3A_540 = tpu.vector_load %arg15[%get3A_538, %get3A_539] {strides = array<i32>} : memref<128x64xf32, #tpu.memory_space<vmem>>, vector<16xf32>,
      %add3A_541 = arith.addf %get3A_537, %get3A_540 : vector<16xf32>
      %add3A_542 = arith.addf %add3A_534, %add3A_541 : vector<16xf32>
      tpu.vector_store_idx %arg20[%shift_right_arithmetic3A_173, %and3A_184, %broadcast_in_dim3A], %add3A_542 : memref<8x8x129xf32, #tpu.memory_space<vmem>>[vector<16xi32>, vector<16xi32>, vector<16xi32>], vector<16xf32>,
      %get3A_543 = arith.index_cast %scan3A_497 : i32 to index
      %get3A_544 = arith.constant 48 : index
      %get3A_545 = tpu.vector_load %arg12[%get3A_543, %get3A_544] {strides = array<i32>} : memref<128x64xf32, #tpu.memory_space<vmem>>, vector<16xf32>,
      %get3A_546 = arith.index_cast %scan3A_497 : i32 to index
      %get3A_547 = arith.constant 48 : index
      %get3A_548 = tpu.vector_load %arg13[%get3A_546, %get3A_547] {strides = array<i32>} : memref<128x64xf32, #tpu.memory_space<vmem>>, vector<16xf32>,
      %add3A_549 = arith.addf %get3A_545, %get3A_548 : vector<16xf32>
      %get3A_550 = arith.index_cast %scan3A_497 : i32 to index
      %get3A_551 = arith.constant 48 : index
      %get3A_552 = tpu.vector_load %arg14[%get3A_550, %get3A_551] {strides = array<i32>} : memref<128x64xf32, #tpu.memory_space<vmem>>, vector<16xf32>,
      %get3A_553 = arith.index_cast %scan3A_497 : i32 to index
      %get3A_554 = arith.constant 48 : index
      %get3A_555 = tpu.vector_load %arg15[%get3A_553, %get3A_554] {strides = array<i32>} : memref<128x64xf32, #tpu.memory_space<vmem>>, vector<16xf32>,
      %add3A_556 = arith.addf %get3A_552, %get3A_555 : vector<16xf32>
      %add3A_557 = arith.addf %add3A_549, %add3A_556 : vector<16xf32>
      tpu.vector_store_idx %arg20[%shift_right_arithmetic3A_176, %and3A_187, %broadcast_in_dim3A], %add3A_557 : memref<8x8x129xf32, #tpu.memory_space<vmem>>[vector<16xi32>, vector<16xi32>, vector<16xi32>], vector<16xf32>,
    }
    %scan3A_192 = arith.constant 128 : i32
    %dma_start3A_193 = arith.constant 0 : i32
    %dma_start3A_194 = arith.constant 198 : i32
    %dma_start3A_195 = arith.constant 0 : i32
    %dma_start3A_196 = arith.constant 0 : i32
    %dma_start3A_197 = arith.constant 0 : i32
    %dma_start3A_198 = tpu.memref_slice %arg20[%dma_start3A_193, %dma_start3A_196, %dma_start3A_197] : memref<8x8x129xf32, #tpu.memory_space<vmem>> -> memref<1x8x128xf32, #tpu.memory_space<vmem>>
    %dma_start3A_199 = tpu.memref_squeeze %dma_start3A_198 : memref<1x8x128xf32, #tpu.memory_space<vmem>> -> memref<8x128xf32, #tpu.memory_space<vmem>>
    %dma_start3A_200 = arith.constant 0 : i32
    %dma_start3A_201 = arith.constant 0 : i32
    %dma_start3A_202 = tpu.memref_slice %arg7[%dma_start3A_194, %dma_start3A_195, %add3A, %dma_start3A_200, %dma_start3A_201] : memref<199x8x32x8x128xf32, #tpu.memory_space<hbm>> -> memref<1x1x1x8x128xf32, #tpu.memory_space<hbm>>
    %dma_start3A_203 = tpu.memref_squeeze %dma_start3A_202 : memref<1x1x1x8x128xf32, #tpu.memory_space<hbm>> -> memref<8x128xf32, #tpu.memory_space<hbm>>
    %dma_start3A_204 = arith.constant 0 : i32
    %dma_start3A_205 = arith.constant 0 : i32
    %dma_start3A_206 = tpu.memref_slice %arg7[%dma_start3A_194, %dma_start3A_195, %add3A, %dma_start3A_204, %dma_start3A_205] : memref<199x8x32x8x128xf32, #tpu.memory_space<hbm>> -> memref<1x1x1x8x128xf32, #tpu.memory_space<hbm>>
    %dma_start3A_207 = tpu.memref_squeeze %dma_start3A_206 : memref<1x1x1x8x128xf32, #tpu.memory_space<hbm>> -> memref<8x128xf32, #tpu.memory_space<hbm>>
    %dma_start3A_208 = arith.constant 0 : i32
    %dma_start3A_209 = arith.constant 0 : i32
    %dma_start3A_210 = tpu.memref_slice %arg20[%dma_start3A_193, %dma_start3A_208, %dma_start3A_209] : memref<8x8x129xf32, #tpu.memory_space<vmem>> -> memref<1x8x128xf32, #tpu.memory_space<vmem>>
    %dma_start3A_211 = tpu.memref_squeeze %dma_start3A_210 : memref<1x8x128xf32, #tpu.memory_space<vmem>> -> memref<8x128xf32, #tpu.memory_space<vmem>>
    tpu.enqueue_dma source(%dma_start3A_211 : memref<8x128xf32, #tpu.memory_space<vmem>>) target(%dma_start3A_207 : memref<8x128xf32, #tpu.memory_space<hbm>>) target_semaphore(%arg26 : memref<!tpu.dma_semaphore, #tpu.memory_space<semaphore_mem>>)
    %dma_start3A_212 = arith.constant 1 : i32
    %dma_start3A_213 = arith.constant 198 : i32
    %dma_start3A_214 = arith.constant 1 : i32
    %dma_start3A_215 = arith.constant 0 : i32
    %dma_start3A_216 = arith.constant 0 : i32
    %dma_start3A_217 = tpu.memref_slice %arg20[%dma_start3A_212, %dma_start3A_215, %dma_start3A_216] : memref<8x8x129xf32, #tpu.memory_space<vmem>> -> memref<1x8x128xf32, #tpu.memory_space<vmem>>
    %dma_start3A_218 = tpu.memref_squeeze %dma_start3A_217 : memref<1x8x128xf32, #tpu.memory_space<vmem>> -> memref<8x128xf32, #tpu.memory_space<vmem>>
    %dma_start3A_219 = arith.constant 0 : i32
    %dma_start3A_220 = arith.constant 0 : i32
    %dma_start3A_221 = tpu.memref_slice %arg7[%dma_start3A_213, %dma_start3A_214, %add3A, %dma_start3A_219, %dma_start3A_220] : memref<199x8x32x8x128xf32, #tpu.memory_space<hbm>> -> memref<1x1x1x8x128xf32, #tpu.memory_space<hbm>>
    %dma_start3A_222 = tpu.memref_squeeze %dma_start3A_221 : memref<1x1x1x8x128xf32, #tpu.memory_space<hbm>> -> memref<8x128xf32, #tpu.memory_space<hbm>>
    %dma_start3A_223 = arith.constant 0 : i32
    %dma_start3A_224 = arith.constant 0 : i32
    %dma_start3A_225 = tpu.memref_slice %arg7[%dma_start3A_213, %dma_start3A_214, %add3A, %dma_start3A_223, %dma_start3A_224] : memref<199x8x32x8x128xf32, #tpu.memory_space<hbm>> -> memref<1x1x1x8x128xf32, #tpu.memory_space<hbm>>
    %dma_start3A_226 = tpu.memref_squeeze %dma_start3A_225 : memref<1x1x1x8x128xf32, #tpu.memory_space<hbm>> -> memref<8x128xf32, #tpu.memory_space<hbm>>
    %dma_start3A_227 = arith.constant 0 : i32
    %dma_start3A_228 = arith.constant 0 : i32
    %dma_start3A_229 = tpu.memref_slice %arg20[%dma_start3A_212, %dma_start3A_227, %dma_start3A_228] : memref<8x8x129xf32, #tpu.memory_space<vmem>> -> memref<1x8x128xf32, #tpu.memory_space<vmem>>
    %dma_start3A_230 = tpu.memref_squeeze %dma_start3A_229 : memref<1x8x128xf32, #tpu.memory_space<vmem>> -> memref<8x128xf32, #tpu.memory_space<vmem>>
    tpu.enqueue_dma source(%dma_start3A_230 : memref<8x128xf32, #tpu.memory_space<vmem>>) target(%dma_start3A_226 : memref<8x128xf32, #tpu.memory_space<hbm>>) target_semaphore(%arg26 : memref<!tpu.dma_semaphore, #tpu.memory_space<semaphore_mem>>)
    %dma_start3A_231 = arith.constant 2 : i32
    %dma_start3A_232 = arith.constant 198 : i32
    %dma_start3A_233 = arith.constant 2 : i32
    %dma_start3A_234 = arith.constant 0 : i32
    %dma_start3A_235 = arith.constant 0 : i32
    %dma_start3A_236 = tpu.memref_slice %arg20[%dma_start3A_231, %dma_start3A_234, %dma_start3A_235] : memref<8x8x129xf32, #tpu.memory_space<vmem>> -> memref<1x8x128xf32, #tpu.memory_space<vmem>>
    %dma_start3A_237 = tpu.memref_squeeze %dma_start3A_236 : memref<1x8x128xf32, #tpu.memory_space<vmem>> -> memref<8x128xf32, #tpu.memory_space<vmem>>
    %dma_start3A_238 = arith.constant 0 : i32
    %dma_start3A_239 = arith.constant 0 : i32
    %dma_start3A_240 = tpu.memref_slice %arg7[%dma_start3A_232, %dma_start3A_233, %add3A, %dma_start3A_238, %dma_start3A_239] : memref<199x8x32x8x128xf32, #tpu.memory_space<hbm>> -> memref<1x1x1x8x128xf32, #tpu.memory_space<hbm>>
    %dma_start3A_241 = tpu.memref_squeeze %dma_start3A_240 : memref<1x1x1x8x128xf32, #tpu.memory_space<hbm>> -> memref<8x128xf32, #tpu.memory_space<hbm>>
    %dma_start3A_242 = arith.constant 0 : i32
    %dma_start3A_243 = arith.constant 0 : i32
    %dma_start3A_244 = tpu.memref_slice %arg7[%dma_start3A_232, %dma_start3A_233, %add3A, %dma_start3A_242, %dma_start3A_243] : memref<199x8x32x8x128xf32, #tpu.memory_space<hbm>> -> memref<1x1x1x8x128xf32, #tpu.memory_space<hbm>>
    %dma_start3A_245 = tpu.memref_squeeze %dma_start3A_244 : memref<1x1x1x8x128xf32, #tpu.memory_space<hbm>> -> memref<8x128xf32, #tpu.memory_space<hbm>>
    %dma_start3A_246 = arith.constant 0 : i32
    %dma_start3A_247 = arith.constant 0 : i32
    %dma_start3A_248 = tpu.memref_slice %arg20[%dma_start3A_231, %dma_start3A_246, %dma_start3A_247] : memref<8x8x129xf32, #tpu.memory_space<vmem>> -> memref<1x8x128xf32, #tpu.memory_space<vmem>>
    %dma_start3A_249 = tpu.memref_squeeze %dma_start3A_248 : memref<1x8x128xf32, #tpu.memory_space<vmem>> -> memref<8x128xf32, #tpu.memory_space<vmem>>
    tpu.enqueue_dma source(%dma_start3A_249 : memref<8x128xf32, #tpu.memory_space<vmem>>) target(%dma_start3A_245 : memref<8x128xf32, #tpu.memory_space<hbm>>) target_semaphore(%arg26 : memref<!tpu.dma_semaphore, #tpu.memory_space<semaphore_mem>>)
    %dma_start3A_250 = arith.constant 3 : i32
    %dma_start3A_251 = arith.constant 198 : i32
    %dma_start3A_252 = arith.constant 3 : i32
    %dma_start3A_253 = arith.constant 0 : i32
    %dma_start3A_254 = arith.constant 0 : i32
    %dma_start3A_255 = tpu.memref_slice %arg20[%dma_start3A_250, %dma_start3A_253, %dma_start3A_254] : memref<8x8x129xf32, #tpu.memory_space<vmem>> -> memref<1x8x128xf32, #tpu.memory_space<vmem>>
    %dma_start3A_256 = tpu.memref_squeeze %dma_start3A_255 : memref<1x8x128xf32, #tpu.memory_space<vmem>> -> memref<8x128xf32, #tpu.memory_space<vmem>>
    %dma_start3A_257 = arith.constant 0 : i32
    %dma_start3A_258 = arith.constant 0 : i32
    %dma_start3A_259 = tpu.memref_slice %arg7[%dma_start3A_251, %dma_start3A_252, %add3A, %dma_start3A_257, %dma_start3A_258] : memref<199x8x32x8x128xf32, #tpu.memory_space<hbm>> -> memref<1x1x1x8x128xf32, #tpu.memory_space<hbm>>
    %dma_start3A_260 = tpu.memref_squeeze %dma_start3A_259 : memref<1x1x1x8x128xf32, #tpu.memory_space<hbm>> -> memref<8x128xf32, #tpu.memory_space<hbm>>
    %dma_start3A_261 = arith.constant 0 : i32
    %dma_start3A_262 = arith.constant 0 : i32
    %dma_start3A_263 = tpu.memref_slice %arg7[%dma_start3A_251, %dma_start3A_252, %add3A, %dma_start3A_261, %dma_start3A_262] : memref<199x8x32x8x128xf32, #tpu.memory_space<hbm>> -> memref<1x1x1x8x128xf32, #tpu.memory_space<hbm>>
    %dma_start3A_264 = tpu.memref_squeeze %dma_start3A_263 : memref<1x1x1x8x128xf32, #tpu.memory_space<hbm>> -> memref<8x128xf32, #tpu.memory_space<hbm>>
    %dma_start3A_265 = arith.constant 0 : i32
    %dma_start3A_266 = arith.constant 0 : i32
    %dma_start3A_267 = tpu.memref_slice %arg20[%dma_start3A_250, %dma_start3A_265, %dma_start3A_266] : memref<8x8x129xf32, #tpu.memory_space<vmem>> -> memref<1x8x128xf32, #tpu.memory_space<vmem>>
    %dma_start3A_268 = tpu.memref_squeeze %dma_start3A_267 : memref<1x8x128xf32, #tpu.memory_space<vmem>> -> memref<8x128xf32, #tpu.memory_space<vmem>>
    tpu.enqueue_dma source(%dma_start3A_268 : memref<8x128xf32, #tpu.memory_space<vmem>>) target(%dma_start3A_264 : memref<8x128xf32, #tpu.memory_space<hbm>>) target_semaphore(%arg26 : memref<!tpu.dma_semaphore, #tpu.memory_space<semaphore_mem>>)
    %dma_start3A_269 = arith.constant 4 : i32
    %dma_start3A_270 = arith.constant 198 : i32
    %dma_start3A_271 = arith.constant 4 : i32
    %dma_start3A_272 = arith.constant 0 : i32
    %dma_start3A_273 = arith.constant 0 : i32
    %dma_start3A_274 = tpu.memref_slice %arg20[%dma_start3A_269, %dma_start3A_272, %dma_start3A_273] : memref<8x8x129xf32, #tpu.memory_space<vmem>> -> memref<1x8x128xf32, #tpu.memory_space<vmem>>
    %dma_start3A_275 = tpu.memref_squeeze %dma_start3A_274 : memref<1x8x128xf32, #tpu.memory_space<vmem>> -> memref<8x128xf32, #tpu.memory_space<vmem>>
    %dma_start3A_276 = arith.constant 0 : i32
    %dma_start3A_277 = arith.constant 0 : i32
    %dma_start3A_278 = tpu.memref_slice %arg7[%dma_start3A_270, %dma_start3A_271, %add3A, %dma_start3A_276, %dma_start3A_277] : memref<199x8x32x8x128xf32, #tpu.memory_space<hbm>> -> memref<1x1x1x8x128xf32, #tpu.memory_space<hbm>>
    %dma_start3A_279 = tpu.memref_squeeze %dma_start3A_278 : memref<1x1x1x8x128xf32, #tpu.memory_space<hbm>> -> memref<8x128xf32, #tpu.memory_space<hbm>>
    %dma_start3A_280 = arith.constant 0 : i32
    %dma_start3A_281 = arith.constant 0 : i32
    %dma_start3A_282 = tpu.memref_slice %arg7[%dma_start3A_270, %dma_start3A_271, %add3A, %dma_start3A_280, %dma_start3A_281] : memref<199x8x32x8x128xf32, #tpu.memory_space<hbm>> -> memref<1x1x1x8x128xf32, #tpu.memory_space<hbm>>
    %dma_start3A_283 = tpu.memref_squeeze %dma_start3A_282 : memref<1x1x1x8x128xf32, #tpu.memory_space<hbm>> -> memref<8x128xf32, #tpu.memory_space<hbm>>
    %dma_start3A_284 = arith.constant 0 : i32
    %dma_start3A_285 = arith.constant 0 : i32
    %dma_start3A_286 = tpu.memref_slice %arg20[%dma_start3A_269, %dma_start3A_284, %dma_start3A_285] : memref<8x8x129xf32, #tpu.memory_space<vmem>> -> memref<1x8x128xf32, #tpu.memory_space<vmem>>
    %dma_start3A_287 = tpu.memref_squeeze %dma_start3A_286 : memref<1x8x128xf32, #tpu.memory_space<vmem>> -> memref<8x128xf32, #tpu.memory_space<vmem>>
    tpu.enqueue_dma source(%dma_start3A_287 : memref<8x128xf32, #tpu.memory_space<vmem>>) target(%dma_start3A_283 : memref<8x128xf32, #tpu.memory_space<hbm>>) target_semaphore(%arg26 : memref<!tpu.dma_semaphore, #tpu.memory_space<semaphore_mem>>)
    %dma_start3A_288 = arith.constant 5 : i32
    %dma_start3A_289 = arith.constant 198 : i32
    %dma_start3A_290 = arith.constant 5 : i32
    %dma_start3A_291 = arith.constant 0 : i32
    %dma_start3A_292 = arith.constant 0 : i32
    %dma_start3A_293 = tpu.memref_slice %arg20[%dma_start3A_288, %dma_start3A_291, %dma_start3A_292] : memref<8x8x129xf32, #tpu.memory_space<vmem>> -> memref<1x8x128xf32, #tpu.memory_space<vmem>>
    %dma_start3A_294 = tpu.memref_squeeze %dma_start3A_293 : memref<1x8x128xf32, #tpu.memory_space<vmem>> -> memref<8x128xf32, #tpu.memory_space<vmem>>
    %dma_start3A_295 = arith.constant 0 : i32
    %dma_start3A_296 = arith.constant 0 : i32
    %dma_start3A_297 = tpu.memref_slice %arg7[%dma_start3A_289, %dma_start3A_290, %add3A, %dma_start3A_295, %dma_start3A_296] : memref<199x8x32x8x128xf32, #tpu.memory_space<hbm>> -> memref<1x1x1x8x128xf32, #tpu.memory_space<hbm>>
    %dma_start3A_298 = tpu.memref_squeeze %dma_start3A_297 : memref<1x1x1x8x128xf32, #tpu.memory_space<hbm>> -> memref<8x128xf32, #tpu.memory_space<hbm>>
    %dma_start3A_299 = arith.constant 0 : i32
    %dma_start3A_300 = arith.constant 0 : i32
    %dma_start3A_301 = tpu.memref_slice %arg7[%dma_start3A_289, %dma_start3A_290, %add3A, %dma_start3A_299, %dma_start3A_300] : memref<199x8x32x8x128xf32, #tpu.memory_space<hbm>> -> memref<1x1x1x8x128xf32, #tpu.memory_space<hbm>>
    %dma_start3A_302 = tpu.memref_squeeze %dma_start3A_301 : memref<1x1x1x8x128xf32, #tpu.memory_space<hbm>> -> memref<8x128xf32, #tpu.memory_space<hbm>>
    %dma_start3A_303 = arith.constant 0 : i32
    %dma_start3A_304 = arith.constant 0 : i32
    %dma_start3A_305 = tpu.memref_slice %arg20[%dma_start3A_288, %dma_start3A_303, %dma_start3A_304] : memref<8x8x129xf32, #tpu.memory_space<vmem>> -> memref<1x8x128xf32, #tpu.memory_space<vmem>>
    %dma_start3A_306 = tpu.memref_squeeze %dma_start3A_305 : memref<1x8x128xf32, #tpu.memory_space<vmem>> -> memref<8x128xf32, #tpu.memory_space<vmem>>
    tpu.enqueue_dma source(%dma_start3A_306 : memref<8x128xf32, #tpu.memory_space<vmem>>) target(%dma_start3A_302 : memref<8x128xf32, #tpu.memory_space<hbm>>) target_semaphore(%arg26 : memref<!tpu.dma_semaphore, #tpu.memory_space<semaphore_mem>>)
    %dma_start3A_307 = arith.constant 6 : i32
    %dma_start3A_308 = arith.constant 198 : i32
    %dma_start3A_309 = arith.constant 6 : i32
    %dma_start3A_310 = arith.constant 0 : i32
    %dma_start3A_311 = arith.constant 0 : i32
    %dma_start3A_312 = tpu.memref_slice %arg20[%dma_start3A_307, %dma_start3A_310, %dma_start3A_311] : memref<8x8x129xf32, #tpu.memory_space<vmem>> -> memref<1x8x128xf32, #tpu.memory_space<vmem>>
    %dma_start3A_313 = tpu.memref_squeeze %dma_start3A_312 : memref<1x8x128xf32, #tpu.memory_space<vmem>> -> memref<8x128xf32, #tpu.memory_space<vmem>>
    %dma_start3A_314 = arith.constant 0 : i32
    %dma_start3A_315 = arith.constant 0 : i32
    %dma_start3A_316 = tpu.memref_slice %arg7[%dma_start3A_308, %dma_start3A_309, %add3A, %dma_start3A_314, %dma_start3A_315] : memref<199x8x32x8x128xf32, #tpu.memory_space<hbm>> -> memref<1x1x1x8x128xf32, #tpu.memory_space<hbm>>
    %dma_start3A_317 = tpu.memref_squeeze %dma_start3A_316 : memref<1x1x1x8x128xf32, #tpu.memory_space<hbm>> -> memref<8x128xf32, #tpu.memory_space<hbm>>
    %dma_start3A_318 = arith.constant 0 : i32
    %dma_start3A_319 = arith.constant 0 : i32
    %dma_start3A_320 = tpu.memref_slice %arg7[%dma_start3A_308, %dma_start3A_309, %add3A, %dma_start3A_318, %dma_start3A_319] : memref<199x8x32x8x128xf32, #tpu.memory_space<hbm>> -> memref<1x1x1x8x128xf32, #tpu.memory_space<hbm>>
    %dma_start3A_321 = tpu.memref_squeeze %dma_start3A_320 : memref<1x1x1x8x128xf32, #tpu.memory_space<hbm>> -> memref<8x128xf32, #tpu.memory_space<hbm>>
    %dma_start3A_322 = arith.constant 0 : i32
    %dma_start3A_323 = arith.constant 0 : i32
    %dma_start3A_324 = tpu.memref_slice %arg20[%dma_start3A_307, %dma_start3A_322, %dma_start3A_323] : memref<8x8x129xf32, #tpu.memory_space<vmem>> -> memref<1x8x128xf32, #tpu.memory_space<vmem>>
    %dma_start3A_325 = tpu.memref_squeeze %dma_start3A_324 : memref<1x8x128xf32, #tpu.memory_space<vmem>> -> memref<8x128xf32, #tpu.memory_space<vmem>>
    tpu.enqueue_dma source(%dma_start3A_325 : memref<8x128xf32, #tpu.memory_space<vmem>>) target(%dma_start3A_321 : memref<8x128xf32, #tpu.memory_space<hbm>>) target_semaphore(%arg26 : memref<!tpu.dma_semaphore, #tpu.memory_space<semaphore_mem>>)
    %dma_start3A_326 = arith.constant 7 : i32
    %dma_start3A_327 = arith.constant 198 : i32
    %dma_start3A_328 = arith.constant 7 : i32
    %dma_start3A_329 = arith.constant 0 : i32
    %dma_start3A_330 = arith.constant 0 : i32
    %dma_start3A_331 = tpu.memref_slice %arg20[%dma_start3A_326, %dma_start3A_329, %dma_start3A_330] : memref<8x8x129xf32, #tpu.memory_space<vmem>> -> memref<1x8x128xf32, #tpu.memory_space<vmem>>
    %dma_start3A_332 = tpu.memref_squeeze %dma_start3A_331 : memref<1x8x128xf32, #tpu.memory_space<vmem>> -> memref<8x128xf32, #tpu.memory_space<vmem>>
    %dma_start3A_333 = arith.constant 0 : i32
    %dma_start3A_334 = arith.constant 0 : i32
    %dma_start3A_335 = tpu.memref_slice %arg7[%dma_start3A_327, %dma_start3A_328, %add3A, %dma_start3A_333, %dma_start3A_334] : memref<199x8x32x8x128xf32, #tpu.memory_space<hbm>> -> memref<1x1x1x8x128xf32, #tpu.memory_space<hbm>>
    %dma_start3A_336 = tpu.memref_squeeze %dma_start3A_335 : memref<1x1x1x8x128xf32, #tpu.memory_space<hbm>> -> memref<8x128xf32, #tpu.memory_space<hbm>>
    %dma_start3A_337 = arith.constant 0 : i32
    %dma_start3A_338 = arith.constant 0 : i32
    %dma_start3A_339 = tpu.memref_slice %arg7[%dma_start3A_327, %dma_start3A_328, %add3A, %dma_start3A_337, %dma_start3A_338] : memref<199x8x32x8x128xf32, #tpu.memory_space<hbm>> -> memref<1x1x1x8x128xf32, #tpu.memory_space<hbm>>
    %dma_start3A_340 = tpu.memref_squeeze %dma_start3A_339 : memref<1x1x1x8x128xf32, #tpu.memory_space<hbm>> -> memref<8x128xf32, #tpu.memory_space<hbm>>
    %dma_start3A_341 = arith.constant 0 : i32
    %dma_start3A_342 = arith.constant 0 : i32
    %dma_start3A_343 = tpu.memref_slice %arg20[%dma_start3A_326, %dma_start3A_341, %dma_start3A_342] : memref<8x8x129xf32, #tpu.memory_space<vmem>> -> memref<1x8x128xf32, #tpu.memory_space<vmem>>
    %dma_start3A_344 = tpu.memref_squeeze %dma_start3A_343 : memref<1x8x128xf32, #tpu.memory_space<vmem>> -> memref<8x128xf32, #tpu.memory_space<vmem>>
    tpu.enqueue_dma source(%dma_start3A_344 : memref<8x128xf32, #tpu.memory_space<vmem>>) target(%dma_start3A_340 : memref<8x128xf32, #tpu.memory_space<hbm>>) target_semaphore(%arg26 : memref<!tpu.dma_semaphore, #tpu.memory_space<semaphore_mem>>)
    %dma_wait3A_345 = arith.constant 0 : i32
    %dma_wait3A_346 = arith.constant 198 : i32
    %dma_wait3A_347 = arith.constant 0 : i32
    %dma_wait3A_348 = arith.constant 0 : i32
    %dma_wait3A_349 = arith.constant 0 : i32
    %dma_wait3A_350 = tpu.memref_slice %arg20[%dma_wait3A_345, %dma_wait3A_348, %dma_wait3A_349] : memref<8x8x129xf32, #tpu.memory_space<vmem>> -> memref<1x8x128xf32, #tpu.memory_space<vmem>>
    %dma_wait3A_351 = tpu.memref_squeeze %dma_wait3A_350 : memref<1x8x128xf32, #tpu.memory_space<vmem>> -> memref<8x128xf32, #tpu.memory_space<vmem>>
    %dma_wait3A_352 = arith.constant 0 : i32
    %dma_wait3A_353 = arith.constant 0 : i32
    %dma_wait3A_354 = tpu.memref_slice %arg7[%dma_wait3A_346, %dma_wait3A_347, %add3A, %dma_wait3A_352, %dma_wait3A_353] : memref<199x8x32x8x128xf32, #tpu.memory_space<hbm>> -> memref<1x1x1x8x128xf32, #tpu.memory_space<hbm>>
    %dma_wait3A_355 = tpu.memref_squeeze %dma_wait3A_354 : memref<1x1x1x8x128xf32, #tpu.memory_space<hbm>> -> memref<8x128xf32, #tpu.memory_space<hbm>>
    %dma_wait3A_356 = arith.constant 0 : i32
    %dma_wait3A_357 = arith.constant 0 : i32
    %dma_wait3A_358 = tpu.memref_slice %arg7[%dma_wait3A_346, %dma_wait3A_347, %add3A, %dma_wait3A_356, %dma_wait3A_357] : memref<199x8x32x8x128xf32, #tpu.memory_space<hbm>> -> memref<1x1x1x8x128xf32, #tpu.memory_space<hbm>>
    %dma_wait3A_359 = tpu.memref_squeeze %dma_wait3A_358 : memref<1x1x1x8x128xf32, #tpu.memory_space<hbm>> -> memref<8x128xf32, #tpu.memory_space<hbm>>
    %dma_wait3A_360 = arith.constant 0 : i32
    %dma_wait3A_361 = arith.constant 0 : i32
    %dma_wait3A_362 = tpu.memref_slice %arg20[%dma_wait3A_345, %dma_wait3A_360, %dma_wait3A_361] : memref<8x8x129xf32, #tpu.memory_space<vmem>> -> memref<1x8x128xf32, #tpu.memory_space<vmem>>
    %dma_wait3A_363 = tpu.memref_squeeze %dma_wait3A_362 : memref<1x8x128xf32, #tpu.memory_space<vmem>> -> memref<8x128xf32, #tpu.memory_space<vmem>>
    tpu.wait_dma2 semaphore(%arg26 : memref<!tpu.dma_semaphore, #tpu.memory_space<semaphore_mem>>) src(%dma_wait3A_363 : memref<8x128xf32, #tpu.memory_space<vmem>>) dst(%dma_wait3A_359 : memref<8x128xf32, #tpu.memory_space<hbm>>)
    %dma_wait3A_364 = arith.constant 1 : i32
    %dma_wait3A_365 = arith.constant 198 : i32
    %dma_wait3A_366 = arith.constant 1 : i32
    %dma_wait3A_367 = arith.constant 0 : i32
    %dma_wait3A_368 = arith.constant 0 : i32
    %dma_wait3A_369 = tpu.memref_slice %arg20[%dma_wait3A_364, %dma_wait3A_367, %dma_wait3A_368] : memref<8x8x129xf32, #tpu.memory_space<vmem>> -> memref<1x8x128xf32, #tpu.memory_space<vmem>>
    %dma_wait3A_370 = tpu.memref_squeeze %dma_wait3A_369 : memref<1x8x128xf32, #tpu.memory_space<vmem>> -> memref<8x128xf32, #tpu.memory_space<vmem>>
    %dma_wait3A_371 = arith.constant 0 : i32
    %dma_wait3A_372 = arith.constant 0 : i32
    %dma_wait3A_373 = tpu.memref_slice %arg7[%dma_wait3A_365, %dma_wait3A_366, %add3A, %dma_wait3A_371, %dma_wait3A_372] : memref<199x8x32x8x128xf32, #tpu.memory_space<hbm>> -> memref<1x1x1x8x128xf32, #tpu.memory_space<hbm>>
    %dma_wait3A_374 = tpu.memref_squeeze %dma_wait3A_373 : memref<1x1x1x8x128xf32, #tpu.memory_space<hbm>> -> memref<8x128xf32, #tpu.memory_space<hbm>>
    %dma_wait3A_375 = arith.constant 0 : i32
    %dma_wait3A_376 = arith.constant 0 : i32
    %dma_wait3A_377 = tpu.memref_slice %arg7[%dma_wait3A_365, %dma_wait3A_366, %add3A, %dma_wait3A_375, %dma_wait3A_376] : memref<199x8x32x8x128xf32, #tpu.memory_space<hbm>> -> memref<1x1x1x8x128xf32, #tpu.memory_space<hbm>>
    %dma_wait3A_378 = tpu.memref_squeeze %dma_wait3A_377 : memref<1x1x1x8x128xf32, #tpu.memory_space<hbm>> -> memref<8x128xf32, #tpu.memory_space<hbm>>
    %dma_wait3A_379 = arith.constant 0 : i32
    %dma_wait3A_380 = arith.constant 0 : i32
    %dma_wait3A_381 = tpu.memref_slice %arg20[%dma_wait3A_364, %dma_wait3A_379, %dma_wait3A_380] : memref<8x8x129xf32, #tpu.memory_space<vmem>> -> memref<1x8x128xf32, #tpu.memory_space<vmem>>
    %dma_wait3A_382 = tpu.memref_squeeze %dma_wait3A_381 : memref<1x8x128xf32, #tpu.memory_space<vmem>> -> memref<8x128xf32, #tpu.memory_space<vmem>>
    tpu.wait_dma2 semaphore(%arg26 : memref<!tpu.dma_semaphore, #tpu.memory_space<semaphore_mem>>) src(%dma_wait3A_382 : memref<8x128xf32, #tpu.memory_space<vmem>>) dst(%dma_wait3A_378 : memref<8x128xf32, #tpu.memory_space<hbm>>)
    %dma_wait3A_383 = arith.constant 2 : i32
    %dma_wait3A_384 = arith.constant 198 : i32
    %dma_wait3A_385 = arith.constant 2 : i32
    %dma_wait3A_386 = arith.constant 0 : i32
    %dma_wait3A_387 = arith.constant 0 : i32
    %dma_wait3A_388 = tpu.memref_slice %arg20[%dma_wait3A_383, %dma_wait3A_386, %dma_wait3A_387] : memref<8x8x129xf32, #tpu.memory_space<vmem>> -> memref<1x8x128xf32, #tpu.memory_space<vmem>>
    %dma_wait3A_389 = tpu.memref_squeeze %dma_wait3A_388 : memref<1x8x128xf32, #tpu.memory_space<vmem>> -> memref<8x128xf32, #tpu.memory_space<vmem>>
    %dma_wait3A_390 = arith.constant 0 : i32
    %dma_wait3A_391 = arith.constant 0 : i32
    %dma_wait3A_392 = tpu.memref_slice %arg7[%dma_wait3A_384, %dma_wait3A_385, %add3A, %dma_wait3A_390, %dma_wait3A_391] : memref<199x8x32x8x128xf32, #tpu.memory_space<hbm>> -> memref<1x1x1x8x128xf32, #tpu.memory_space<hbm>>
    %dma_wait3A_393 = tpu.memref_squeeze %dma_wait3A_392 : memref<1x1x1x8x128xf32, #tpu.memory_space<hbm>> -> memref<8x128xf32, #tpu.memory_space<hbm>>
    %dma_wait3A_394 = arith.constant 0 : i32
    %dma_wait3A_395 = arith.constant 0 : i32
    %dma_wait3A_396 = tpu.memref_slice %arg7[%dma_wait3A_384, %dma_wait3A_385, %add3A, %dma_wait3A_394, %dma_wait3A_395] : memref<199x8x32x8x128xf32, #tpu.memory_space<hbm>> -> memref<1x1x1x8x128xf32, #tpu.memory_space<hbm>>
    %dma_wait3A_397 = tpu.memref_squeeze %dma_wait3A_396 : memref<1x1x1x8x128xf32, #tpu.memory_space<hbm>> -> memref<8x128xf32, #tpu.memory_space<hbm>>
    %dma_wait3A_398 = arith.constant 0 : i32
    %dma_wait3A_399 = arith.constant 0 : i32
    %dma_wait3A_400 = tpu.memref_slice %arg20[%dma_wait3A_383, %dma_wait3A_398, %dma_wait3A_399] : memref<8x8x129xf32, #tpu.memory_space<vmem>> -> memref<1x8x128xf32, #tpu.memory_space<vmem>>
    %dma_wait3A_401 = tpu.memref_squeeze %dma_wait3A_400 : memref<1x8x128xf32, #tpu.memory_space<vmem>> -> memref<8x128xf32, #tpu.memory_space<vmem>>
    tpu.wait_dma2 semaphore(%arg26 : memref<!tpu.dma_semaphore, #tpu.memory_space<semaphore_mem>>) src(%dma_wait3A_401 : memref<8x128xf32, #tpu.memory_space<vmem>>) dst(%dma_wait3A_397 : memref<8x128xf32, #tpu.memory_space<hbm>>)
    %dma_wait3A_402 = arith.constant 3 : i32
    %dma_wait3A_403 = arith.constant 198 : i32
    %dma_wait3A_404 = arith.constant 3 : i32
    %dma_wait3A_405 = arith.constant 0 : i32
    %dma_wait3A_406 = arith.constant 0 : i32
    %dma_wait3A_407 = tpu.memref_slice %arg20[%dma_wait3A_402, %dma_wait3A_405, %dma_wait3A_406] : memref<8x8x129xf32, #tpu.memory_space<vmem>> -> memref<1x8x128xf32, #tpu.memory_space<vmem>>
    %dma_wait3A_408 = tpu.memref_squeeze %dma_wait3A_407 : memref<1x8x128xf32, #tpu.memory_space<vmem>> -> memref<8x128xf32, #tpu.memory_space<vmem>>
    %dma_wait3A_409 = arith.constant 0 : i32
    %dma_wait3A_410 = arith.constant 0 : i32
    %dma_wait3A_411 = tpu.memref_slice %arg7[%dma_wait3A_403, %dma_wait3A_404, %add3A, %dma_wait3A_409, %dma_wait3A_410] : memref<199x8x32x8x128xf32, #tpu.memory_space<hbm>> -> memref<1x1x1x8x128xf32, #tpu.memory_space<hbm>>
    %dma_wait3A_412 = tpu.memref_squeeze %dma_wait3A_411 : memref<1x1x1x8x128xf32, #tpu.memory_space<hbm>> -> memref<8x128xf32, #tpu.memory_space<hbm>>
    %dma_wait3A_413 = arith.constant 0 : i32
    %dma_wait3A_414 = arith.constant 0 : i32
    %dma_wait3A_415 = tpu.memref_slice %arg7[%dma_wait3A_403, %dma_wait3A_404, %add3A, %dma_wait3A_413, %dma_wait3A_414] : memref<199x8x32x8x128xf32, #tpu.memory_space<hbm>> -> memref<1x1x1x8x128xf32, #tpu.memory_space<hbm>>
    %dma_wait3A_416 = tpu.memref_squeeze %dma_wait3A_415 : memref<1x1x1x8x128xf32, #tpu.memory_space<hbm>> -> memref<8x128xf32, #tpu.memory_space<hbm>>
    %dma_wait3A_417 = arith.constant 0 : i32
    %dma_wait3A_418 = arith.constant 0 : i32
    %dma_wait3A_419 = tpu.memref_slice %arg20[%dma_wait3A_402, %dma_wait3A_417, %dma_wait3A_418] : memref<8x8x129xf32, #tpu.memory_space<vmem>> -> memref<1x8x128xf32, #tpu.memory_space<vmem>>
    %dma_wait3A_420 = tpu.memref_squeeze %dma_wait3A_419 : memref<1x8x128xf32, #tpu.memory_space<vmem>> -> memref<8x128xf32, #tpu.memory_space<vmem>>
    tpu.wait_dma2 semaphore(%arg26 : memref<!tpu.dma_semaphore, #tpu.memory_space<semaphore_mem>>) src(%dma_wait3A_420 : memref<8x128xf32, #tpu.memory_space<vmem>>) dst(%dma_wait3A_416 : memref<8x128xf32, #tpu.memory_space<hbm>>)
    %dma_wait3A_421 = arith.constant 4 : i32
    %dma_wait3A_422 = arith.constant 198 : i32
    %dma_wait3A_423 = arith.constant 4 : i32
    %dma_wait3A_424 = arith.constant 0 : i32
    %dma_wait3A_425 = arith.constant 0 : i32
    %dma_wait3A_426 = tpu.memref_slice %arg20[%dma_wait3A_421, %dma_wait3A_424, %dma_wait3A_425] : memref<8x8x129xf32, #tpu.memory_space<vmem>> -> memref<1x8x128xf32, #tpu.memory_space<vmem>>
    %dma_wait3A_427 = tpu.memref_squeeze %dma_wait3A_426 : memref<1x8x128xf32, #tpu.memory_space<vmem>> -> memref<8x128xf32, #tpu.memory_space<vmem>>
    %dma_wait3A_428 = arith.constant 0 : i32
    %dma_wait3A_429 = arith.constant 0 : i32
    %dma_wait3A_430 = tpu.memref_slice %arg7[%dma_wait3A_422, %dma_wait3A_423, %add3A, %dma_wait3A_428, %dma_wait3A_429] : memref<199x8x32x8x128xf32, #tpu.memory_space<hbm>> -> memref<1x1x1x8x128xf32, #tpu.memory_space<hbm>>
    %dma_wait3A_431 = tpu.memref_squeeze %dma_wait3A_430 : memref<1x1x1x8x128xf32, #tpu.memory_space<hbm>> -> memref<8x128xf32, #tpu.memory_space<hbm>>
    %dma_wait3A_432 = arith.constant 0 : i32
    %dma_wait3A_433 = arith.constant 0 : i32
    %dma_wait3A_434 = tpu.memref_slice %arg7[%dma_wait3A_422, %dma_wait3A_423, %add3A, %dma_wait3A_432, %dma_wait3A_433] : memref<199x8x32x8x128xf32, #tpu.memory_space<hbm>> -> memref<1x1x1x8x128xf32, #tpu.memory_space<hbm>>
    %dma_wait3A_435 = tpu.memref_squeeze %dma_wait3A_434 : memref<1x1x1x8x128xf32, #tpu.memory_space<hbm>> -> memref<8x128xf32, #tpu.memory_space<hbm>>
    %dma_wait3A_436 = arith.constant 0 : i32
    %dma_wait3A_437 = arith.constant 0 : i32
    %dma_wait3A_438 = tpu.memref_slice %arg20[%dma_wait3A_421, %dma_wait3A_436, %dma_wait3A_437] : memref<8x8x129xf32, #tpu.memory_space<vmem>> -> memref<1x8x128xf32, #tpu.memory_space<vmem>>
    %dma_wait3A_439 = tpu.memref_squeeze %dma_wait3A_438 : memref<1x8x128xf32, #tpu.memory_space<vmem>> -> memref<8x128xf32, #tpu.memory_space<vmem>>
    tpu.wait_dma2 semaphore(%arg26 : memref<!tpu.dma_semaphore, #tpu.memory_space<semaphore_mem>>) src(%dma_wait3A_439 : memref<8x128xf32, #tpu.memory_space<vmem>>) dst(%dma_wait3A_435 : memref<8x128xf32, #tpu.memory_space<hbm>>)
    %dma_wait3A_440 = arith.constant 5 : i32
    %dma_wait3A_441 = arith.constant 198 : i32
    %dma_wait3A_442 = arith.constant 5 : i32
    %dma_wait3A_443 = arith.constant 0 : i32
    %dma_wait3A_444 = arith.constant 0 : i32
    %dma_wait3A_445 = tpu.memref_slice %arg20[%dma_wait3A_440, %dma_wait3A_443, %dma_wait3A_444] : memref<8x8x129xf32, #tpu.memory_space<vmem>> -> memref<1x8x128xf32, #tpu.memory_space<vmem>>
    %dma_wait3A_446 = tpu.memref_squeeze %dma_wait3A_445 : memref<1x8x128xf32, #tpu.memory_space<vmem>> -> memref<8x128xf32, #tpu.memory_space<vmem>>
    %dma_wait3A_447 = arith.constant 0 : i32
    %dma_wait3A_448 = arith.constant 0 : i32
    %dma_wait3A_449 = tpu.memref_slice %arg7[%dma_wait3A_441, %dma_wait3A_442, %add3A, %dma_wait3A_447, %dma_wait3A_448] : memref<199x8x32x8x128xf32, #tpu.memory_space<hbm>> -> memref<1x1x1x8x128xf32, #tpu.memory_space<hbm>>
    %dma_wait3A_450 = tpu.memref_squeeze %dma_wait3A_449 : memref<1x1x1x8x128xf32, #tpu.memory_space<hbm>> -> memref<8x128xf32, #tpu.memory_space<hbm>>
    %dma_wait3A_451 = arith.constant 0 : i32
    %dma_wait3A_452 = arith.constant 0 : i32
    %dma_wait3A_453 = tpu.memref_slice %arg7[%dma_wait3A_441, %dma_wait3A_442, %add3A, %dma_wait3A_451, %dma_wait3A_452] : memref<199x8x32x8x128xf32, #tpu.memory_space<hbm>> -> memref<1x1x1x8x128xf32, #tpu.memory_space<hbm>>
    %dma_wait3A_454 = tpu.memref_squeeze %dma_wait3A_453 : memref<1x1x1x8x128xf32, #tpu.memory_space<hbm>> -> memref<8x128xf32, #tpu.memory_space<hbm>>
    %dma_wait3A_455 = arith.constant 0 : i32
    %dma_wait3A_456 = arith.constant 0 : i32
    %dma_wait3A_457 = tpu.memref_slice %arg20[%dma_wait3A_440, %dma_wait3A_455, %dma_wait3A_456] : memref<8x8x129xf32, #tpu.memory_space<vmem>> -> memref<1x8x128xf32, #tpu.memory_space<vmem>>
    %dma_wait3A_458 = tpu.memref_squeeze %dma_wait3A_457 : memref<1x8x128xf32, #tpu.memory_space<vmem>> -> memref<8x128xf32, #tpu.memory_space<vmem>>
    tpu.wait_dma2 semaphore(%arg26 : memref<!tpu.dma_semaphore, #tpu.memory_space<semaphore_mem>>) src(%dma_wait3A_458 : memref<8x128xf32, #tpu.memory_space<vmem>>) dst(%dma_wait3A_454 : memref<8x128xf32, #tpu.memory_space<hbm>>)
    %dma_wait3A_459 = arith.constant 6 : i32
    %dma_wait3A_460 = arith.constant 198 : i32
    %dma_wait3A_461 = arith.constant 6 : i32
    %dma_wait3A_462 = arith.constant 0 : i32
    %dma_wait3A_463 = arith.constant 0 : i32
    %dma_wait3A_464 = tpu.memref_slice %arg20[%dma_wait3A_459, %dma_wait3A_462, %dma_wait3A_463] : memref<8x8x129xf32, #tpu.memory_space<vmem>> -> memref<1x8x128xf32, #tpu.memory_space<vmem>>
    %dma_wait3A_465 = tpu.memref_squeeze %dma_wait3A_464 : memref<1x8x128xf32, #tpu.memory_space<vmem>> -> memref<8x128xf32, #tpu.memory_space<vmem>>
    %dma_wait3A_466 = arith.constant 0 : i32
    %dma_wait3A_467 = arith.constant 0 : i32
    %dma_wait3A_468 = tpu.memref_slice %arg7[%dma_wait3A_460, %dma_wait3A_461, %add3A, %dma_wait3A_466, %dma_wait3A_467] : memref<199x8x32x8x128xf32, #tpu.memory_space<hbm>> -> memref<1x1x1x8x128xf32, #tpu.memory_space<hbm>>
    %dma_wait3A_469 = tpu.memref_squeeze %dma_wait3A_468 : memref<1x1x1x8x128xf32, #tpu.memory_space<hbm>> -> memref<8x128xf32, #tpu.memory_space<hbm>>
    %dma_wait3A_470 = arith.constant 0 : i32
    %dma_wait3A_471 = arith.constant 0 : i32
    %dma_wait3A_472 = tpu.memref_slice %arg7[%dma_wait3A_460, %dma_wait3A_461, %add3A, %dma_wait3A_470, %dma_wait3A_471] : memref<199x8x32x8x128xf32, #tpu.memory_space<hbm>> -> memref<1x1x1x8x128xf32, #tpu.memory_space<hbm>>
    %dma_wait3A_473 = tpu.memref_squeeze %dma_wait3A_472 : memref<1x1x1x8x128xf32, #tpu.memory_space<hbm>> -> memref<8x128xf32, #tpu.memory_space<hbm>>
    %dma_wait3A_474 = arith.constant 0 : i32
    %dma_wait3A_475 = arith.constant 0 : i32
    %dma_wait3A_476 = tpu.memref_slice %arg20[%dma_wait3A_459, %dma_wait3A_474, %dma_wait3A_475] : memref<8x8x129xf32, #tpu.memory_space<vmem>> -> memref<1x8x128xf32, #tpu.memory_space<vmem>>
    %dma_wait3A_477 = tpu.memref_squeeze %dma_wait3A_476 : memref<1x8x128xf32, #tpu.memory_space<vmem>> -> memref<8x128xf32, #tpu.memory_space<vmem>>
    tpu.wait_dma2 semaphore(%arg26 : memref<!tpu.dma_semaphore, #tpu.memory_space<semaphore_mem>>) src(%dma_wait3A_477 : memref<8x128xf32, #tpu.memory_space<vmem>>) dst(%dma_wait3A_473 : memref<8x128xf32, #tpu.memory_space<hbm>>)
    %dma_wait3A_478 = arith.constant 7 : i32
    %dma_wait3A_479 = arith.constant 198 : i32
    %dma_wait3A_480 = arith.constant 7 : i32
    %dma_wait3A_481 = arith.constant 0 : i32
    %dma_wait3A_482 = arith.constant 0 : i32
    %dma_wait3A_483 = tpu.memref_slice %arg20[%dma_wait3A_478, %dma_wait3A_481, %dma_wait3A_482] : memref<8x8x129xf32, #tpu.memory_space<vmem>> -> memref<1x8x128xf32, #tpu.memory_space<vmem>>
    %dma_wait3A_484 = tpu.memref_squeeze %dma_wait3A_483 : memref<1x8x128xf32, #tpu.memory_space<vmem>> -> memref<8x128xf32, #tpu.memory_space<vmem>>
    %dma_wait3A_485 = arith.constant 0 : i32
    %dma_wait3A_486 = arith.constant 0 : i32
    %dma_wait3A_487 = tpu.memref_slice %arg7[%dma_wait3A_479, %dma_wait3A_480, %add3A, %dma_wait3A_485, %dma_wait3A_486] : memref<199x8x32x8x128xf32, #tpu.memory_space<hbm>> -> memref<1x1x1x8x128xf32, #tpu.memory_space<hbm>>
    %dma_wait3A_488 = tpu.memref_squeeze %dma_wait3A_487 : memref<1x1x1x8x128xf32, #tpu.memory_space<hbm>> -> memref<8x128xf32, #tpu.memory_space<hbm>>
    %dma_wait3A_489 = arith.constant 0 : i32
    %dma_wait3A_490 = arith.constant 0 : i32
    %dma_wait3A_491 = tpu.memref_slice %arg7[%dma_wait3A_479, %dma_wait3A_480, %add3A, %dma_wait3A_489, %dma_wait3A_490] : memref<199x8x32x8x128xf32, #tpu.memory_space<hbm>> -> memref<1x1x1x8x128xf32, #tpu.memory_space<hbm>>
    %dma_wait3A_492 = tpu.memref_squeeze %dma_wait3A_491 : memref<1x1x1x8x128xf32, #tpu.memory_space<hbm>> -> memref<8x128xf32, #tpu.memory_space<hbm>>
    %dma_wait3A_493 = arith.constant 0 : i32
    %dma_wait3A_494 = arith.constant 0 : i32
    %dma_wait3A_495 = tpu.memref_slice %arg20[%dma_wait3A_478, %dma_wait3A_493, %dma_wait3A_494] : memref<8x8x129xf32, #tpu.memory_space<vmem>> -> memref<1x8x128xf32, #tpu.memory_space<vmem>>
    %dma_wait3A_496 = tpu.memref_squeeze %dma_wait3A_495 : memref<1x8x128xf32, #tpu.memory_space<vmem>> -> memref<8x128xf32, #tpu.memory_space<vmem>>
    tpu.wait_dma2 semaphore(%arg26 : memref<!tpu.dma_semaphore, #tpu.memory_space<semaphore_mem>>) src(%dma_wait3A_496 : memref<8x128xf32, #tpu.memory_space<vmem>>) dst(%dma_wait3A_492 : memref<8x128xf32, #tpu.memory_space<hbm>>)
    return
  }
}

module attributes {stable_mosaic.version = 14 : i64} {
  func.func @_resppos_body(%arg0: memref<4x64xf32, #tpu.memory_space<vmem>>, %arg1: memref<199x64xf32, #tpu.memory_space<vmem>>, %arg2: memref<4x199x64xf32, #tpu.memory_space<vmem>>) attributes {dimension_semantics = [], scalar_prefetch = 0 : i64, scratch_operands = 0 : i64, tpu.core_type = #tpu.core_type<tc>} {
    %get3A = arith.constant 0 : index
    %get3A_0 = arith.constant 0 : index
    %get3A_1 = vector.load %arg0[%get3A, %get3A_0] : memref<4x64xf32, #tpu.memory_space<vmem>>, vector<4x64xf32>
    %broadcast_in_dim3A = vector.shape_cast %get3A_1 : vector<4x64xf32> to vector<4x1x64xf32>
    %get3A_2 = arith.constant 0 : index
    %get3A_3 = arith.constant 0 : index
    %get3A_4 = vector.load %arg1[%get3A_2, %get3A_3] : memref<199x64xf32, #tpu.memory_space<vmem>>, vector<199x64xf32>
    %broadcast_in_dim3A_5 = vector.shape_cast %get3A_4 : vector<199x64xf32> to vector<1x199x64xf32>
    %add3A = vector.broadcast %broadcast_in_dim3A : vector<4x1x64xf32> to vector<4x199x64xf32>
    %add3A_6 = vector.broadcast %broadcast_in_dim3A_5 : vector<1x199x64xf32> to vector<4x199x64xf32>
    %add3A_7 = arith.addf %add3A, %add3A_6 : vector<4x199x64xf32>
    %swap3A = arith.constant 0 : index
    %swap3A_8 = arith.constant 0 : index
    %swap3A_9 = arith.constant 0 : index
    %swap3A_10 = vector.load %arg2[%swap3A, %swap3A_8, %swap3A_9] : memref<4x199x64xf32, #tpu.memory_space<vmem>>, vector<4x199x64xf32>
    tpu.vector_store %arg2[%swap3A, %swap3A_8, %swap3A_9], %add3A_7 {strides = array<i32>} : memref<4x199x64xf32, #tpu.memory_space<vmem>>, vector<4x199x64xf32>,
    return
  }
}

</mosaic_0001>

<sc_bundles>
// kernel: kernel.4.cloned.1.call-start
scs
__scs_entry_jumppad:
0x0: {  	(pc) =	sbr.rel $0x88, $3  }
0x1: {  	(tag) =	ssettag $0x0;
	lr =	simm.s32 $0x1  }
0x2: {  	[smem:$0x3F98] =	sst lr;
	_ =	strace $0xD0000000  }
0x3: {  	_ = 	snop  }
0x4: {  	_ = 	snop  }
0x5: {  	_ = 	snop  }
0x6: {  	_ = 	snop  }
0x7: {  	_ = 	snop  }
__scs_overlays_trampoline_lowered:
0x8: {  	[smem:$0x3FA7] =	sst s0  }
0x9: {  	[smem:$0x3FA8] =	sst s1  }
0xa: {  	[smem:$0x3FA9] =	sst s2  }
0xb: {  	[smem:$0x3FAA] =	sst s3  }
0xc: {  	[smem:$0x3FAB] =	sst s4  }
0xd: {  	[smem:$0x3FAC] =	sst s5  }
0xe: {  	[smem:$0x3FAD] =	sst s6  }
0xf: {  	[smem:$0x3FAE] =	sst s7  }
0x10: {  	[smem:$0x3FAF] =	sst s8  }
0x11: {  	[smem:$0x3FB0] =	sst s9;
	s0 =	simm.s32 @!p0 $0x0  }
0x12: {  	s1 =	sld [smem:$0x3F96];
	s0 =	simm.s32 @p0 $0x1  }
0x13: {  	[smem:$0x3FB1] =	sst s0;
	s0 =	simm.s32 @!p1 $0x0  }
0x14: {  	s2 =	sld [smem:$0x3F95];
	s0 =	simm.s32 @p1 $0x1  }
0x15: {  	[smem:$0x3FB2] =	sst s0;
	s0 =	simm.s32 @!p2 $0x0  }
0x16: {  	s3 =	sld [smem:$0x3FDB];
	s0 =	simm.s32 @p2 $0x1  }
0x17: {  	s4 =	simm.s32 $0x1BF5;
	[smem:$0x3FB4] =	sst s0  }
0x18: {  	s0 =	sld [smem:$0x3F97];
	_ =	swait.ge [sflag:s4], $0x0  }
0x19: {  	s7 =	sld [smem:$0x3F98]  }
0x1a: {  	s8 =	sadd.s32 $0xFFFFE003, lr  }
0x1b: {  	s9 =	sadd.s32 $0xFFFFFEF7, lr;
	s5 =	simm.s32 $0xFFFFFFFF;
	p2 =	slt.u32 s8, $0xFFFFF086  }
0x1c: {  	p1 =	slt.u32 s9, $0xF7A;
	s5 =	simm.s32 @!p2 $0x0  }
0x1d: {  	s5 =	simm.s32 @p1 $0x1;
	p0 =	seq.s32 s7, s2  }
0x1e: {  	s7 =	smul.u32 @!p0 $0xF7A, s2;
	p2 =	seq.s32 @!p0 s5, $0x0  }
0x1f: {  	s9 =	smul.u32 $0xF7A, s1;
	s8 =	simm.s32 @!p0 $0x1BF5;
	p2 =	por !p2, p0  }
0x20: {  	[sflag:s8] =	ssyncset.s32 @!p0 $0xFFFFF086;
	s6 =	sadd.s32 @!p0 s3, s7;
	s7 =	simm.s32 @!p0 $0x108  }
0x21: {  	s3 =	sadd.s32 s3, s9;
	s6 =	sadd.s32 @!p0 $0x88, s6;
	s7 =	simm.s32 @p2 $0x1082  }
0x22: {  	[simem:s7], [sflag:s8] =	dma.local @!p0 [hbm:s6], $0xF7A  }
0x23: {  	s9 =	sor.u32 $0xD0000000, s2;
	s6 =	simm.s32 $0x108;
	_ =	swait.ge @!p0 [sflag:s8], $0x0  }
0x24: {  	s3 =	sadd.s32 $0x88, s3;
	s6 =	simm.s32 @!p1 $0x1082;
	[sflag:s4] =	ssyncset.s32 $0xFFFFF086  }
0x25: {  	[simem:s6], [sflag:s4] =	dma.local [hbm:s3], $0xF7A  }
0x26: {  	[smem:$0x3F98] =	sst s1;
	(tag) =	ssettag s2;
	_ =	strace s9  }
0x27: {  	s1 =	sld [smem:$0x3FA8]  }
0x28: {  	s2 =	sld [smem:$0x3FA9]  }
0x29: {  	s4 =	sld [smem:$0x3FAB]  }
0x2a: {  	p0 =	seq.s32 s5, $0x0;
	s5 =	sld [smem:$0x3FAC]  }
0x2b: {  	s6 =	sld [smem:$0x3FAD]  }
0x2c: {  	s7 =	sld [smem:$0x3FAE]  }
0x2d: {  	s3 =	simm.s32 $0x108;
	s8 =	sld [smem:$0x3FAF]  }
0x2e: {  	s3 =	simm.s32 @!p0 $0x1082;
	s9 =	sld [smem:$0x3FB0]  }
0x2f: {  	lr =	sadd.s32 s0, s3;
	s0 =	sld [smem:$0x3FA7]  }
0x30: {  	s3 =	sld [smem:$0x3FAA]  }
0x31: {  	[smem:$0x3FB3] =	sst s10  }
0x32: {  	s10 =	sld [smem:$0x3FB1];
	_ =	sdelay $0x3  }
0x33: {  	p0 =	seq.s32 s10, $0x1;
	s10 =	sld [smem:$0x3FB3];
	_ =	sdelay $0x3  }
0x34: {  	[smem:$0x3FB3] =	sst s10  }
0x35: {  	s10 =	sld [smem:$0x3FB2];
	_ =	sdelay $0x3  }
0x36: {  	p1 =	seq.s32 s10, $0x1;
	s10 =	sld [smem:$0x3FB3];
	_ =	sdelay $0x3  }
0x37: {  	[smem:$0x3FB3] =	sst s10  }
0x38: {  	s10 =	sld [smem:$0x3FB4]  }
0x39: {  	_ = 	snop;
	(pc) =	sbr.ind lr, $3  }
0x3a: {  	_ = 	snop  }
0x3b: {  	_ = 	snop  }
0x3c: {  	p2 =	seq.s32 s10, $0x1;
	s10 =	sld [smem:$0x3FB3]  }
0x3d: {  	_ =	shalt  }
0x3e: {  	_ =	shalt  }
0x3f: {  	_ =	shalt  }
0x40: {  	_ =	shalt  }
0x41: {  	_ =	shalt  }
0x42: {  	_ =	shalt  }
0x43: {  	_ =	shalt  }
0x44: {  	_ =	shalt  }
0x45: {  	_ =	shalt  }
0x46: {  	_ =	shalt  }
0x47: {  	_ =	shalt  }
0x48: {  	_ =	shalt  }
0x49: {  	_ =	shalt  }
0x4a: {  	_ =	shalt  }
0x4b: {  	_ =	shalt  }
0x4c: {  	_ =	shalt  }
0x4d: {  	_ =	shalt  }
0x4e: {  	_ =	shalt  }
0x4f: {  	_ =	shalt  }
0x50: {  	_ =	shalt  }
0x51: {  	_ =	shalt  }
0x52: {  	_ =	shalt  }
0x53: {  	_ =	shalt  }
0x54: {  	_ =	shalt  }
0x55: {  	_ =	shalt  }
0x56: {  	_ =	shalt  }
0x57: {  	_ =	shalt  }
0x58: {  	_ =	shalt  }
0x59: {  	_ =	shalt  }
0x5a: {  	_ =	shalt  }
0x5b: {  	_ =	shalt  }
0x5c: {  	_ =	shalt  }
0x5d: {  	_ =	shalt  }
0x5e: {  	_ =	shalt  }
0x5f: {  	_ =	shalt  }
0x60: {  	_ =	shalt  }
0x61: {  	_ =	shalt  }
0x62: {  	_ =	shalt  }
0x63: {  	_ =	shalt  }
0x64: {  	_ =	shalt  }
0x65: {  	_ =	shalt  }
0x66: {  	_ =	shalt  }
0x67: {  	_ =	shalt  }
0x68: {  	_ =	shalt  }
0x69: {  	_ =	shalt  }
0x6a: {  	_ =	shalt  }
0x6b: {  	_ =	shalt  }
0x6c: {  	_ =	shalt  }
0x6d: {  	_ =	shalt  }
0x6e: {  	_ =	shalt  }
0x6f: {  	_ =	shalt  }
0x70: {  	_ =	shalt  }
0x71: {  	_ =	shalt  }
0x72: {  	_ =	shalt  }
0x73: {  	_ =	shalt  }
0x74: {  	_ =	shalt  }
0x75: {  	_ =	shalt  }
0x76: {  	_ =	shalt  }
0x77: {  	_ =	shalt  }
0x78: {  	_ =	shalt  }
0x79: {  	_ =	shalt  }
0x7a: {  	_ =	shalt  }
0x7b: {  	_ =	shalt  }
0x7c: {  	_ =	shalt  }
0x7d: {  	_ =	shalt  }
0x7e: {  	_ =	shalt  }
0x7f: {  	_ =	shalt  }
0x80: {  	_ =	shalt  }
0x81: {  	_ =	shalt  }
0x82: {  	_ =	shalt  }
0x83: {  	_ =	shalt  }
0x84: {  	_ =	shalt  }
0x85: {  	_ =	shalt  }
0x86: {  	_ =	shalt  }
0x87: {  	_ =	shalt  }
.Lfunc_end0:
.L_simem_size_0:
called_computation_lowered:
.L_overlay_start_0:
0x88: {  	s2 =	sld [smem:$0x3FD9]  }
0x89: {  	s3 =	sld [smem:$0x3FFE];
	_ =	sdelay $0x1  }
0x8a: {  	s1 =	srdreg.scid  }
0x8b: {  	s0 =	sand.u32 $0x1, s1  }
0x8c: {  	s17 =	sshll.u32 s0, $0xA;
	s2 =	sadd.s32 s3, s2  }
0x8d: {  	s2 =	sadd.s32 s2, s17  }
0x8e: {  	[smem:$0x3FBF] =	sst s2  }
0x8f: {  	_ = 	snop  }
0x90: {  	s2 =	sld [smem:$0x3FD0];
	(tm) =	ssettm $0x1  }
0x91: {  	s18 =	sld [smem:$0x3FFB];
	_ =	sdelay $0x3  }
0x92: {  	_ =	strace s18  }
0x93: {  	s3 =	sld [smem:$0x3FFC];
	_ =	sdelay $0x3  }
0x94: {  	_ =	strace s3  }
0x95: {  	s3 =	sld [smem:$0x3FFD];
	_ =	sdelay $0x3  }
0x96: {  	_ =	strace s3  }
0x97: {  	_ =	strace $0x8FFFFFFF  }
0x98: {  	s19 =	sld [smem:$0x3FDB];
	_ =	sdelay $0x1  }
0x99: {  	s4 =	simm.s32 $_scs_section_size  }
0x9a: {  	s5 =	simm.s32 $_size__tile_overlayer_lowered;
	s6 =	simm.s32 $_tile_overlayer_lowered  }
0x9b: {  	s22 =	simm.s32 $0x1BFF;
	s21 =	sshll.u32 s6, $0x1;
	s3 =	sadd.s32 s4, s19  }
0x9c: {  	s7 =	simm.s32 $0x0;
	s20 =	sshll.u32 s5, $0x1;
	s5 =	sadd.s32 s21, s3  }
0x9d: {  	[timem:s7], [sflag:s22] =	dma.local [hbm:s5], s20  }
0x9e: {  	_ =	swait.ge [sflag:s22], s20  }
0x9f: {  	s4 =	ssub.s32 $0x0, s20;
	[sflag:s22] =	ssyncset.done $0x0  }
0xa0: {  	[sflag:s22] =	ssyncadd.s32 s4;
	_ =	sdelay $0x1  }
0xa1: {  	s23 =	simm.s32 $0x1B8B  }
0xa2: {  	_ =	swait.ge [sflag:s23], $0x1  }
0xa3: {  	[sflag:s23] =	ssyncset.done $0x0  }
0xa4: {  	s25 =	simm.s32 $0x1B8E;
	s24 =	sld [smem:$0x3FFE];
	[sflag:s23] =	ssyncadd.s32 $0xFFFFFFFF  }
0xa5: {  	s26 =	simm.s32 $execute0_lowered;
	[smem:$0x3FD2] =	sst s25  }
0xa6: {  	s5 =	sshll.u32 s26, $0x1;
	_ =	strace $0x80000046;
	[dreg:$0x1] =	wrdreg $0xFFFFFFFF  }
0xa7: {  	s28 =	simm.s32 $_size_execute0_lowered;
	s3 =	sadd.s32 s3, s5;
	[dreg:$0x0] =	wrdreg $0x0  }
0xa8: {  	s5 =	sshll.u32 s28, $0x1;
	[dreg:$0x2] =	wrdreg s3  }
0xa9: {  	[dreg:$0x3] =	wrdreg s5  }
0xaa: {  	[dreg:$0x4] =	wrdreg $0xC0  }
0xab: {  	_ =	task [dreg:s7], $0x5FFFF  }
0xac: {  	[dreg:$0x1] =	wrdreg $0xFFFFFFFF  }
0xad: {  	[dreg:$0x0] =	wrdreg $0x60  }
0xae: {  	[dreg:$0x2] =	wrdreg s24  }
0xaf: {  	[dreg:$0x3] =	wrdreg s2  }
0xb0: {  	[dreg:$0x4] =	wrdreg $0x9  }
0xb1: {  	_ =	task.clear_ibuf [dreg:s7], $0x5FFFF;
	_ =	strace $0x90000046  }
0xb2: {  	s29 =	simm.s32 $0x9;
	_ =	strace $0x80000048  }
0xb3: {  	_ =	swait.ge [sflag:s29], $0x1  }
0xb4: {  	[sflag:s29] =	ssyncadd.s32 $0xFFFFFFFF  }
0xb5: {  	_ =	strace $0x90000048  }
0xb6: {  	_ =	sfence  }
0xb7: {  	s30 =	sld [smem:$0x0];
	_ =	sdelay $0x2  }
0xb8: {  	s31 =	sshll.u32 s1, $0xD;
	s1 =	sshrl.u32 s1, $0x2  }
0xb9: {  	s3 =	sand.u32 $0x4000, s31;
	s1 =	sadd.s32 s1, s30  }
0xba: {  	s0 =	sor.u32 s3, s0;
	s1 =	sshll.u32 s1, $0x11  }
0xbb: {  	s0 =	sor.u32 s1, s0  }
0xbc: {  	s0 =	sadd.s32 $0x8F2B, s0  }
0xbd: {  	[sflag:s0] =	ssyncadd.remote.s32 $0x1  }
0xbe: {  	_ =	sfence.sel $0xFFFF  }
0xbf: {  	[dreg:$0x0] =	wrdreg $0xFFFFFFFF;
	(pc) =	sbr.abs _section_cstart, $3  }
0xc0: {  	[dreg:$0x1] =	wrdreg $0xFFFFFFFF  }
0xc1: {  	_ =	task.clear_ibuf [dreg:s7], $0x2FFFF;
	_ =	strace $0x9FFFFFFF  }
0xc2: {  	(tm) =	ssettm $0x7FFFFFFF  }
0xc3: {  	_ =	shalt  }
tec
execute0_lowered:
.L_overlay_start_1:
0x0: {  	(tag) =	ssettag $0x1  }
0x1: {  	s0 =	rddreg [dreg:$0x0]  }
0x2: {  	s17 =	rddreg [dreg:$0x1]  }
0x3: {  	s3 =	simm.s32 $0x0;
	s1 =	srdreg.scid;
	s2 =	stileid.u32  }
0x4: {  	s31 =	simm.s32 $0x80;
	[smem:$0x7FF] =	sst s3;
	s4 =	sadd.s32 $0x6000, s0  }
0x5: {  	s1 =	sand.u32 $0x1, s1;
	s2 =	sshll.u32 s2, $0x1;
	s5 =	sadd.s32 $0x69800, s0  }
0x6: {  	s6 =	sadd.s32 $0x2000, s0;
	s7 =	sadd.s32 $0x4000, s0;
	s8 =	sadd.s32 $0x600, s0  }
0x7: {  	s14 =	sadd.s32 $0x1000, s17;
	_ =	strace $0x80000047;
	s2 =	sor.u32 s1, s2  }
0x8: {  	s1 =	ssub.s32 $0x2, s1;
	s9 =	sshll.u32 s2, $0x4;
	s18 =	sshll.u32 s2, $0x7  }
0x9: {  	s16 =	sshrl.u32 s1, $0x1;
	s9 =	sadd.s32 s4, s9;
	[dreg:$0x4] =	wrdreg s18  }
0xa: {  	s0 =	ssub.s32 s1, s16;
	s19 =	sor.u32 $0x3000, s18;
	[dreg:$0x3] =	wrdreg s9  }
0xb: {  	s1 =	sadd.s32 s18, s17;
	s9 =	sadd.s32 $0x200, s9;
	[dreg:$0x6] =	wrdreg s19  }
0xc: {  	s15 =	sadd.s32 $0x2000, s17;
	s20 =	sadd.s32 $0x630000, s1;
	[dreg:$0x5] =	wrdreg s9  }
0xd: {  	s28 =	sadd.s32 $0x5000, s17;
	s21 =	sadd.s32 $0x631000, s1;
	[dreg:$0x7] =	wrdreg s20  }
0xe: {  	s29 =	sadd.s32 $0x6000, s17;
	s22 =	sadd.s32 $0x632000, s1;
	[dreg:$0x8] =	wrdreg s21  }
0xf: {  	s30 =	sadd.s32 $0x7000, s17;
	s23 =	sadd.s32 $0x633000, s1;
	[dreg:$0x9] =	wrdreg s22  }
0x10: {  	s13 =	sshll.u32 s2, $0xA;
	s24 =	sadd.s32 $0x634000, s1;
	[dreg:$0xa] =	wrdreg s23  }
0x11: {  	s2 =	simm.s32 $0x5;
	s25 =	sadd.s32 $0x635000, s1;
	[dreg:$0xb] =	wrdreg s24  }
0x12: {  	s16 =	sadd.s32 $0x3000, s17;
	s26 =	sadd.s32 $0x636000, s1;
	[dreg:$0xc] =	wrdreg s25  }
0x13: {  	v0 =	vlaneseq.u32;
	s18 =	simm.s32 $0x2;
	s1 =	sadd.s32 $0x637000, s1;
	[dreg:$0xd] =	wrdreg s26  }
0x14: {  	v0 =	vmul.u32 $0x88, v0;
	s0 =	smax.u32 s0, $0x1;
	s19 =	simm.s32 $0x12700;
	[dreg:$0xe] =	wrdreg s1  }
0x15: {  	[dreg:$0xf] =	wrdreg s0;
	s26 =	sadd.s32 $0x4000, s17;
	s24 =	simm.s32 $0x1  }
0x16: {  	v1 =	vadd.s32 $0x880, v0;
	v2 =	vadd.s32 $0x1100, v0;
	v3 =	vadd.s32 $0x1980, v0;
	s21 =	simm.s32 $0x10500;
	s0 =	simm.s32 $0x6;
	s9 =	simm.s32 $0x0  }
.LBB2_1:
0x17: {  	[dreg:$0x10] =	wrdreg s9  }
0x18: {  	s1 =	rddreg [dreg:$0x3];
	s9 =	simm.s32 $0xC7000;
	s25 =	simm.s32 $0x7  }
0x19: {  	[tilespmem:s3], [sflag:$0x7] =	stream.strided.gather [hbm4b:s1+s31], $0x200, s9, s31, $0x38;
	[tilespmem:$0x14900] =	vst v63  }
0x1a: {  	_ =	swait.ge [sflag:s25], $0x200  }
0x1b: {  	[sflag:s25] =	ssyncset.done $0x0  }
0x1c: {  	[sflag:s25] =	ssyncadd.s32 $0xFFFFFE00  }
0x1d: {  	v4 =	vld [tilespmem:$0x180]  }
0x1e: {  	v5 =	vld [tilespmem:$0x190]  }
0x1f: {  	v6 =	vld [tilespmem:$0x1A0]  }
0x20: {  	v7 =	vld [tilespmem:$0x1B0]  }
0x21: {  	v8 =	vld [tilespmem:$0x1C0]  }
0x22: {  	v9 =	vld [tilespmem:$0x1D0];
	v4 =	vmul.u32 $0xC7, v4  }
0x23: {  	v10 =	vld [tilespmem:$0x1E0];
	v5 =	vmul.u32 $0xC7, v5  }
0x24: {  	v63 =	vld [tilespmem:$0x1F0];
	[tilespmem:$0x400] =	vst v4;
	v4 =	vmul.u32 $0xC7, v6  }
0x25: {  	[tilespmem:$0x410] =	vst v5;
	v5 =	vmul.u32 $0xC7, v7  }
0x26: {  	[tilespmem:$0x420] =	vst v4;
	v4 =	vmul.u32 $0xC7, v8  }
0x27: {  	[tilespmem:$0x430] =	vst v5;
	v5 =	vmul.u32 $0xC7, v9  }
0x28: {  	[tilespmem:$0x440] =	vst v4;
	v4 =	vmul.u32 $0xC7, v10  }
0x29: {  	[tilespmem:$0x450] =	vst v5;
	v5 =	vmul.u32 $0xC7, v63  }
0x2a: {  	[tilespmem:$0x460] =	vst v4  }
0x2b: {  	s10 =	simm.s32 $0x500;
	[tilespmem:$0x470] =	vst v5  }
0x2c: {  	[tilespmem:s10], [sflag:$0x1] =	stream.indirect.gather [hbm4b:s5+s31], $0x40, s3, s31, $0xb8;
	[tilespmem:$0x14900] =	vst v63  }
0x2d: {  	s11 =	simm.s32 $0x2500  }
0x2e: {  	[tilespmem:s11], [sflag:$0x1] =	stream.indirect.gather [hbm4b:s6+s31], $0x40, s31, s31, $0xb8;
	[tilespmem:$0x14900] =	vst v63  }
0x2f: {  	s12 =	simm.s32 $0x100;
	s10 =	simm.s32 $0x4500  }
0x30: {  	[tilespmem:s10], [sflag:$0x1] =	stream.indirect.gather [hbm4b:s7+s31], $0x40, s12, s31, $0xb8;
	[tilespmem:$0x14900] =	vst v63  }
0x31: {  	s20 =	simm.s32 $0x400;
	s22 =	simm.s32 $0x6500  }
0x32: {  	[tilespmem:s22], [sflag:$0x1] =	stream.indirect.gather [hbm4b:s8+s31], $0x40, s20, s31, $0xb8;
	[tilespmem:$0x14900] =	vst v63  }
0x33: {  	s23 =	rddreg [dreg:$0x5];
	s25 =	simm.s32 $0x200  }
0x34: {  	[tilespmem:s25], [sflag:$0x4] =	stream.strided.gather [hbm4b:s23+s31], $0x200, s9, s31, $0x38;
	[tilespmem:$0x14900] =	vst v63  }
0x35: {  	s25 =	simm.s32 $0x0  }
.LBB2_2:
0x36: {  	s1 =	simm.s32 $0x4  }
0x37: {  	_ =	swait.ge [sflag:s1], $0x200  }
0x38: {  	[sflag:s1] =	ssyncset.done $0x0  }
0x39: {  	[sflag:s1] =	ssyncadd.s32 $0xFFFFFE00  }
0x3a: {  	v4 =	vld [tilespmem:$0x380]  }
0x3b: {  	v5 =	vld [tilespmem:$0x390]  }
0x3c: {  	v6 =	vld [tilespmem:$0x3A0]  }
0x3d: {  	v7 =	vld [tilespmem:$0x3B0]  }
0x3e: {  	v8 =	vld [tilespmem:$0x3C0]  }
0x3f: {  	v9 =	vld [tilespmem:$0x3D0];
	v4 =	vmul.u32 $0xC7, v4  }
0x40: {  	s23 =	sshllo.u32 s25, $0x1;
	v10 =	vld [tilespmem:$0x3E0];
	v5 =	vmul.u32 $0xC7, v5  }
0x41: {  	v11 =	vld [tilespmem:$0x3F0];
	v6 =	vmul.u32 $0xC7, v6;
	v4 =	vadd.s32 s23, v4  }
0x42: {  	[tilespmem:$0x480] =	vst v4;
	v4 =	vadd.s32 s23, v5;
	v5 =	vmul.u32 $0xC7, v7  }
0x43: {  	[tilespmem:$0x490] =	vst v4;
	v4 =	vadd.s32 s23, v6;
	v6 =	vmul.u32 $0xC7, v8  }
0x44: {  	[tilespmem:$0x4A0] =	vst v4;
	v4 =	vadd.s32 s23, v5;
	v5 =	vmul.u32 $0xC7, v9  }
0x45: {  	[tilespmem:$0x4B0] =	vst v4;
	v4 =	vadd.s32 s23, v6;
	v6 =	vmul.u32 $0xC7, v10  }
0x46: {  	[tilespmem:$0x4C0] =	vst v4;
	v4 =	vadd.s32 s23, v5;
	v5 =	vmul.u32 $0xC7, v11  }
0x47: {  	[tilespmem:$0x4D0] =	vst v4;
	v4 =	vadd.s32 s23, v6  }
0x48: {  	[tilespmem:$0x4E0] =	vst v4;
	v4 =	vadd.s32 s23, v5  }
0x49: {  	s10 =	simm.s32 $0x200;
	s9 =	simm.s32 $0x8500;
	[tilespmem:$0x4F0] =	vst v4  }
0x4a: {  	[tilespmem:s9], [sflag:$0x2] =	stream.indirect.gather [hbm4b:s5+s31], $0x40, s10, s31, $0xb8;
	[tilespmem:$0x14900] =	vst v63  }
0x4b: {  	s11 =	simm.s32 $0x280;
	s12 =	simm.s32 $0xA500  }
0x4c: {  	[tilespmem:s12], [sflag:$0x2] =	stream.indirect.gather [hbm4b:s6+s31], $0x40, s11, s31, $0xb8;
	[tilespmem:$0x14900] =	vst v63  }
0x4d: {  	s20 =	simm.s32 $0x300;
	s22 =	simm.s32 $0xC500  }
0x4e: {  	[tilespmem:s22], [sflag:$0x2] =	stream.indirect.gather [hbm4b:s7+s31], $0x40, s20, s31, $0xb8;
	[tilespmem:$0x14900] =	vst v63  }
0x4f: {  	s10 =	simm.s32 $0x480;
	s11 =	simm.s32 $0xE500  }
0x50: {  	[tilespmem:s11], [sflag:$0x2] =	stream.indirect.gather [hbm4b:s8+s31], $0x40, s10, s31, $0xb8;
	[tilespmem:$0x14900] =	vst v63  }
0x51: {  	_ =	swait.ge [sflag:s24], $0x2000  }
0x52: {  	[sflag:s24] =	ssyncset.done $0x0  }
0x53: {  	[sflag:s24] =	ssyncadd.s32 $0xFFFFE000  }
0x54: {  	_ =	swait.ge [sflag:s24], $0x2000  }
0x55: {  	[sflag:s24] =	ssyncset.done $0x0  }
0x56: {  	[sflag:s24] =	ssyncadd.s32 $0xFFFFE000  }
0x57: {  	_ =	swait.ge [sflag:s24], $0x2000  }
0x58: {  	[sflag:s24] =	ssyncset.done $0x0  }
0x59: {  	s12 =	sshll.u32 s25, $0x1;
	[sflag:s24] =	ssyncadd.s32 $0xFFFFE000  }
0x5a: {  	s9 =	sadd.s32 $0x2, s12;
	_ =	swait.ge [sflag:s24], $0x2000  }
0x5b: {  	s1 =	sshll.u32 s9, $0xC;
	s10 =	rddreg [dreg:$0x4]  }
0x5c: {  	s1 =	sor.u32 s10, s1  }
0x5d: {  	s20 =	simm.s32 $0x0;
	[sflag:s24] =	ssyncset.done $0x0;
	s1 =	sshrl.u32 s1, $0x3  }
0x5e: {  	s11 =	simm.s32 $0xC7000;
	[sflag:s24] =	ssyncadd.s32 $0xFFFFE000;
	s1 =	sadd.s32 s4, s1  }
0x5f: {  	[tilespmem:s20], [sflag:$0x3] =	stream.strided.gather [hbm4b:s1+s31], $0x200, s11, s31, $0x38;
	[tilespmem:$0x14900] =	vst v63  }
0x60: {  	s11 =	simm.s32 $0x6520  }
0x61: {  	s22 =	simm.s32 $0x4520;
	v5 =	vld [tilespmem:s11+$0xFFFFFFE0]  }
0x62: {  	s1 =	simm.s32 $0x2520;
	v6 =	vld [tilespmem:s22+$0xFFFFFFE0]  }
0x63: {  	s12 =	simm.s32 $0x520;
	v7 =	vld [tilespmem:s1+$0xFFFFFFE0]  }
0x64: {  	v8 =	vld [tilespmem:s12+$0xFFFFFFE0];
	_ =	sdelay $0x1  }
0x65: {  	v4 =	vmov s20  }
0x66: {  	v4 =	vand.u32 $0x7F, v4  }
0x67: {  	v61 =	vadd.s32 v0, v4  }
0x68: {  	v5 =	vadd.f32 v5, v6;
	v6 =	vadd.f32 v7, v8;
	_ =	sdelay $0x1  }
0x69: {  	v5 =	vadd.f32 v5, v6;
	_ =	sdelay $0x1  }
0x6a: {  	[tilespmem:v61+s21+$0x0] =	vst.idx.msk $0xffff, v5  }
0x6b: {  	v5 =	vld [tilespmem:s11+$0xFFFFFFF0]  }
0x6c: {  	v6 =	vld [tilespmem:s1+$0xFFFFFFF0]  }
0x6d: {  	v7 =	vld [tilespmem:s22+$0xFFFFFFF0]  }
0x6e: {  	v8 =	vld [tilespmem:s12+$0xFFFFFFF0];
	_ =	sdelay $0x3  }
0x6f: {  	v62 =	vadd.s32 v1, v4  }
0x70: {  	v5 =	vadd.f32 v5, v7;
	v6 =	vadd.f32 v6, v8;
	_ =	sdelay $0x1  }
0x71: {  	v5 =	vadd.f32 v5, v6;
	_ =	sdelay $0x1  }
0x72: {  	[tilespmem:v62+s21+$0x0] =	vst.idx.msk $0xffff, v5  }
0x73: {  	v5 =	vld [tilespmem:s12+$0x0]  }
0x74: {  	v6 =	vld [tilespmem:s1+$0x0]  }
0x75: {  	v7 =	vld [tilespmem:s11+$0x0]  }
0x76: {  	v8 =	vld [tilespmem:s22+$0x0];
	_ =	sdelay $0x3  }
0x77: {  	v63 =	vadd.s32 v2, v4  }
0x78: {  	v5 =	vadd.f32 v6, v5;
	v6 =	vadd.f32 v7, v8;
	_ =	sdelay $0x1  }
0x79: {  	v5 =	vadd.f32 v6, v5;
	_ =	sdelay $0x1  }
0x7a: {  	[tilespmem:v63+s21+$0x0] =	vst.idx.msk $0xffff, v5  }
0x7b: {  	v5 =	vld [tilespmem:s12+$0x10]  }
0x7c: {  	v6 =	vld [tilespmem:s11+$0x10]  }
0x7d: {  	s10 =	simm.s32 $0x560;
	s12 =	simm.s32 $0x1;
	v7 =	vld [tilespmem:s1+$0x10]  }
.LBB2_3:
0x7e: {  	v8 =	vld [tilespmem:s22+$0x10];
	s1 =	sadd.s32 $0x40, s1;
	s22 =	sadd.s32 $0x40, s22;
	s11 =	sadd.s32 $0x40, s11  }
0x7f: {  	p0 =	sne.s32 s12, $0x7F;
	s20 =	smov.u32 s12;
	s12 =	sadd.s32 $0x1, s12  }
0x80: {  	_ = 	snop  }
0x81: {  	v4 =	vadd.s32 v3, v4  }
0x82: {  	v5 =	vadd.f32 v7, v5  }
0x83: {  	v6 =	vadd.f32 v6, v8;
	_ =	sdelay $0x1  }
0x84: {  	v5 =	vadd.f32 v6, v5;
	_ =	sdelay $0x1  }
0x85: {  	[tilespmem:v4+s21+$0x0] =	vst.idx.msk $0xffff, v5  }
0x86: {  	v4 =	vld [tilespmem:s11+$0xFFFFFFE0]  }
0x87: {  	v5 =	vld [tilespmem:s22+$0xFFFFFFE0]  }
0x88: {  	v6 =	vld [tilespmem:s1+$0xFFFFFFE0]  }
0x89: {  	v7 =	vld [tilespmem:s10+$0xFFFFFFE0];
	_ =	sdelay $0x1  }
0x8a: {  	v8 =	vmov s20  }
0x8b: {  	v5 =	vadd.f32 v4, v5;
	v4 =	vand.u32 $0x7F, v8  }
0x8c: {  	v8 =	vadd.s32 v0, v4  }
0x8d: {  	v6 =	vadd.f32 v6, v7;
	_ =	sdelay $0x1  }
0x8e: {  	v5 =	vadd.f32 v5, v6;
	_ =	sdelay $0x1  }
0x8f: {  	[tilespmem:v8+s21+$0x0] =	vst.idx.msk $0xffff, v5  }
0x90: {  	v5 =	vld [tilespmem:s11+$0xFFFFFFF0]  }
0x91: {  	v6 =	vld [tilespmem:s1+$0xFFFFFFF0]  }
0x92: {  	v7 =	vld [tilespmem:s22+$0xFFFFFFF0]  }
0x93: {  	v8 =	vld [tilespmem:s10+$0xFFFFFFF0];
	_ =	sdelay $0x3  }
0x94: {  	v5 =	vadd.f32 v5, v7;
	v7 =	vadd.s32 v1, v4  }
0x95: {  	v6 =	vadd.f32 v6, v8;
	_ =	sdelay $0x1  }
0x96: {  	v5 =	vadd.f32 v5, v6;
	_ =	sdelay $0x1  }
0x97: {  	[tilespmem:v7+s21+$0x0] =	vst.idx.msk $0xffff, v5  }
0x98: {  	v5 =	vld [tilespmem:s10+$0x0]  }
0x99: {  	v6 =	vld [tilespmem:s1+$0x0]  }
0x9a: {  	v7 =	vld [tilespmem:s11+$0x0]  }
0x9b: {  	v8 =	vld [tilespmem:s22+$0x0];
	_ =	sdelay $0x2  }
0x9c: {  	v5 =	vadd.f32 v6, v5  }
0x9d: {  	v6 =	vadd.s32 v2, v4  }
0x9e: {  	v7 =	vadd.f32 v7, v8;
	_ =	sdelay $0x1  }
0x9f: {  	v5 =	vadd.f32 v7, v5  }
.Ltmp0:
0xa0: {  	(pc) =	sbr.rel @p0 .LBB2_3-.Ltmp0, $4  }
0xa1: {  	[tilespmem:v6+s21+$0x0] =	vst.idx.msk $0xffff, v5  }
0xa2: {  	v5 =	vld [tilespmem:s10+$0x10]  }
0xa3: {  	v6 =	vld [tilespmem:s11+$0x10]  }
0xa4: {  	s10 =	sadd.s32 $0x40, s10;
	v7 =	vld [tilespmem:s1+$0x10]  }
0xa5: {  	v8 =	vld [tilespmem:s22+$0x10];
	_ =	sdelay $0x3  }
0xa6: {  	v4 =	vadd.s32 v3, v4  }
0xa7: {  	v5 =	vadd.f32 v7, v5;
	v6 =	vadd.f32 v6, v8  }
0xa8: {  	s1 =	sshll.u32 s25, $0x13  }
0xa9: {  	s1 =	sor.u32 s13, s1;
	v5 =	vadd.f32 v6, v5  }
0xaa: {  	s1 =	sshrl.u32 s1, $0x3  }
0xab: {  	s10 =	sadd.s32 s17, s1;
	[tilespmem:v4+s21+$0x0] =	vst.idx.msk $0xffff, v5  }
0xac: {  	[hbm4b:s10+s3] =	stream.linear.scatter [tilespmem:s21], [sflag:$0x5], $0x80, $0x38;
	[tilespmem:$0x14900] =	vst v63  }
0xad: {  	s12 =	simm.s32 $0x10588;
	s11 =	sadd.s32 $0x10, s10  }
0xae: {  	[hbm4b:s11+s3] =	stream.linear.scatter [tilespmem:s12], [sflag:$0x5], $0x80, $0x38;
	[tilespmem:$0x14900] =	vst v63  }
0xaf: {  	s22 =	simm.s32 $0x10610;
	s20 =	sadd.s32 $0x20, s10  }
0xb0: {  	[hbm4b:s20+s3] =	stream.linear.scatter [tilespmem:s22], [sflag:$0x5], $0x80, $0x38;
	[tilespmem:$0x14900] =	vst v63  }
0xb1: {  	s20 =	sadd.s32 $0x30, s10;
	s22 =	simm.s32 $0x10698  }
0xb2: {  	[hbm4b:s20+s3] =	stream.linear.scatter [tilespmem:s22], [sflag:$0x5], $0x80, $0x38;
	[tilespmem:$0x14900] =	vst v63  }
0xb3: {  	s20 =	sadd.s32 $0x40, s10;
	s22 =	simm.s32 $0x10720  }
0xb4: {  	[hbm4b:s20+s3] =	stream.linear.scatter [tilespmem:s22], [sflag:$0x5], $0x80, $0x38;
	[tilespmem:$0x14900] =	vst v63  }
0xb5: {  	s20 =	sadd.s32 $0x50, s10;
	s22 =	simm.s32 $0x107A8  }
0xb6: {  	[hbm4b:s20+s3] =	stream.linear.scatter [tilespmem:s22], [sflag:$0x5], $0x80, $0x38;
	[tilespmem:$0x14900] =	vst v63  }
0xb7: {  	s12 =	sadd.s32 $0x60, s10;
	s20 =	simm.s32 $0x10830  }
0xb8: {  	[hbm4b:s12+s3] =	stream.linear.scatter [tilespmem:s20], [sflag:$0x5], $0x80, $0x38;
	[tilespmem:$0x14900] =	vst v63  }
0xb9: {  	s10 =	sadd.s32 $0x70, s10;
	s22 =	simm.s32 $0x108B8  }
0xba: {  	[hbm4b:s10+s3] =	stream.linear.scatter [tilespmem:s22], [sflag:$0x5], $0x80, $0x38;
	[tilespmem:$0x14900] =	vst v63  }
0xbb: {  	s12 =	simm.s32 $0x10940;
	s10 =	sadd.s32 s1, s14  }
0xbc: {  	[hbm4b:s10+s3] =	stream.linear.scatter [tilespmem:s12], [sflag:$0x5], $0x80, $0x38;
	[tilespmem:$0x14900] =	vst v63  }
0xbd: {  	s22 =	simm.s32 $0x109C8;
	s20 =	sadd.s32 $0x10, s10  }
0xbe: {  	[hbm4b:s20+s3] =	stream.linear.scatter [tilespmem:s22], [sflag:$0x5], $0x80, $0x38;
	[tilespmem:$0x14900] =	vst v63  }
0xbf: {  	s20 =	sadd.s32 $0x20, s10;
	s22 =	simm.s32 $0x10A50  }
0xc0: {  	[hbm4b:s20+s3] =	stream.linear.scatter [tilespmem:s22], [sflag:$0x5], $0x80, $0x38;
	[tilespmem:$0x14900] =	vst v63  }
0xc1: {  	s20 =	sadd.s32 $0x30, s10;
	s22 =	simm.s32 $0x10AD8  }
0xc2: {  	[hbm4b:s20+s3] =	stream.linear.scatter [tilespmem:s22], [sflag:$0x5], $0x80, $0x38;
	[tilespmem:$0x14900] =	vst v63  }
0xc3: {  	s20 =	sadd.s32 $0x40, s10;
	s22 =	simm.s32 $0x10B60  }
0xc4: {  	[hbm4b:s20+s3] =	stream.linear.scatter [tilespmem:s22], [sflag:$0x5], $0x80, $0x38;
	[tilespmem:$0x14900] =	vst v63  }
0xc5: {  	s20 =	sadd.s32 $0x50, s10;
	s22 =	simm.s32 $0x10BE8  }
0xc6: {  	[hbm4b:s20+s3] =	stream.linear.scatter [tilespmem:s22], [sflag:$0x5], $0x80, $0x38;
	[tilespmem:$0x14900] =	vst v63  }
0xc7: {  	s12 =	sadd.s32 $0x60, s10;
	s20 =	simm.s32 $0x10C70  }
0xc8: {  	[hbm4b:s12+s3] =	stream.linear.scatter [tilespmem:s20], [sflag:$0x5], $0x80, $0x38;
	[tilespmem:$0x14900] =	vst v63  }
0xc9: {  	s10 =	sadd.s32 $0x70, s10;
	s22 =	simm.s32 $0x10CF8  }
0xca: {  	[hbm4b:s10+s3] =	stream.linear.scatter [tilespmem:s22], [sflag:$0x5], $0x80, $0x38;
	[tilespmem:$0x14900] =	vst v63  }
0xcb: {  	s12 =	simm.s32 $0x10D80;
	s10 =	sadd.s32 s1, s15  }
0xcc: {  	[hbm4b:s10+s3] =	stream.linear.scatter [tilespmem:s12], [sflag:$0x5], $0x80, $0x38;
	[tilespmem:$0x14900] =	vst v63  }
0xcd: {  	s22 =	simm.s32 $0x10E08;
	s20 =	sadd.s32 $0x10, s10  }
0xce: {  	[hbm4b:s20+s3] =	stream.linear.scatter [tilespmem:s22], [sflag:$0x5], $0x80, $0x38;
	[tilespmem:$0x14900] =	vst v63  }
0xcf: {  	s20 =	sadd.s32 $0x20, s10;
	s22 =	simm.s32 $0x10E90  }
0xd0: {  	[hbm4b:s20+s3] =	stream.linear.scatter [tilespmem:s22], [sflag:$0x5], $0x80, $0x38;
	[tilespmem:$0x14900] =	vst v63  }
0xd1: {  	s20 =	sadd.s32 $0x30, s10;
	s22 =	simm.s32 $0x10F18  }
0xd2: {  	[hbm4b:s20+s3] =	stream.linear.scatter [tilespmem:s22], [sflag:$0x5], $0x80, $0x38;
	[tilespmem:$0x14900] =	vst v63  }
0xd3: {  	s20 =	sadd.s32 $0x40, s10;
	s22 =	simm.s32 $0x10FA0  }
0xd4: {  	[hbm4b:s20+s3] =	stream.linear.scatter [tilespmem:s22], [sflag:$0x5], $0x80, $0x38;
	[tilespmem:$0x14900] =	vst v63  }
0xd5: {  	s20 =	sadd.s32 $0x50, s10;
	s22 =	simm.s32 $0x11028  }
0xd6: {  	[hbm4b:s20+s3] =	stream.linear.scatter [tilespmem:s22], [sflag:$0x5], $0x80, $0x38;
	[tilespmem:$0x14900] =	vst v63  }
0xd7: {  	s12 =	sadd.s32 $0x60, s10;
	s20 =	simm.s32 $0x110B0  }
0xd8: {  	[hbm4b:s12+s3] =	stream.linear.scatter [tilespmem:s20], [sflag:$0x5], $0x80, $0x38;
	[tilespmem:$0x14900] =	vst v63  }
0xd9: {  	s10 =	sadd.s32 $0x70, s10;
	s22 =	simm.s32 $0x11138  }
0xda: {  	[hbm4b:s10+s3] =	stream.linear.scatter [tilespmem:s22], [sflag:$0x5], $0x80, $0x38;
	[tilespmem:$0x14900] =	vst v63  }
0xdb: {  	s12 =	simm.s32 $0x111C0;
	s10 =	sadd.s32 s1, s16  }
0xdc: {  	[hbm4b:s10+s3] =	stream.linear.scatter [tilespmem:s12], [sflag:$0x5], $0x80, $0x38;
	[tilespmem:$0x14900] =	vst v63  }
0xdd: {  	s22 =	simm.s32 $0x11248;
	s20 =	sadd.s32 $0x10, s10  }
0xde: {  	[hbm4b:s20+s3] =	stream.linear.scatter [tilespmem:s22], [sflag:$0x5], $0x80, $0x38;
	[tilespmem:$0x14900] =	vst v63  }
0xdf: {  	s20 =	sadd.s32 $0x20, s10;
	s22 =	simm.s32 $0x112D0  }
0xe0: {  	[hbm4b:s20+s3] =	stream.linear.scatter [tilespmem:s22], [sflag:$0x5], $0x80, $0x38;
	[tilespmem:$0x14900] =	vst v63  }
0xe1: {  	s20 =	sadd.s32 $0x30, s10;
	s22 =	simm.s32 $0x11358  }
0xe2: {  	[hbm4b:s20+s3] =	stream.linear.scatter [tilespmem:s22], [sflag:$0x5], $0x80, $0x38;
	[tilespmem:$0x14900] =	vst v63  }
0xe3: {  	s20 =	sadd.s32 $0x40, s10;
	s22 =	simm.s32 $0x113E0  }
0xe4: {  	[hbm4b:s20+s3] =	stream.linear.scatter [tilespmem:s22], [sflag:$0x5], $0x80, $0x38;
	[tilespmem:$0x14900] =	vst v63  }
0xe5: {  	s20 =	sadd.s32 $0x50, s10;
	s22 =	simm.s32 $0x11468  }
0xe6: {  	[hbm4b:s20+s3] =	stream.linear.scatter [tilespmem:s22], [sflag:$0x5], $0x80, $0x38;
	[tilespmem:$0x14900] =	vst v63  }
0xe7: {  	s12 =	sadd.s32 $0x60, s10;
	s20 =	simm.s32 $0x114F0  }
0xe8: {  	[hbm4b:s12+s3] =	stream.linear.scatter [tilespmem:s20], [sflag:$0x5], $0x80, $0x38;
	[tilespmem:$0x14900] =	vst v63  }
0xe9: {  	s10 =	sadd.s32 $0x70, s10;
	s22 =	simm.s32 $0x11578  }
0xea: {  	[hbm4b:s10+s3] =	stream.linear.scatter [tilespmem:s22], [sflag:$0x5], $0x80, $0x38;
	[tilespmem:$0x14900] =	vst v63  }
0xeb: {  	s12 =	simm.s32 $0x11600;
	s10 =	sadd.s32 s1, s26  }
0xec: {  	[hbm4b:s10+s3] =	stream.linear.scatter [tilespmem:s12], [sflag:$0x5], $0x80, $0x38;
	[tilespmem:$0x14900] =	vst v63  }
0xed: {  	s22 =	simm.s32 $0x11688;
	s20 =	sadd.s32 $0x10, s10  }
0xee: {  	[hbm4b:s20+s3] =	stream.linear.scatter [tilespmem:s22], [sflag:$0x5], $0x80, $0x38;
	[tilespmem:$0x14900] =	vst v63  }
0xef: {  	s20 =	sadd.s32 $0x20, s10;
	s22 =	simm.s32 $0x11710  }
0xf0: {  	[hbm4b:s20+s3] =	stream.linear.scatter [tilespmem:s22], [sflag:$0x5], $0x80, $0x38;
	[tilespmem:$0x14900] =	vst v63  }
0xf1: {  	s20 =	sadd.s32 $0x30, s10;
	s22 =	simm.s32 $0x11798  }
0xf2: {  	[hbm4b:s20+s3] =	stream.linear.scatter [tilespmem:s22], [sflag:$0x5], $0x80, $0x38;
	[tilespmem:$0x14900] =	vst v63  }
0xf3: {  	s20 =	sadd.s32 $0x40, s10;
	s22 =	simm.s32 $0x11820  }
0xf4: {  	[hbm4b:s20+s3] =	stream.linear.scatter [tilespmem:s22], [sflag:$0x5], $0x80, $0x38;
	[tilespmem:$0x14900] =	vst v63  }
0xf5: {  	s20 =	sadd.s32 $0x50, s10;
	s22 =	simm.s32 $0x118A8  }
0xf6: {  	[hbm4b:s20+s3] =	stream.linear.scatter [tilespmem:s22], [sflag:$0x5], $0x80, $0x38;
	[tilespmem:$0x14900] =	vst v63  }
0xf7: {  	s12 =	sadd.s32 $0x60, s10;
	s20 =	simm.s32 $0x11930  }
0xf8: {  	[hbm4b:s12+s3] =	stream.linear.scatter [tilespmem:s20], [sflag:$0x5], $0x80, $0x38;
	[tilespmem:$0x14900] =	vst v63  }
0xf9: {  	s10 =	sadd.s32 $0x70, s10;
	s22 =	simm.s32 $0x119B8  }
0xfa: {  	[hbm4b:s10+s3] =	stream.linear.scatter [tilespmem:s22], [sflag:$0x5], $0x80, $0x38;
	[tilespmem:$0x14900] =	vst v63  }
0xfb: {  	s12 =	simm.s32 $0x11A40;
	s10 =	sadd.s32 s1, s28  }
0xfc: {  	[hbm4b:s10+s3] =	stream.linear.scatter [tilespmem:s12], [sflag:$0x5], $0x80, $0x38;
	[tilespmem:$0x14900] =	vst v63  }
0xfd: {  	s22 =	simm.s32 $0x11AC8;
	s20 =	sadd.s32 $0x10, s10  }
0xfe: {  	[hbm4b:s20+s3] =	stream.linear.scatter [tilespmem:s22], [sflag:$0x5], $0x80, $0x38;
	[tilespmem:$0x14900] =	vst v63  }
0xff: {  	s20 =	sadd.s32 $0x20, s10;
	s22 =	simm.s32 $0x11B50  }
0x100: {  	[hbm4b:s20+s3] =	stream.linear.scatter [tilespmem:s22], [sflag:$0x5], $0x80, $0x38;
	[tilespmem:$0x14900] =	vst v63  }
0x101: {  	s20 =	sadd.s32 $0x30, s10;
	s22 =	simm.s32 $0x11BD8  }
0x102: {  	[hbm4b:s20+s3] =	stream.linear.scatter [tilespmem:s22], [sflag:$0x5], $0x80, $0x38;
	[tilespmem:$0x14900] =	vst v63  }
0x103: {  	s20 =	sadd.s32 $0x40, s10;
	s22 =	simm.s32 $0x11C60  }
0x104: {  	[hbm4b:s20+s3] =	stream.linear.scatter [tilespmem:s22], [sflag:$0x5], $0x80, $0x38;
	[tilespmem:$0x14900] =	vst v63  }
0x105: {  	s20 =	sadd.s32 $0x50, s10;
	s22 =	simm.s32 $0x11CE8  }
0x106: {  	[hbm4b:s20+s3] =	stream.linear.scatter [tilespmem:s22], [sflag:$0x5], $0x80, $0x38;
	[tilespmem:$0x14900] =	vst v63  }
0x107: {  	s12 =	sadd.s32 $0x60, s10;
	s20 =	simm.s32 $0x11D70  }
0x108: {  	[hbm4b:s12+s3] =	stream.linear.scatter [tilespmem:s20], [sflag:$0x5], $0x80, $0x38;
	[tilespmem:$0x14900] =	vst v63  }
0x109: {  	s10 =	sadd.s32 $0x70, s10;
	s22 =	simm.s32 $0x11DF8  }
0x10a: {  	[hbm4b:s10+s3] =	stream.linear.scatter [tilespmem:s22], [sflag:$0x5], $0x80, $0x38;
	[tilespmem:$0x14900] =	vst v63  }
0x10b: {  	s12 =	simm.s32 $0x11E80;
	s10 =	sadd.s32 s1, s29  }
0x10c: {  	[hbm4b:s10+s3] =	stream.linear.scatter [tilespmem:s12], [sflag:$0x5], $0x80, $0x38;
	[tilespmem:$0x14900] =	vst v63  }
0x10d: {  	s22 =	simm.s32 $0x11F08;
	s20 =	sadd.s32 $0x10, s10  }
0x10e: {  	[hbm4b:s20+s3] =	stream.linear.scatter [tilespmem:s22], [sflag:$0x5], $0x80, $0x38;
	[tilespmem:$0x14900] =	vst v63  }
0x10f: {  	s20 =	sadd.s32 $0x20, s10;
	s22 =	simm.s32 $0x11F90  }
0x110: {  	[hbm4b:s20+s3] =	stream.linear.scatter [tilespmem:s22], [sflag:$0x5], $0x80, $0x38;
	[tilespmem:$0x14900] =	vst v63  }
0x111: {  	s20 =	sadd.s32 $0x30, s10;
	s22 =	simm.s32 $0x12018  }
0x112: {  	[hbm4b:s20+s3] =	stream.linear.scatter [tilespmem:s22], [sflag:$0x5], $0x80, $0x38;
	[tilespmem:$0x14900] =	vst v63  }
0x113: {  	s20 =	sadd.s32 $0x40, s10;
	s22 =	simm.s32 $0x120A0  }
0x114: {  	[hbm4b:s20+s3] =	stream.linear.scatter [tilespmem:s22], [sflag:$0x5], $0x80, $0x38;
	[tilespmem:$0x14900] =	vst v63  }
0x115: {  	s20 =	sadd.s32 $0x50, s10;
	s22 =	simm.s32 $0x12128  }
0x116: {  	[hbm4b:s20+s3] =	stream.linear.scatter [tilespmem:s22], [sflag:$0x5], $0x80, $0x38;
	[tilespmem:$0x14900] =	vst v63  }
0x117: {  	s12 =	sadd.s32 $0x60, s10;
	s20 =	simm.s32 $0x121B0  }
0x118: {  	[hbm4b:s12+s3] =	stream.linear.scatter [tilespmem:s20], [sflag:$0x5], $0x80, $0x38;
	[tilespmem:$0x14900] =	vst v63  }
0x119: {  	s10 =	sadd.s32 $0x70, s10;
	s22 =	simm.s32 $0x12238  }
0x11a: {  	[hbm4b:s10+s3] =	stream.linear.scatter [tilespmem:s22], [sflag:$0x5], $0x80, $0x38;
	[tilespmem:$0x14900] =	vst v63  }
0x11b: {  	s1 =	sadd.s32 s1, s30;
	s12 =	simm.s32 $0x122C0  }
0x11c: {  	[hbm4b:s1+s3] =	stream.linear.scatter [tilespmem:s12], [sflag:$0x5], $0x80, $0x38;
	[tilespmem:$0x14900] =	vst v63  }
0x11d: {  	s20 =	sadd.s32 $0x10, s1;
	s22 =	simm.s32 $0x12348  }
0x11e: {  	[hbm4b:s20+s3] =	stream.linear.scatter [tilespmem:s22], [sflag:$0x5], $0x80, $0x38;
	[tilespmem:$0x14900] =	vst v63  }
0x11f: {  	s11 =	sadd.s32 $0x20, s1;
	s12 =	simm.s32 $0x123D0  }
0x120: {  	[hbm4b:s11+s3] =	stream.linear.scatter [tilespmem:s12], [sflag:$0x5], $0x80, $0x38;
	[tilespmem:$0x14900] =	vst v63  }
0x121: {  	s20 =	sadd.s32 $0x30, s1;
	s22 =	simm.s32 $0x12458  }
0x122: {  	[hbm4b:s20+s3] =	stream.linear.scatter [tilespmem:s22], [sflag:$0x5], $0x80, $0x38;
	[tilespmem:$0x14900] =	vst v63  }
0x123: {  	s11 =	sadd.s32 $0x40, s1;
	s12 =	simm.s32 $0x124E0  }
0x124: {  	[hbm4b:s11+s3] =	stream.linear.scatter [tilespmem:s12], [sflag:$0x5], $0x80, $0x38;
	[tilespmem:$0x14900] =	vst v63  }
0x125: {  	s20 =	sadd.s32 $0x50, s1;
	s22 =	simm.s32 $0x12568  }
0x126: {  	[hbm4b:s20+s3] =	stream.linear.scatter [tilespmem:s22], [sflag:$0x5], $0x80, $0x38;
	[tilespmem:$0x14900] =	vst v63  }
0x127: {  	s12 =	sadd.s32 $0x60, s1;
	s20 =	simm.s32 $0x125F0  }
0x128: {  	[hbm4b:s12+s3] =	stream.linear.scatter [tilespmem:s20], [sflag:$0x5], $0x80, $0x38;
	[tilespmem:$0x14900] =	vst v63  }
0x129: {  	s1 =	sadd.s32 $0x70, s1;
	s22 =	simm.s32 $0x12678  }
0x12a: {  	[hbm4b:s1+s3] =	stream.linear.scatter [tilespmem:s22], [sflag:$0x5], $0x80, $0x38;
	[tilespmem:$0x14900] =	vst v63  }
0x12b: {  	_ =	swait.ge [sflag:s2], $0x400  }
0x12c: {  	[sflag:s2] =	ssyncset.done $0x0  }
0x12d: {  	[sflag:s2] =	ssyncadd.s32 $0xFFFFFC00  }
0x12e: {  	_ =	swait.ge [sflag:s2], $0x400  }
0x12f: {  	[sflag:s2] =	ssyncset.done $0x0  }
0x130: {  	[sflag:s2] =	ssyncadd.s32 $0xFFFFFC00  }
0x131: {  	_ =	swait.ge [sflag:s2], $0x400  }
0x132: {  	[sflag:s2] =	ssyncset.done $0x0  }
0x133: {  	[sflag:s2] =	ssyncadd.s32 $0xFFFFFC00  }
0x134: {  	_ =	swait.ge [sflag:s2], $0x400  }
0x135: {  	[sflag:s2] =	ssyncset.done $0x0  }
0x136: {  	[sflag:s2] =	ssyncadd.s32 $0xFFFFFC00  }
0x137: {  	_ =	swait.ge [sflag:s2], $0x400  }
0x138: {  	[sflag:s2] =	ssyncset.done $0x0  }
0x139: {  	[sflag:s2] =	ssyncadd.s32 $0xFFFFFC00  }
0x13a: {  	_ =	swait.ge [sflag:s2], $0x400  }
0x13b: {  	[sflag:s2] =	ssyncset.done $0x0  }
0x13c: {  	[sflag:s2] =	ssyncadd.s32 $0xFFFFFC00  }
0x13d: {  	_ =	swait.ge [sflag:s2], $0x400  }
0x13e: {  	[sflag:s2] =	ssyncset.done $0x0  }
0x13f: {  	[sflag:s2] =	ssyncadd.s32 $0xFFFFFC00  }
0x140: {  	_ =	swait.ge [sflag:s2], $0x400  }
0x141: {  	[sflag:s2] =	ssyncset.done $0x0  }
0x142: {  	s10 =	simm.s32 $0x3;
	[sflag:s2] =	ssyncadd.s32 $0xFFFFFC00  }
0x143: {  	_ =	swait.ge [sflag:s10], $0x200  }
0x144: {  	[sflag:s10] =	ssyncset.done $0x0  }
0x145: {  	[sflag:s10] =	ssyncadd.s32 $0xFFFFFE00  }
0x146: {  	v4 =	vld [tilespmem:$0x180]  }
0x147: {  	v5 =	vld [tilespmem:$0x190]  }
0x148: {  	v6 =	vld [tilespmem:$0x1A0]  }
0x149: {  	v7 =	vld [tilespmem:$0x1B0]  }
0x14a: {  	v8 =	vld [tilespmem:$0x1C0]  }
0x14b: {  	v9 =	vld [tilespmem:$0x1D0];
	v4 =	vmul.u32 $0xC7, v4  }
0x14c: {  	v10 =	vld [tilespmem:$0x1E0];
	v5 =	vmul.u32 $0xC7, v5  }
0x14d: {  	v11 =	vld [tilespmem:$0x1F0];
	v6 =	vmul.u32 $0xC7, v6;
	v4 =	vadd.s32 s9, v4  }
0x14e: {  	[tilespmem:$0x400] =	vst v4;
	v4 =	vadd.s32 s9, v5;
	v5 =	vmul.u32 $0xC7, v7  }
0x14f: {  	[tilespmem:$0x410] =	vst v4;
	v4 =	vadd.s32 s9, v6;
	v6 =	vmul.u32 $0xC7, v8  }
0x150: {  	[tilespmem:$0x420] =	vst v4;
	v4 =	vadd.s32 s9, v5;
	v5 =	vmul.u32 $0xC7, v9  }
0x151: {  	[tilespmem:$0x430] =	vst v4;
	v4 =	vadd.s32 s9, v6;
	v6 =	vmul.u32 $0xC7, v10  }
0x152: {  	[tilespmem:$0x440] =	vst v4;
	v4 =	vadd.s32 s9, v5;
	v5 =	vmul.u32 $0xC7, v11  }
0x153: {  	[tilespmem:$0x450] =	vst v4;
	v4 =	vadd.s32 s9, v6  }
0x154: {  	[tilespmem:$0x460] =	vst v4;
	v4 =	vadd.s32 s9, v5  }
0x155: {  	s11 =	simm.s32 $0x500;
	[tilespmem:$0x470] =	vst v4  }
0x156: {  	[tilespmem:s11], [sflag:$0x1] =	stream.indirect.gather [hbm4b:s5+s31], $0x40, s3, s31, $0xb8;
	[tilespmem:$0x14900] =	vst v63  }
0x157: {  	s12 =	simm.s32 $0x2500  }
0x158: {  	[tilespmem:s12], [sflag:$0x1] =	stream.indirect.gather [hbm4b:s6+s31], $0x40, s31, s31, $0xb8;
	[tilespmem:$0x14900] =	vst v63  }
0x159: {  	s20 =	simm.s32 $0x100;
	s22 =	simm.s32 $0x4500  }
0x15a: {  	[tilespmem:s22], [sflag:$0x1] =	stream.indirect.gather [hbm4b:s7+s31], $0x40, s20, s31, $0xb8;
	[tilespmem:$0x14900] =	vst v63  }
0x15b: {  	s10 =	simm.s32 $0x400;
	s11 =	simm.s32 $0x6500  }
0x15c: {  	[tilespmem:s11], [sflag:$0x1] =	stream.indirect.gather [hbm4b:s8+s31], $0x40, s10, s31, $0xb8;
	[tilespmem:$0x14900] =	vst v63  }
0x15d: {  	_ =	swait.ge [sflag:s18], $0x2000  }
0x15e: {  	[sflag:s18] =	ssyncset.done $0x0  }
0x15f: {  	[sflag:s18] =	ssyncadd.s32 $0xFFFFE000  }
0x160: {  	_ =	swait.ge [sflag:s18], $0x2000  }
0x161: {  	[sflag:s18] =	ssyncset.done $0x0  }
0x162: {  	[sflag:s18] =	ssyncadd.s32 $0xFFFFE000  }
0x163: {  	_ =	swait.ge [sflag:s18], $0x2000  }
0x164: {  	[sflag:s18] =	ssyncset.done $0x0  }
0x165: {  	[sflag:s18] =	ssyncadd.s32 $0xFFFFE000  }
0x166: {  	p0 =	seq.s32 s25, $0x62;
	_ =	swait.ge [sflag:s18], $0x2000  }
0x167: {  	s1 =	sshll.u32 @!p0 s25, $0xD;
	s9 =	rddreg [dreg:$0x6]  }
0x168: {  	s22 =	simm.s32 $0xE520;
	s10 =	simm.s32 @!p0 $0xC7000;
	s1 =	sadd.s32 @!p0 s9, s1  }
0x169: {  	s11 =	simm.s32 @!p0 $0x200;
	[sflag:s18] =	ssyncset.done $0x0;
	s1 =	sshrl.u32 @!p0 s1, $0x3  }
0x16a: {  	[sflag:s18] =	ssyncadd.s32 $0xFFFFE000;
	s9 =	simm.s32 @!p0 $0x80;
	s1 =	sadd.s32 @!p0 s4, s1  }
0x16b: {  	[tilespmem:s11], [sflag:$0x4] =	stream.strided.gather @!p0 [hbm4b:s1+s9], $0x200, s10, s9, $0x38;
	[tilespmem:$0x14900] =	vst v63  }
0x16c: {  	s9 =	simm.s32 $0xC520;
	v5 =	vld [tilespmem:s22+$0xFFFFFFE0]  }
0x16d: {  	s11 =	simm.s32 $0xA520;
	v6 =	vld [tilespmem:s9+$0xFFFFFFE0]  }
0x16e: {  	s12 =	simm.s32 $0x8520;
	v7 =	vld [tilespmem:s11+$0xFFFFFFE0]  }
0x16f: {  	v8 =	vld [tilespmem:s12+$0xFFFFFFE0]  }
0x170: {  	s20 =	simm.s32 $0x0  }
0x171: {  	v4 =	vmov s20  }
0x172: {  	v4 =	vand.u32 $0x7F, v4  }
0x173: {  	v61 =	vadd.s32 v0, v4  }
0x174: {  	v5 =	vadd.f32 v5, v6;
	v6 =	vadd.f32 v7, v8;
	_ =	sdelay $0x1  }
0x175: {  	v5 =	vadd.f32 v5, v6;
	_ =	sdelay $0x1  }
0x176: {  	[tilespmem:v61+s19+$0x0] =	vst.idx.msk $0xffff, v5  }
0x177: {  	v5 =	vld [tilespmem:s22+$0xFFFFFFF0]  }
0x178: {  	v6 =	vld [tilespmem:s11+$0xFFFFFFF0]  }
0x179: {  	v7 =	vld [tilespmem:s9+$0xFFFFFFF0]  }
0x17a: {  	v8 =	vld [tilespmem:s12+$0xFFFFFFF0];
	_ =	sdelay $0x3  }
0x17b: {  	v62 =	vadd.s32 v1, v4  }
0x17c: {  	v5 =	vadd.f32 v5, v7;
	v6 =	vadd.f32 v6, v8;
	_ =	sdelay $0x1  }
0x17d: {  	v5 =	vadd.f32 v5, v6;
	_ =	sdelay $0x1  }
0x17e: {  	[tilespmem:v62+s19+$0x0] =	vst.idx.msk $0xffff, v5  }
0x17f: {  	v5 =	vld [tilespmem:s12+$0x0]  }
0x180: {  	v6 =	vld [tilespmem:s11+$0x0]  }
0x181: {  	v7 =	vld [tilespmem:s22+$0x0]  }
0x182: {  	v8 =	vld [tilespmem:s9+$0x0];
	_ =	sdelay $0x3  }
0x183: {  	v63 =	vadd.s32 v2, v4  }
0x184: {  	v5 =	vadd.f32 v6, v5;
	v6 =	vadd.f32 v7, v8;
	_ =	sdelay $0x1  }
0x185: {  	v5 =	vadd.f32 v6, v5;
	_ =	sdelay $0x1  }
0x186: {  	[tilespmem:v63+s19+$0x0] =	vst.idx.msk $0xffff, v5  }
0x187: {  	v5 =	vld [tilespmem:s12+$0x10]  }
0x188: {  	v6 =	vld [tilespmem:s22+$0x10]  }
0x189: {  	s1 =	simm.s32 $0x1;
	s10 =	simm.s32 $0x8560;
	v7 =	vld [tilespmem:s11+$0x10]  }
.LBB2_5:
0x18a: {  	v8 =	vld [tilespmem:s9+$0x10];
	s11 =	sadd.s32 $0x40, s11;
	s9 =	sadd.s32 $0x40, s9;
	s22 =	sadd.s32 $0x40, s22  }
0x18b: {  	p0 =	sne.s32 s1, $0x7F;
	s12 =	smov.u32 s1;
	s1 =	sadd.s32 $0x1, s1  }
0x18c: {  	_ = 	snop  }
0x18d: {  	v4 =	vadd.s32 v3, v4  }
0x18e: {  	v5 =	vadd.f32 v7, v5  }
0x18f: {  	v6 =	vadd.f32 v6, v8;
	_ =	sdelay $0x1  }
0x190: {  	v5 =	vadd.f32 v6, v5;
	_ =	sdelay $0x1  }
0x191: {  	[tilespmem:v4+s19+$0x0] =	vst.idx.msk $0xffff, v5  }
0x192: {  	v4 =	vld [tilespmem:s22+$0xFFFFFFE0]  }
0x193: {  	v5 =	vld [tilespmem:s9+$0xFFFFFFE0]  }
0x194: {  	v6 =	vld [tilespmem:s11+$0xFFFFFFE0]  }
0x195: {  	v7 =	vld [tilespmem:s10+$0xFFFFFFE0];
	_ =	sdelay $0x1  }
0x196: {  	v8 =	vmov s12  }
0x197: {  	v5 =	vadd.f32 v4, v5;
	v4 =	vand.u32 $0x7F, v8  }
0x198: {  	v8 =	vadd.s32 v0, v4  }
0x199: {  	v6 =	vadd.f32 v6, v7;
	_ =	sdelay $0x1  }
0x19a: {  	v5 =	vadd.f32 v5, v6;
	_ =	sdelay $0x1  }
0x19b: {  	[tilespmem:v8+s19+$0x0] =	vst.idx.msk $0xffff, v5  }
0x19c: {  	v5 =	vld [tilespmem:s22+$0xFFFFFFF0]  }
0x19d: {  	v6 =	vld [tilespmem:s11+$0xFFFFFFF0]  }
0x19e: {  	v7 =	vld [tilespmem:s9+$0xFFFFFFF0]  }
0x19f: {  	v8 =	vld [tilespmem:s10+$0xFFFFFFF0];
	_ =	sdelay $0x3  }
0x1a0: {  	v5 =	vadd.f32 v5, v7;
	v7 =	vadd.s32 v1, v4  }
0x1a1: {  	v6 =	vadd.f32 v6, v8;
	_ =	sdelay $0x1  }
0x1a2: {  	v5 =	vadd.f32 v5, v6;
	_ =	sdelay $0x1  }
0x1a3: {  	[tilespmem:v7+s19+$0x0] =	vst.idx.msk $0xffff, v5  }
0x1a4: {  	v5 =	vld [tilespmem:s10+$0x0]  }
0x1a5: {  	v6 =	vld [tilespmem:s11+$0x0]  }
0x1a6: {  	v7 =	vld [tilespmem:s22+$0x0]  }
0x1a7: {  	v8 =	vld [tilespmem:s9+$0x0];
	_ =	sdelay $0x2  }
0x1a8: {  	v5 =	vadd.f32 v6, v5  }
0x1a9: {  	v6 =	vadd.s32 v2, v4  }
0x1aa: {  	v7 =	vadd.f32 v7, v8;
	_ =	sdelay $0x1  }
0x1ab: {  	v5 =	vadd.f32 v7, v5  }
.Ltmp1:
0x1ac: {  	(pc) =	sbr.rel @p0 .LBB2_5-.Ltmp1, $4  }
0x1ad: {  	[tilespmem:v6+s19+$0x0] =	vst.idx.msk $0xffff, v5  }
0x1ae: {  	v5 =	vld [tilespmem:s10+$0x10]  }
0x1af: {  	v6 =	vld [tilespmem:s22+$0x10]  }
0x1b0: {  	s10 =	sadd.s32 $0x40, s10;
	v7 =	vld [tilespmem:s11+$0x10]  }
0x1b1: {  	v8 =	vld [tilespmem:s9+$0x10];
	_ =	sdelay $0x3  }
0x1b2: {  	v4 =	vadd.s32 v3, v4  }
0x1b3: {  	v5 =	vadd.f32 v7, v5;
	v6 =	vadd.f32 v6, v8  }
0x1b4: {  	s1 =	sshll.u32 s23, $0x12  }
0x1b5: {  	s1 =	sor.u32 s13, s1;
	v5 =	vadd.f32 v6, v5  }
0x1b6: {  	s1 =	sshrl.u32 s1, $0x3  }
0x1b7: {  	s9 =	sadd.s32 s17, s1;
	[tilespmem:v4+s19+$0x0] =	vst.idx.msk $0xffff, v5  }
0x1b8: {  	[hbm4b:s9+s3] =	stream.linear.scatter [tilespmem:s19], [sflag:$0x6], $0x80, $0x38;
	[tilespmem:$0x14900] =	vst v63  }
0x1b9: {  	s11 =	simm.s32 $0x12788;
	s10 =	sadd.s32 $0x10, s9  }
0x1ba: {  	[hbm4b:s10+s3] =	stream.linear.scatter [tilespmem:s11], [sflag:$0x6], $0x80, $0x38;
	[tilespmem:$0x14900] =	vst v63  }
0x1bb: {  	s23 =	simm.s32 $0x12810;
	s22 =	sadd.s32 $0x20, s9  }
0x1bc: {  	[hbm4b:s22+s3] =	stream.linear.scatter [tilespmem:s23], [sflag:$0x6], $0x80, $0x38;
	[tilespmem:$0x14900] =	vst v63  }
0x1bd: {  	s20 =	simm.s32 $0x12898;
	s12 =	sadd.s32 $0x30, s9  }
0x1be: {  	[hbm4b:s12+s3] =	stream.linear.scatter [tilespmem:s20], [sflag:$0x6], $0x80, $0x38;
	[tilespmem:$0x14900] =	vst v63  }
0x1bf: {  	s22 =	sadd.s32 $0x40, s9;
	s23 =	simm.s32 $0x12920  }
0x1c0: {  	[hbm4b:s22+s3] =	stream.linear.scatter [tilespmem:s23], [sflag:$0x6], $0x80, $0x38;
	[tilespmem:$0x14900] =	vst v63  }
0x1c1: {  	s11 =	sadd.s32 $0x50, s9;
	s12 =	simm.s32 $0x129A8  }
0x1c2: {  	[hbm4b:s11+s3] =	stream.linear.scatter [tilespmem:s12], [sflag:$0x6], $0x80, $0x38;
	[tilespmem:$0x14900] =	vst v63  }
0x1c3: {  	s20 =	sadd.s32 $0x60, s9;
	s22 =	simm.s32 $0x12A30  }
0x1c4: {  	[hbm4b:s20+s3] =	stream.linear.scatter [tilespmem:s22], [sflag:$0x6], $0x80, $0x38;
	[tilespmem:$0x14900] =	vst v63  }
0x1c5: {  	s9 =	sadd.s32 $0x70, s9;
	s23 =	simm.s32 $0x12AB8  }
0x1c6: {  	[hbm4b:s9+s3] =	stream.linear.scatter [tilespmem:s23], [sflag:$0x6], $0x80, $0x38;
	[tilespmem:$0x14900] =	vst v63  }
0x1c7: {  	s11 =	simm.s32 $0x12B40;
	s9 =	sadd.s32 s1, s14  }
0x1c8: {  	[hbm4b:s9+s3] =	stream.linear.scatter [tilespmem:s11], [sflag:$0x6], $0x80, $0x38;
	[tilespmem:$0x14900] =	vst v63  }
0x1c9: {  	s20 =	simm.s32 $0x12BC8;
	s12 =	sadd.s32 $0x10, s9  }
0x1ca: {  	[hbm4b:s12+s3] =	stream.linear.scatter [tilespmem:s20], [sflag:$0x6], $0x80, $0x38;
	[tilespmem:$0x14900] =	vst v63  }
0x1cb: {  	s23 =	simm.s32 $0x12C50;
	s22 =	sadd.s32 $0x20, s9  }
0x1cc: {  	[hbm4b:s22+s3] =	stream.linear.scatter [tilespmem:s23], [sflag:$0x6], $0x80, $0x38;
	[tilespmem:$0x14900] =	vst v63  }
0x1cd: {  	s12 =	sadd.s32 $0x30, s9;
	s20 =	simm.s32 $0x12CD8  }
0x1ce: {  	[hbm4b:s12+s3] =	stream.linear.scatter [tilespmem:s20], [sflag:$0x6], $0x80, $0x38;
	[tilespmem:$0x14900] =	vst v63  }
0x1cf: {  	s22 =	sadd.s32 $0x40, s9;
	s23 =	simm.s32 $0x12D60  }
0x1d0: {  	[hbm4b:s22+s3] =	stream.linear.scatter [tilespmem:s23], [sflag:$0x6], $0x80, $0x38;
	[tilespmem:$0x14900] =	vst v63  }
0x1d1: {  	s11 =	sadd.s32 $0x50, s9;
	s12 =	simm.s32 $0x12DE8  }
0x1d2: {  	[hbm4b:s11+s3] =	stream.linear.scatter [tilespmem:s12], [sflag:$0x6], $0x80, $0x38;
	[tilespmem:$0x14900] =	vst v63  }
0x1d3: {  	s20 =	sadd.s32 $0x60, s9;
	s22 =	simm.s32 $0x12E70  }
0x1d4: {  	[hbm4b:s20+s3] =	stream.linear.scatter [tilespmem:s22], [sflag:$0x6], $0x80, $0x38;
	[tilespmem:$0x14900] =	vst v63  }
0x1d5: {  	s9 =	sadd.s32 $0x70, s9;
	s23 =	simm.s32 $0x12EF8  }
0x1d6: {  	[hbm4b:s9+s3] =	stream.linear.scatter [tilespmem:s23], [sflag:$0x6], $0x80, $0x38;
	[tilespmem:$0x14900] =	vst v63  }
0x1d7: {  	s11 =	simm.s32 $0x12F80;
	s9 =	sadd.s32 s1, s15  }
0x1d8: {  	[hbm4b:s9+s3] =	stream.linear.scatter [tilespmem:s11], [sflag:$0x6], $0x80, $0x38;
	[tilespmem:$0x14900] =	vst v63  }
0x1d9: {  	s20 =	simm.s32 $0x13008;
	s12 =	sadd.s32 $0x10, s9  }
0x1da: {  	[hbm4b:s12+s3] =	stream.linear.scatter [tilespmem:s20], [sflag:$0x6], $0x80, $0x38;
	[tilespmem:$0x14900] =	vst v63  }
0x1db: {  	s23 =	simm.s32 $0x13090;
	s22 =	sadd.s32 $0x20, s9  }
0x1dc: {  	[hbm4b:s22+s3] =	stream.linear.scatter [tilespmem:s23], [sflag:$0x6], $0x80, $0x38;
	[tilespmem:$0x14900] =	vst v63  }
0x1dd: {  	s12 =	sadd.s32 $0x30, s9;
	s20 =	simm.s32 $0x13118  }
0x1de: {  	[hbm4b:s12+s3] =	stream.linear.scatter [tilespmem:s20], [sflag:$0x6], $0x80, $0x38;
	[tilespmem:$0x14900] =	vst v63  }
0x1df: {  	s22 =	sadd.s32 $0x40, s9;
	s23 =	simm.s32 $0x131A0  }
0x1e0: {  	[hbm4b:s22+s3] =	stream.linear.scatter [tilespmem:s23], [sflag:$0x6], $0x80, $0x38;
	[tilespmem:$0x14900] =	vst v63  }
0x1e1: {  	s11 =	sadd.s32 $0x50, s9;
	s12 =	simm.s32 $0x13228  }
0x1e2: {  	[hbm4b:s11+s3] =	stream.linear.scatter [tilespmem:s12], [sflag:$0x6], $0x80, $0x38;
	[tilespmem:$0x14900] =	vst v63  }
0x1e3: {  	s20 =	sadd.s32 $0x60, s9;
	s22 =	simm.s32 $0x132B0  }
0x1e4: {  	[hbm4b:s20+s3] =	stream.linear.scatter [tilespmem:s22], [sflag:$0x6], $0x80, $0x38;
	[tilespmem:$0x14900] =	vst v63  }
0x1e5: {  	s9 =	sadd.s32 $0x70, s9;
	s23 =	simm.s32 $0x13338  }
0x1e6: {  	[hbm4b:s9+s3] =	stream.linear.scatter [tilespmem:s23], [sflag:$0x6], $0x80, $0x38;
	[tilespmem:$0x14900] =	vst v63  }
0x1e7: {  	s11 =	simm.s32 $0x133C0;
	s9 =	sadd.s32 s1, s16  }
0x1e8: {  	[hbm4b:s9+s3] =	stream.linear.scatter [tilespmem:s11], [sflag:$0x6], $0x80, $0x38;
	[tilespmem:$0x14900] =	vst v63  }
0x1e9: {  	s20 =	simm.s32 $0x13448;
	s12 =	sadd.s32 $0x10, s9  }
0x1ea: {  	[hbm4b:s12+s3] =	stream.linear.scatter [tilespmem:s20], [sflag:$0x6], $0x80, $0x38;
	[tilespmem:$0x14900] =	vst v63  }
0x1eb: {  	s23 =	simm.s32 $0x134D0;
	s22 =	sadd.s32 $0x20, s9  }
0x1ec: {  	[hbm4b:s22+s3] =	stream.linear.scatter [tilespmem:s23], [sflag:$0x6], $0x80, $0x38;
	[tilespmem:$0x14900] =	vst v63  }
0x1ed: {  	s12 =	sadd.s32 $0x30, s9;
	s20 =	simm.s32 $0x13558  }
0x1ee: {  	[hbm4b:s12+s3] =	stream.linear.scatter [tilespmem:s20], [sflag:$0x6], $0x80, $0x38;
	[tilespmem:$0x14900] =	vst v63  }
0x1ef: {  	s22 =	sadd.s32 $0x40, s9;
	s23 =	simm.s32 $0x135E0  }
0x1f0: {  	[hbm4b:s22+s3] =	stream.linear.scatter [tilespmem:s23], [sflag:$0x6], $0x80, $0x38;
	[tilespmem:$0x14900] =	vst v63  }
0x1f1: {  	s11 =	sadd.s32 $0x50, s9;
	s12 =	simm.s32 $0x13668  }
0x1f2: {  	[hbm4b:s11+s3] =	stream.linear.scatter [tilespmem:s12], [sflag:$0x6], $0x80, $0x38;
	[tilespmem:$0x14900] =	vst v63  }
0x1f3: {  	s20 =	sadd.s32 $0x60, s9;
	s22 =	simm.s32 $0x136F0  }
0x1f4: {  	[hbm4b:s20+s3] =	stream.linear.scatter [tilespmem:s22], [sflag:$0x6], $0x80, $0x38;
	[tilespmem:$0x14900] =	vst v63  }
0x1f5: {  	s9 =	sadd.s32 $0x70, s9;
	s23 =	simm.s32 $0x13778  }
0x1f6: {  	[hbm4b:s9+s3] =	stream.linear.scatter [tilespmem:s23], [sflag:$0x6], $0x80, $0x38;
	[tilespmem:$0x14900] =	vst v63  }
0x1f7: {  	s11 =	simm.s32 $0x13800;
	s9 =	sadd.s32 s1, s26  }
0x1f8: {  	[hbm4b:s9+s3] =	stream.linear.scatter [tilespmem:s11], [sflag:$0x6], $0x80, $0x38;
	[tilespmem:$0x14900] =	vst v63  }
0x1f9: {  	s20 =	simm.s32 $0x13888;
	s12 =	sadd.s32 $0x10, s9  }
0x1fa: {  	[hbm4b:s12+s3] =	stream.linear.scatter [tilespmem:s20], [sflag:$0x6], $0x80, $0x38;
	[tilespmem:$0x14900] =	vst v63  }
0x1fb: {  	s23 =	simm.s32 $0x13910;
	s22 =	sadd.s32 $0x20, s9  }
0x1fc: {  	[hbm4b:s22+s3] =	stream.linear.scatter [tilespmem:s23], [sflag:$0x6], $0x80, $0x38;
	[tilespmem:$0x14900] =	vst v63  }
0x1fd: {  	s12 =	sadd.s32 $0x30, s9;
	s20 =	simm.s32 $0x13998  }
0x1fe: {  	[hbm4b:s12+s3] =	stream.linear.scatter [tilespmem:s20], [sflag:$0x6], $0x80, $0x38;
	[tilespmem:$0x14900] =	vst v63  }
0x1ff: {  	s22 =	sadd.s32 $0x40, s9;
	s23 =	simm.s32 $0x13A20  }
0x200: {  	[hbm4b:s22+s3] =	stream.linear.scatter [tilespmem:s23], [sflag:$0x6], $0x80, $0x38;
	[tilespmem:$0x14900] =	vst v63  }
0x201: {  	s11 =	sadd.s32 $0x50, s9;
	s12 =	simm.s32 $0x13AA8  }
0x202: {  	[hbm4b:s11+s3] =	stream.linear.scatter [tilespmem:s12], [sflag:$0x6], $0x80, $0x38;
	[tilespmem:$0x14900] =	vst v63  }
0x203: {  	s20 =	sadd.s32 $0x60, s9;
	s22 =	simm.s32 $0x13B30  }
0x204: {  	[hbm4b:s20+s3] =	stream.linear.scatter [tilespmem:s22], [sflag:$0x6], $0x80, $0x38;
	[tilespmem:$0x14900] =	vst v63  }
0x205: {  	s9 =	sadd.s32 $0x70, s9;
	s23 =	simm.s32 $0x13BB8  }
0x206: {  	[hbm4b:s9+s3] =	stream.linear.scatter [tilespmem:s23], [sflag:$0x6], $0x80, $0x38;
	[tilespmem:$0x14900] =	vst v63  }
0x207: {  	s11 =	simm.s32 $0x13C40;
	s9 =	sadd.s32 s1, s28  }
0x208: {  	[hbm4b:s9+s3] =	stream.linear.scatter [tilespmem:s11], [sflag:$0x6], $0x80, $0x38;
	[tilespmem:$0x14900] =	vst v63  }
0x209: {  	s20 =	simm.s32 $0x13CC8;
	s12 =	sadd.s32 $0x10, s9  }
0x20a: {  	[hbm4b:s12+s3] =	stream.linear.scatter [tilespmem:s20], [sflag:$0x6], $0x80, $0x38;
	[tilespmem:$0x14900] =	vst v63  }
0x20b: {  	s23 =	simm.s32 $0x13D50;
	s22 =	sadd.s32 $0x20, s9  }
0x20c: {  	[hbm4b:s22+s3] =	stream.linear.scatter [tilespmem:s23], [sflag:$0x6], $0x80, $0x38;
	[tilespmem:$0x14900] =	vst v63  }
0x20d: {  	s12 =	sadd.s32 $0x30, s9;
	s20 =	simm.s32 $0x13DD8  }
0x20e: {  	[hbm4b:s12+s3] =	stream.linear.scatter [tilespmem:s20], [sflag:$0x6], $0x80, $0x38;
	[tilespmem:$0x14900] =	vst v63  }
0x20f: {  	s22 =	sadd.s32 $0x40, s9;
	s23 =	simm.s32 $0x13E60  }
0x210: {  	[hbm4b:s22+s3] =	stream.linear.scatter [tilespmem:s23], [sflag:$0x6], $0x80, $0x38;
	[tilespmem:$0x14900] =	vst v63  }
0x211: {  	s11 =	sadd.s32 $0x50, s9;
	s12 =	simm.s32 $0x13EE8  }
0x212: {  	[hbm4b:s11+s3] =	stream.linear.scatter [tilespmem:s12], [sflag:$0x6], $0x80, $0x38;
	[tilespmem:$0x14900] =	vst v63  }
0x213: {  	s20 =	sadd.s32 $0x60, s9;
	s22 =	simm.s32 $0x13F70  }
0x214: {  	[hbm4b:s20+s3] =	stream.linear.scatter [tilespmem:s22], [sflag:$0x6], $0x80, $0x38;
	[tilespmem:$0x14900] =	vst v63  }
0x215: {  	s9 =	sadd.s32 $0x70, s9;
	s23 =	simm.s32 $0x13FF8  }
0x216: {  	[hbm4b:s9+s3] =	stream.linear.scatter [tilespmem:s23], [sflag:$0x6], $0x80, $0x38;
	[tilespmem:$0x14900] =	vst v63  }
0x217: {  	s11 =	simm.s32 $0x14080;
	s9 =	sadd.s32 s1, s29  }
0x218: {  	[hbm4b:s9+s3] =	stream.linear.scatter [tilespmem:s11], [sflag:$0x6], $0x80, $0x38;
	[tilespmem:$0x14900] =	vst v63  }
0x219: {  	s20 =	simm.s32 $0x14108;
	s12 =	sadd.s32 $0x10, s9  }
0x21a: {  	[hbm4b:s12+s3] =	stream.linear.scatter [tilespmem:s20], [sflag:$0x6], $0x80, $0x38;
	[tilespmem:$0x14900] =	vst v63  }
0x21b: {  	s23 =	simm.s32 $0x14190;
	s22 =	sadd.s32 $0x20, s9  }
0x21c: {  	[hbm4b:s22+s3] =	stream.linear.scatter [tilespmem:s23], [sflag:$0x6], $0x80, $0x38;
	[tilespmem:$0x14900] =	vst v63  }
0x21d: {  	s12 =	sadd.s32 $0x30, s9;
	s20 =	simm.s32 $0x14218  }
0x21e: {  	[hbm4b:s12+s3] =	stream.linear.scatter [tilespmem:s20], [sflag:$0x6], $0x80, $0x38;
	[tilespmem:$0x14900] =	vst v63  }
0x21f: {  	s22 =	sadd.s32 $0x40, s9;
	s23 =	simm.s32 $0x142A0  }
0x220: {  	[hbm4b:s22+s3] =	stream.linear.scatter [tilespmem:s23], [sflag:$0x6], $0x80, $0x38;
	[tilespmem:$0x14900] =	vst v63  }
0x221: {  	s12 =	sadd.s32 $0x50, s9;
	s20 =	simm.s32 $0x14328  }
0x222: {  	[hbm4b:s12+s3] =	stream.linear.scatter [tilespmem:s20], [sflag:$0x6], $0x80, $0x38;
	[tilespmem:$0x14900] =	vst v63  }
0x223: {  	s22 =	sadd.s32 $0x60, s9;
	s23 =	simm.s32 $0x143B0  }
0x224: {  	[hbm4b:s22+s3] =	stream.linear.scatter [tilespmem:s23], [sflag:$0x6], $0x80, $0x38;
	[tilespmem:$0x14900] =	vst v63  }
0x225: {  	s9 =	sadd.s32 $0x70, s9;
	s12 =	simm.s32 $0x14438  }
0x226: {  	[hbm4b:s9+s3] =	stream.linear.scatter [tilespmem:s12], [sflag:$0x6], $0x80, $0x38;
	[tilespmem:$0x14900] =	vst v63  }
0x227: {  	s1 =	sadd.s32 s1, s30;
	s20 =	simm.s32 $0x144C0  }
0x228: {  	[hbm4b:s1+s3] =	stream.linear.scatter [tilespmem:s20], [sflag:$0x6], $0x80, $0x38;
	[tilespmem:$0x14900] =	vst v63  }
0x229: {  	s22 =	sadd.s32 $0x10, s1;
	s23 =	simm.s32 $0x14548  }
0x22a: {  	[hbm4b:s22+s3] =	stream.linear.scatter [tilespmem:s23], [sflag:$0x6], $0x80, $0x38;
	[tilespmem:$0x14900] =	vst v63  }
0x22b: {  	s10 =	sadd.s32 $0x20, s1;
	s11 =	simm.s32 $0x145D0  }
0x22c: {  	[hbm4b:s10+s3] =	stream.linear.scatter [tilespmem:s11], [sflag:$0x6], $0x80, $0x38;
	[tilespmem:$0x14900] =	vst v63  }
0x22d: {  	s12 =	sadd.s32 $0x30, s1;
	s20 =	simm.s32 $0x14658  }
0x22e: {  	[hbm4b:s12+s3] =	stream.linear.scatter [tilespmem:s20], [sflag:$0x6], $0x80, $0x38;
	[tilespmem:$0x14900] =	vst v63  }
0x22f: {  	s22 =	sadd.s32 $0x40, s1;
	s23 =	simm.s32 $0x146E0  }
0x230: {  	[hbm4b:s22+s3] =	stream.linear.scatter [tilespmem:s23], [sflag:$0x6], $0x80, $0x38;
	[tilespmem:$0x14900] =	vst v63  }
0x231: {  	s11 =	sadd.s32 $0x50, s1;
	s12 =	simm.s32 $0x14768  }
0x232: {  	[hbm4b:s11+s3] =	stream.linear.scatter [tilespmem:s12], [sflag:$0x6], $0x80, $0x38;
	[tilespmem:$0x14900] =	vst v63  }
0x233: {  	s20 =	sadd.s32 $0x60, s1;
	s22 =	simm.s32 $0x147F0  }
0x234: {  	[hbm4b:s20+s3] =	stream.linear.scatter [tilespmem:s22], [sflag:$0x6], $0x80, $0x38;
	[tilespmem:$0x14900] =	vst v63  }
0x235: {  	s1 =	sadd.s32 $0x70, s1;
	s23 =	simm.s32 $0x14878  }
0x236: {  	[hbm4b:s1+s3] =	stream.linear.scatter [tilespmem:s23], [sflag:$0x6], $0x80, $0x38;
	[tilespmem:$0x14900] =	vst v63  }
0x237: {  	_ =	swait.ge [sflag:s0], $0x400  }
0x238: {  	[sflag:s0] =	ssyncset.done $0x0  }
0x239: {  	[sflag:s0] =	ssyncadd.s32 $0xFFFFFC00  }
0x23a: {  	_ =	swait.ge [sflag:s0], $0x400  }
0x23b: {  	[sflag:s0] =	ssyncset.done $0x0  }
0x23c: {  	[sflag:s0] =	ssyncadd.s32 $0xFFFFFC00  }
0x23d: {  	_ =	swait.ge [sflag:s0], $0x400  }
0x23e: {  	[sflag:s0] =	ssyncset.done $0x0  }
0x23f: {  	[sflag:s0] =	ssyncadd.s32 $0xFFFFFC00  }
0x240: {  	_ =	swait.ge [sflag:s0], $0x400  }
0x241: {  	[sflag:s0] =	ssyncset.done $0x0  }
0x242: {  	[sflag:s0] =	ssyncadd.s32 $0xFFFFFC00  }
0x243: {  	_ =	swait.ge [sflag:s0], $0x400  }
0x244: {  	[sflag:s0] =	ssyncset.done $0x0  }
0x245: {  	[sflag:s0] =	ssyncadd.s32 $0xFFFFFC00  }
0x246: {  	_ =	swait.ge [sflag:s0], $0x400  }
0x247: {  	[sflag:s0] =	ssyncset.done $0x0  }
0x248: {  	s25 =	sadd.s32 $0x1, s25;
	[sflag:s0] =	ssyncadd.s32 $0xFFFFFC00  }
0x249: {  	p0 =	sne.s32 s25, $0x63;
	_ =	swait.ge [sflag:s0], $0x400  }
.Ltmp2:
0x24a: {  	[sflag:s0] =	ssyncset.done $0x0;
	(pc) =	sbr.rel @p0 .LBB2_2-.Ltmp2, $4  }
0x24b: {  	[sflag:s0] =	ssyncadd.s32 $0xFFFFFC00  }
0x24c: {  	_ =	swait.ge [sflag:s0], $0x400  }
0x24d: {  	[sflag:s0] =	ssyncset.done $0x0  }
0x24e: {  	[sflag:s0] =	ssyncadd.s32 $0xFFFFFC00  }
0x24f: {  	_ =	swait.ge [sflag:s24], $0x2000  }
0x250: {  	[sflag:s24] =	ssyncset.done $0x0  }
0x251: {  	[sflag:s24] =	ssyncadd.s32 $0xFFFFE000  }
0x252: {  	_ =	swait.ge [sflag:s24], $0x2000  }
0x253: {  	[sflag:s24] =	ssyncset.done $0x0  }
0x254: {  	[sflag:s24] =	ssyncadd.s32 $0xFFFFE000  }
0x255: {  	_ =	swait.ge [sflag:s24], $0x2000  }
0x256: {  	[sflag:s24] =	ssyncset.done $0x0  }
0x257: {  	[sflag:s24] =	ssyncadd.s32 $0xFFFFE000  }
0x258: {  	_ =	swait.ge [sflag:s24], $0x2000  }
0x259: {  	[sflag:s24] =	ssyncset.done $0x0  }
0x25a: {  	s22 =	simm.s32 $0x6520;
	[sflag:s24] =	ssyncadd.s32 $0xFFFFE000  }
0x25b: {  	s9 =	simm.s32 $0x4520;
	v5 =	vld [tilespmem:s22+$0xFFFFFFE0]  }
0x25c: {  	s11 =	simm.s32 $0x2520;
	v6 =	vld [tilespmem:s9+$0xFFFFFFE0]  }
0x25d: {  	s1 =	simm.s32 $0x520;
	v7 =	vld [tilespmem:s11+$0xFFFFFFE0]  }
0x25e: {  	v8 =	vld [tilespmem:s1+$0xFFFFFFE0]  }
0x25f: {  	s10 =	simm.s32 $0x0  }
0x260: {  	v4 =	vmov s10  }
0x261: {  	v4 =	vand.u32 $0x7F, v4  }
0x262: {  	v9 =	vadd.s32 v0, v4  }
0x263: {  	v5 =	vadd.f32 v5, v6;
	v6 =	vadd.f32 v7, v8;
	_ =	sdelay $0x1  }
0x264: {  	v5 =	vadd.f32 v5, v6;
	_ =	sdelay $0x1  }
0x265: {  	[tilespmem:v9+s21+$0x0] =	vst.idx.msk $0xffff, v5  }
0x266: {  	v5 =	vld [tilespmem:s22+$0xFFFFFFF0]  }
0x267: {  	v6 =	vld [tilespmem:s11+$0xFFFFFFF0]  }
0x268: {  	v7 =	vld [tilespmem:s9+$0xFFFFFFF0]  }
0x269: {  	v8 =	vld [tilespmem:s1+$0xFFFFFFF0];
	_ =	sdelay $0x3  }
0x26a: {  	v62 =	vadd.s32 v1, v4  }
0x26b: {  	v5 =	vadd.f32 v5, v7;
	v6 =	vadd.f32 v6, v8;
	_ =	sdelay $0x1  }
0x26c: {  	v5 =	vadd.f32 v5, v6;
	_ =	sdelay $0x1  }
0x26d: {  	[tilespmem:v62+s21+$0x0] =	vst.idx.msk $0xffff, v5  }
0x26e: {  	v5 =	vld [tilespmem:s1+$0x0]  }
0x26f: {  	v6 =	vld [tilespmem:s11+$0x0]  }
0x270: {  	v7 =	vld [tilespmem:s22+$0x0]  }
0x271: {  	v8 =	vld [tilespmem:s9+$0x0];
	_ =	sdelay $0x3  }
0x272: {  	v63 =	vadd.s32 v2, v4  }
0x273: {  	v5 =	vadd.f32 v6, v5;
	v6 =	vadd.f32 v7, v8;
	_ =	sdelay $0x1  }
0x274: {  	v5 =	vadd.f32 v6, v5;
	_ =	sdelay $0x1  }
0x275: {  	[tilespmem:v63+s21+$0x0] =	vst.idx.msk $0xffff, v5  }
0x276: {  	v5 =	vld [tilespmem:s1+$0x10]  }
0x277: {  	v6 =	vld [tilespmem:s22+$0x10]  }
0x278: {  	s10 =	simm.s32 $0x560;
	s1 =	simm.s32 $0x1;
	v7 =	vld [tilespmem:s11+$0x10]  }
.LBB2_8:
0x279: {  	v8 =	vld [tilespmem:s9+$0x10];
	s11 =	sadd.s32 $0x40, s11;
	s9 =	sadd.s32 $0x40, s9;
	s22 =	sadd.s32 $0x40, s22  }
0x27a: {  	p0 =	sne.s32 s1, $0x7F;
	s12 =	smov.u32 s1;
	s1 =	sadd.s32 $0x1, s1  }
0x27b: {  	_ = 	snop  }
0x27c: {  	v4 =	vadd.s32 v3, v4  }
0x27d: {  	v5 =	vadd.f32 v7, v5  }
0x27e: {  	v6 =	vadd.f32 v6, v8;
	_ =	sdelay $0x1  }
0x27f: {  	v5 =	vadd.f32 v6, v5;
	_ =	sdelay $0x1  }
0x280: {  	[tilespmem:v4+s21+$0x0] =	vst.idx.msk $0xffff, v5  }
0x281: {  	v4 =	vld [tilespmem:s22+$0xFFFFFFE0]  }
0x282: {  	v5 =	vld [tilespmem:s9+$0xFFFFFFE0]  }
0x283: {  	v6 =	vld [tilespmem:s11+$0xFFFFFFE0]  }
0x284: {  	v7 =	vld [tilespmem:s10+$0xFFFFFFE0];
	_ =	sdelay $0x1  }
0x285: {  	v8 =	vmov s12  }
0x286: {  	v5 =	vadd.f32 v4, v5;
	v4 =	vand.u32 $0x7F, v8  }
0x287: {  	v8 =	vadd.s32 v0, v4  }
0x288: {  	v6 =	vadd.f32 v6, v7;
	_ =	sdelay $0x1  }
0x289: {  	v5 =	vadd.f32 v5, v6;
	_ =	sdelay $0x1  }
0x28a: {  	[tilespmem:v8+s21+$0x0] =	vst.idx.msk $0xffff, v5  }
0x28b: {  	v5 =	vld [tilespmem:s22+$0xFFFFFFF0]  }
0x28c: {  	v6 =	vld [tilespmem:s11+$0xFFFFFFF0]  }
0x28d: {  	v7 =	vld [tilespmem:s9+$0xFFFFFFF0]  }
0x28e: {  	v8 =	vld [tilespmem:s10+$0xFFFFFFF0];
	_ =	sdelay $0x3  }
0x28f: {  	v5 =	vadd.f32 v5, v7;
	v7 =	vadd.s32 v1, v4  }
0x290: {  	v6 =	vadd.f32 v6, v8;
	_ =	sdelay $0x1  }
0x291: {  	v5 =	vadd.f32 v5, v6;
	_ =	sdelay $0x1  }
0x292: {  	[tilespmem:v7+s21+$0x0] =	vst.idx.msk $0xffff, v5  }
0x293: {  	v5 =	vld [tilespmem:s10+$0x0]  }
0x294: {  	v6 =	vld [tilespmem:s11+$0x0]  }
0x295: {  	v7 =	vld [tilespmem:s22+$0x0]  }
0x296: {  	v8 =	vld [tilespmem:s9+$0x0];
	_ =	sdelay $0x2  }
0x297: {  	v5 =	vadd.f32 v6, v5  }
0x298: {  	v6 =	vadd.s32 v2, v4  }
0x299: {  	v7 =	vadd.f32 v7, v8;
	_ =	sdelay $0x1  }
0x29a: {  	v5 =	vadd.f32 v7, v5  }
.Ltmp3:
0x29b: {  	(pc) =	sbr.rel @p0 .LBB2_8-.Ltmp3, $4  }
0x29c: {  	[tilespmem:v6+s21+$0x0] =	vst.idx.msk $0xffff, v5  }
0x29d: {  	v5 =	vld [tilespmem:s10+$0x10]  }
0x29e: {  	v6 =	vld [tilespmem:s22+$0x10]  }
0x29f: {  	s10 =	sadd.s32 $0x40, s10;
	v7 =	vld [tilespmem:s11+$0x10]  }
0x2a0: {  	v8 =	vld [tilespmem:s9+$0x10];
	_ =	sdelay $0x3  }
0x2a1: {  	v4 =	vadd.s32 v3, v4  }
0x2a2: {  	v5 =	vadd.f32 v7, v5;
	v6 =	vadd.f32 v6, v8;
	_ =	sdelay $0x1  }
0x2a3: {  	v5 =	vadd.f32 v6, v5;
	_ =	sdelay $0x1  }
0x2a4: {  	s9 =	rddreg [dreg:$0x7];
	[tilespmem:v4+s21+$0x0] =	vst.idx.msk $0xffff, v5  }
0x2a5: {  	[hbm4b:s9+s3] =	stream.linear.scatter [tilespmem:s21], [sflag:$0x5], $0x80, $0x38;
	[tilespmem:$0x14900] =	vst v63  }
0x2a6: {  	s10 =	simm.s32 $0x10588;
	s1 =	sadd.s32 $0x10, s9  }
0x2a7: {  	[hbm4b:s1+s3] =	stream.linear.scatter [tilespmem:s10], [sflag:$0x5], $0x80, $0x38;
	[tilespmem:$0x14900] =	vst v63  }
0x2a8: {  	s22 =	simm.s32 $0x10610;
	s20 =	sadd.s32 $0x20, s9  }
0x2a9: {  	[hbm4b:s20+s3] =	stream.linear.scatter [tilespmem:s22], [sflag:$0x5], $0x80, $0x38;
	[tilespmem:$0x14900] =	vst v63  }
0x2aa: {  	s25 =	simm.s32 $0x10698;
	s23 =	sadd.s32 $0x30, s9  }
0x2ab: {  	[hbm4b:s23+s3] =	stream.linear.scatter [tilespmem:s25], [sflag:$0x5], $0x80, $0x38;
	[tilespmem:$0x14900] =	vst v63  }
0x2ac: {  	s12 =	simm.s32 $0x10720;
	s11 =	sadd.s32 $0x40, s9  }
0x2ad: {  	[hbm4b:s11+s3] =	stream.linear.scatter [tilespmem:s12], [sflag:$0x5], $0x80, $0x38;
	[tilespmem:$0x14900] =	vst v63  }
0x2ae: {  	s20 =	sadd.s32 $0x50, s9;
	s22 =	simm.s32 $0x107A8  }
0x2af: {  	[hbm4b:s20+s3] =	stream.linear.scatter [tilespmem:s22], [sflag:$0x5], $0x80, $0x38;
	[tilespmem:$0x14900] =	vst v63  }
0x2b0: {  	s23 =	sadd.s32 $0x60, s9;
	s25 =	simm.s32 $0x10830  }
0x2b1: {  	[hbm4b:s23+s3] =	stream.linear.scatter [tilespmem:s25], [sflag:$0x5], $0x80, $0x38;
	[tilespmem:$0x14900] =	vst v63  }
0x2b2: {  	s10 =	sadd.s32 $0x70, s9;
	s11 =	simm.s32 $0x108B8  }
0x2b3: {  	[hbm4b:s10+s3] =	stream.linear.scatter [tilespmem:s11], [sflag:$0x5], $0x80, $0x38;
	[tilespmem:$0x14900] =	vst v63  }
0x2b4: {  	s9 =	rddreg [dreg:$0x8];
	s12 =	simm.s32 $0x10940  }
0x2b5: {  	[hbm4b:s9+s3] =	stream.linear.scatter [tilespmem:s12], [sflag:$0x5], $0x80, $0x38;
	[tilespmem:$0x14900] =	vst v63  }
0x2b6: {  	s20 =	sadd.s32 $0x10, s9;
	s22 =	simm.s32 $0x109C8  }
0x2b7: {  	[hbm4b:s20+s3] =	stream.linear.scatter [tilespmem:s22], [sflag:$0x5], $0x80, $0x38;
	[tilespmem:$0x14900] =	vst v63  }
0x2b8: {  	s23 =	sadd.s32 $0x20, s9;
	s25 =	simm.s32 $0x10A50  }
0x2b9: {  	[hbm4b:s23+s3] =	stream.linear.scatter [tilespmem:s25], [sflag:$0x5], $0x80, $0x38;
	[tilespmem:$0x14900] =	vst v63  }
0x2ba: {  	s11 =	sadd.s32 $0x30, s9;
	s12 =	simm.s32 $0x10AD8  }
0x2bb: {  	[hbm4b:s11+s3] =	stream.linear.scatter [tilespmem:s12], [sflag:$0x5], $0x80, $0x38;
	[tilespmem:$0x14900] =	vst v63  }
0x2bc: {  	s20 =	sadd.s32 $0x40, s9;
	s22 =	simm.s32 $0x10B60  }
0x2bd: {  	[hbm4b:s20+s3] =	stream.linear.scatter [tilespmem:s22], [sflag:$0x5], $0x80, $0x38;
	[tilespmem:$0x14900] =	vst v63  }
0x2be: {  	s23 =	sadd.s32 $0x50, s9;
	s25 =	simm.s32 $0x10BE8  }
0x2bf: {  	[hbm4b:s23+s3] =	stream.linear.scatter [tilespmem:s25], [sflag:$0x5], $0x80, $0x38;
	[tilespmem:$0x14900] =	vst v63  }
0x2c0: {  	s10 =	sadd.s32 $0x60, s9;
	s11 =	simm.s32 $0x10C70  }
0x2c1: {  	[hbm4b:s10+s3] =	stream.linear.scatter [tilespmem:s11], [sflag:$0x5], $0x80, $0x38;
	[tilespmem:$0x14900] =	vst v63  }
0x2c2: {  	s12 =	sadd.s32 $0x70, s9;
	s20 =	simm.s32 $0x10CF8  }
0x2c3: {  	[hbm4b:s12+s3] =	stream.linear.scatter [tilespmem:s20], [sflag:$0x5], $0x80, $0x38;
	[tilespmem:$0x14900] =	vst v63  }
0x2c4: {  	s9 =	rddreg [dreg:$0x9];
	s22 =	simm.s32 $0x10D80  }
0x2c5: {  	[hbm4b:s9+s3] =	stream.linear.scatter [tilespmem:s22], [sflag:$0x5], $0x80, $0x38;
	[tilespmem:$0x14900] =	vst v63  }
0x2c6: {  	s23 =	sadd.s32 $0x10, s9;
	s25 =	simm.s32 $0x10E08  }
0x2c7: {  	[hbm4b:s23+s3] =	stream.linear.scatter [tilespmem:s25], [sflag:$0x5], $0x80, $0x38;
	[tilespmem:$0x14900] =	vst v63  }
0x2c8: {  	s11 =	sadd.s32 $0x20, s9;
	s12 =	simm.s32 $0x10E90  }
0x2c9: {  	[hbm4b:s11+s3] =	stream.linear.scatter [tilespmem:s12], [sflag:$0x5], $0x80, $0x38;
	[tilespmem:$0x14900] =	vst v63  }
0x2ca: {  	s20 =	sadd.s32 $0x30, s9;
	s22 =	simm.s32 $0x10F18  }
0x2cb: {  	[hbm4b:s20+s3] =	stream.linear.scatter [tilespmem:s22], [sflag:$0x5], $0x80, $0x38;
	[tilespmem:$0x14900] =	vst v63  }
0x2cc: {  	s23 =	sadd.s32 $0x40, s9;
	s25 =	simm.s32 $0x10FA0  }
0x2cd: {  	[hbm4b:s23+s3] =	stream.linear.scatter [tilespmem:s25], [sflag:$0x5], $0x80, $0x38;
	[tilespmem:$0x14900] =	vst v63  }
0x2ce: {  	s11 =	sadd.s32 $0x50, s9;
	s12 =	simm.s32 $0x11028  }
0x2cf: {  	[hbm4b:s11+s3] =	stream.linear.scatter [tilespmem:s12], [sflag:$0x5], $0x80, $0x38;
	[tilespmem:$0x14900] =	vst v63  }
0x2d0: {  	s20 =	sadd.s32 $0x60, s9;
	s22 =	simm.s32 $0x110B0  }
0x2d1: {  	[hbm4b:s20+s3] =	stream.linear.scatter [tilespmem:s22], [sflag:$0x5], $0x80, $0x38;
	[tilespmem:$0x14900] =	vst v63  }
0x2d2: {  	s23 =	sadd.s32 $0x70, s9;
	s25 =	simm.s32 $0x11138  }
0x2d3: {  	[hbm4b:s23+s3] =	stream.linear.scatter [tilespmem:s25], [sflag:$0x5], $0x80, $0x38;
	[tilespmem:$0x14900] =	vst v63  }
0x2d4: {  	s10 =	simm.s32 $0x111C0;
	s9 =	rddreg [dreg:$0xa]  }
0x2d5: {  	[hbm4b:s9+s3] =	stream.linear.scatter [tilespmem:s10], [sflag:$0x5], $0x80, $0x38;
	[tilespmem:$0x14900] =	vst v63  }
0x2d6: {  	s11 =	sadd.s32 $0x10, s9;
	s12 =	simm.s32 $0x11248  }
0x2d7: {  	[hbm4b:s11+s3] =	stream.linear.scatter [tilespmem:s12], [sflag:$0x5], $0x80, $0x38;
	[tilespmem:$0x14900] =	vst v63  }
0x2d8: {  	s20 =	sadd.s32 $0x20, s9;
	s22 =	simm.s32 $0x112D0  }
0x2d9: {  	[hbm4b:s20+s3] =	stream.linear.scatter [tilespmem:s22], [sflag:$0x5], $0x80, $0x38;
	[tilespmem:$0x14900] =	vst v63  }
0x2da: {  	s23 =	sadd.s32 $0x30, s9;
	s25 =	simm.s32 $0x11358  }
0x2db: {  	[hbm4b:s23+s3] =	stream.linear.scatter [tilespmem:s25], [sflag:$0x5], $0x80, $0x38;
	[tilespmem:$0x14900] =	vst v63  }
0x2dc: {  	s11 =	sadd.s32 $0x40, s9;
	s12 =	simm.s32 $0x113E0  }
0x2dd: {  	[hbm4b:s11+s3] =	stream.linear.scatter [tilespmem:s12], [sflag:$0x5], $0x80, $0x38;
	[tilespmem:$0x14900] =	vst v63  }
0x2de: {  	s20 =	sadd.s32 $0x50, s9;
	s22 =	simm.s32 $0x11468  }
0x2df: {  	[hbm4b:s20+s3] =	stream.linear.scatter [tilespmem:s22], [sflag:$0x5], $0x80, $0x38;
	[tilespmem:$0x14900] =	vst v63  }
0x2e0: {  	s23 =	sadd.s32 $0x60, s9;
	s25 =	simm.s32 $0x114F0  }
0x2e1: {  	[hbm4b:s23+s3] =	stream.linear.scatter [tilespmem:s25], [sflag:$0x5], $0x80, $0x38;
	[tilespmem:$0x14900] =	vst v63  }
0x2e2: {  	s10 =	sadd.s32 $0x70, s9;
	s11 =	simm.s32 $0x11578  }
0x2e3: {  	[hbm4b:s10+s3] =	stream.linear.scatter [tilespmem:s11], [sflag:$0x5], $0x80, $0x38;
	[tilespmem:$0x14900] =	vst v63  }
0x2e4: {  	s9 =	rddreg [dreg:$0xb];
	s12 =	simm.s32 $0x11600  }
0x2e5: {  	[hbm4b:s9+s3] =	stream.linear.scatter [tilespmem:s12], [sflag:$0x5], $0x80, $0x38;
	[tilespmem:$0x14900] =	vst v63  }
0x2e6: {  	s20 =	sadd.s32 $0x10, s9;
	s22 =	simm.s32 $0x11688  }
0x2e7: {  	[hbm4b:s20+s3] =	stream.linear.scatter [tilespmem:s22], [sflag:$0x5], $0x80, $0x38;
	[tilespmem:$0x14900] =	vst v63  }
0x2e8: {  	s23 =	sadd.s32 $0x20, s9;
	s25 =	simm.s32 $0x11710  }
0x2e9: {  	[hbm4b:s23+s3] =	stream.linear.scatter [tilespmem:s25], [sflag:$0x5], $0x80, $0x38;
	[tilespmem:$0x14900] =	vst v63  }
0x2ea: {  	s11 =	sadd.s32 $0x30, s9;
	s12 =	simm.s32 $0x11798  }
0x2eb: {  	[hbm4b:s11+s3] =	stream.linear.scatter [tilespmem:s12], [sflag:$0x5], $0x80, $0x38;
	[tilespmem:$0x14900] =	vst v63  }
0x2ec: {  	s20 =	sadd.s32 $0x40, s9;
	s22 =	simm.s32 $0x11820  }
0x2ed: {  	[hbm4b:s20+s3] =	stream.linear.scatter [tilespmem:s22], [sflag:$0x5], $0x80, $0x38;
	[tilespmem:$0x14900] =	vst v63  }
0x2ee: {  	s23 =	sadd.s32 $0x50, s9;
	s25 =	simm.s32 $0x118A8  }
0x2ef: {  	[hbm4b:s23+s3] =	stream.linear.scatter [tilespmem:s25], [sflag:$0x5], $0x80, $0x38;
	[tilespmem:$0x14900] =	vst v63  }
0x2f0: {  	s10 =	sadd.s32 $0x60, s9;
	s11 =	simm.s32 $0x11930  }
0x2f1: {  	[hbm4b:s10+s3] =	stream.linear.scatter [tilespmem:s11], [sflag:$0x5], $0x80, $0x38;
	[tilespmem:$0x14900] =	vst v63  }
0x2f2: {  	s12 =	sadd.s32 $0x70, s9;
	s20 =	simm.s32 $0x119B8  }
0x2f3: {  	[hbm4b:s12+s3] =	stream.linear.scatter [tilespmem:s20], [sflag:$0x5], $0x80, $0x38;
	[tilespmem:$0x14900] =	vst v63  }
0x2f4: {  	s9 =	rddreg [dreg:$0xc];
	s22 =	simm.s32 $0x11A40  }
0x2f5: {  	[hbm4b:s9+s3] =	stream.linear.scatter [tilespmem:s22], [sflag:$0x5], $0x80, $0x38;
	[tilespmem:$0x14900] =	vst v63  }
0x2f6: {  	s23 =	sadd.s32 $0x10, s9;
	s25 =	simm.s32 $0x11AC8  }
0x2f7: {  	[hbm4b:s23+s3] =	stream.linear.scatter [tilespmem:s25], [sflag:$0x5], $0x80, $0x38;
	[tilespmem:$0x14900] =	vst v63  }
0x2f8: {  	s11 =	sadd.s32 $0x20, s9;
	s12 =	simm.s32 $0x11B50  }
0x2f9: {  	[hbm4b:s11+s3] =	stream.linear.scatter [tilespmem:s12], [sflag:$0x5], $0x80, $0x38;
	[tilespmem:$0x14900] =	vst v63  }
0x2fa: {  	s20 =	sadd.s32 $0x30, s9;
	s22 =	simm.s32 $0x11BD8  }
0x2fb: {  	[hbm4b:s20+s3] =	stream.linear.scatter [tilespmem:s22], [sflag:$0x5], $0x80, $0x38;
	[tilespmem:$0x14900] =	vst v63  }
0x2fc: {  	s23 =	sadd.s32 $0x40, s9;
	s25 =	simm.s32 $0x11C60  }
0x2fd: {  	[hbm4b:s23+s3] =	stream.linear.scatter [tilespmem:s25], [sflag:$0x5], $0x80, $0x38;
	[tilespmem:$0x14900] =	vst v63  }
0x2fe: {  	s11 =	sadd.s32 $0x50, s9;
	s12 =	simm.s32 $0x11CE8  }
0x2ff: {  	[hbm4b:s11+s3] =	stream.linear.scatter [tilespmem:s12], [sflag:$0x5], $0x80, $0x38;
	[tilespmem:$0x14900] =	vst v63  }
0x300: {  	s20 =	sadd.s32 $0x60, s9;
	s22 =	simm.s32 $0x11D70  }
0x301: {  	[hbm4b:s20+s3] =	stream.linear.scatter [tilespmem:s22], [sflag:$0x5], $0x80, $0x38;
	[tilespmem:$0x14900] =	vst v63  }
0x302: {  	s23 =	sadd.s32 $0x70, s9;
	s25 =	simm.s32 $0x11DF8  }
0x303: {  	[hbm4b:s23+s3] =	stream.linear.scatter [tilespmem:s25], [sflag:$0x5], $0x80, $0x38;
	[tilespmem:$0x14900] =	vst v63  }
0x304: {  	s10 =	simm.s32 $0x11E80;
	s9 =	rddreg [dreg:$0xd]  }
0x305: {  	[hbm4b:s9+s3] =	stream.linear.scatter [tilespmem:s10], [sflag:$0x5], $0x80, $0x38;
	[tilespmem:$0x14900] =	vst v63  }
0x306: {  	s11 =	sadd.s32 $0x10, s9;
	s12 =	simm.s32 $0x11F08  }
0x307: {  	[hbm4b:s11+s3] =	stream.linear.scatter [tilespmem:s12], [sflag:$0x5], $0x80, $0x38;
	[tilespmem:$0x14900] =	vst v63  }
0x308: {  	s20 =	sadd.s32 $0x20, s9;
	s22 =	simm.s32 $0x11F90  }
0x309: {  	[hbm4b:s20+s3] =	stream.linear.scatter [tilespmem:s22], [sflag:$0x5], $0x80, $0x38;
	[tilespmem:$0x14900] =	vst v63  }
0x30a: {  	s23 =	sadd.s32 $0x30, s9;
	s25 =	simm.s32 $0x12018  }
0x30b: {  	[hbm4b:s23+s3] =	stream.linear.scatter [tilespmem:s25], [sflag:$0x5], $0x80, $0x38;
	[tilespmem:$0x14900] =	vst v63  }
0x30c: {  	s11 =	sadd.s32 $0x40, s9;
	s12 =	simm.s32 $0x120A0  }
0x30d: {  	[hbm4b:s11+s3] =	stream.linear.scatter [tilespmem:s12], [sflag:$0x5], $0x80, $0x38;
	[tilespmem:$0x14900] =	vst v63  }
0x30e: {  	s20 =	sadd.s32 $0x50, s9;
	s22 =	simm.s32 $0x12128  }
0x30f: {  	[hbm4b:s20+s3] =	stream.linear.scatter [tilespmem:s22], [sflag:$0x5], $0x80, $0x38;
	[tilespmem:$0x14900] =	vst v63  }
0x310: {  	s23 =	sadd.s32 $0x60, s9;
	s25 =	simm.s32 $0x121B0  }
0x311: {  	[hbm4b:s23+s3] =	stream.linear.scatter [tilespmem:s25], [sflag:$0x5], $0x80, $0x38;
	[tilespmem:$0x14900] =	vst v63  }
0x312: {  	s10 =	sadd.s32 $0x70, s9;
	s11 =	simm.s32 $0x12238  }
0x313: {  	[hbm4b:s10+s3] =	stream.linear.scatter [tilespmem:s11], [sflag:$0x5], $0x80, $0x38;
	[tilespmem:$0x14900] =	vst v63  }
0x314: {  	s9 =	rddreg [dreg:$0xe];
	s12 =	simm.s32 $0x122C0  }
0x315: {  	[hbm4b:s9+s3] =	stream.linear.scatter [tilespmem:s12], [sflag:$0x5], $0x80, $0x38;
	[tilespmem:$0x14900] =	vst v63  }
0x316: {  	s20 =	sadd.s32 $0x10, s9;
	s22 =	simm.s32 $0x12348  }
0x317: {  	[hbm4b:s20+s3] =	stream.linear.scatter [tilespmem:s22], [sflag:$0x5], $0x80, $0x38;
	[tilespmem:$0x14900] =	vst v63  }
0x318: {  	s23 =	sadd.s32 $0x20, s9;
	s25 =	simm.s32 $0x123D0  }
0x319: {  	[hbm4b:s23+s3] =	stream.linear.scatter [tilespmem:s25], [sflag:$0x5], $0x80, $0x38;
	[tilespmem:$0x14900] =	vst v63  }
0x31a: {  	s11 =	sadd.s32 $0x30, s9;
	s12 =	simm.s32 $0x12458  }
0x31b: {  	[hbm4b:s11+s3] =	stream.linear.scatter [tilespmem:s12], [sflag:$0x5], $0x80, $0x38;
	[tilespmem:$0x14900] =	vst v63  }
0x31c: {  	s20 =	sadd.s32 $0x40, s9;
	s22 =	simm.s32 $0x124E0  }
0x31d: {  	[hbm4b:s20+s3] =	stream.linear.scatter [tilespmem:s22], [sflag:$0x5], $0x80, $0x38;
	[tilespmem:$0x14900] =	vst v63  }
0x31e: {  	s23 =	sadd.s32 $0x50, s9;
	s25 =	simm.s32 $0x12568  }
0x31f: {  	[hbm4b:s23+s3] =	stream.linear.scatter [tilespmem:s25], [sflag:$0x5], $0x80, $0x38;
	[tilespmem:$0x14900] =	vst v63  }
0x320: {  	s11 =	sadd.s32 $0x60, s9;
	s12 =	simm.s32 $0x125F0  }
0x321: {  	[hbm4b:s11+s3] =	stream.linear.scatter [tilespmem:s12], [sflag:$0x5], $0x80, $0x38;
	[tilespmem:$0x14900] =	vst v63  }
0x322: {  	s20 =	sadd.s32 $0x70, s9;
	s22 =	simm.s32 $0x12678  }
0x323: {  	[hbm4b:s20+s3] =	stream.linear.scatter [tilespmem:s22], [sflag:$0x5], $0x80, $0x38;
	[tilespmem:$0x14900] =	vst v63  }
0x324: {  	_ =	swait.ge [sflag:s2], $0x400  }
0x325: {  	[sflag:s2] =	ssyncset.done $0x0  }
0x326: {  	[sflag:s2] =	ssyncadd.s32 $0xFFFFFC00  }
0x327: {  	_ =	swait.ge [sflag:s2], $0x400  }
0x328: {  	[sflag:s2] =	ssyncset.done $0x0  }
0x329: {  	[sflag:s2] =	ssyncadd.s32 $0xFFFFFC00  }
0x32a: {  	_ =	swait.ge [sflag:s2], $0x400  }
0x32b: {  	[sflag:s2] =	ssyncset.done $0x0  }
0x32c: {  	[sflag:s2] =	ssyncadd.s32 $0xFFFFFC00  }
0x32d: {  	_ =	swait.ge [sflag:s2], $0x400  }
0x32e: {  	[sflag:s2] =	ssyncset.done $0x0  }
0x32f: {  	[sflag:s2] =	ssyncadd.s32 $0xFFFFFC00  }
0x330: {  	_ =	swait.ge [sflag:s2], $0x400  }
0x331: {  	[sflag:s2] =	ssyncset.done $0x0  }
0x332: {  	[sflag:s2] =	ssyncadd.s32 $0xFFFFFC00  }
0x333: {  	_ =	swait.ge [sflag:s2], $0x400  }
0x334: {  	[sflag:s2] =	ssyncset.done $0x0  }
0x335: {  	[sflag:s2] =	ssyncadd.s32 $0xFFFFFC00  }
0x336: {  	_ =	swait.ge [sflag:s2], $0x400  }
0x337: {  	[sflag:s2] =	ssyncset.done $0x0  }
0x338: {  	[sflag:s2] =	ssyncadd.s32 $0xFFFFFC00  }
0x339: {  	_ =	swait.ge [sflag:s2], $0x400  }
0x33a: {  	s23 =	rddreg [dreg:$0x10]  }
0x33b: {  	s25 =	rddreg [dreg:$0xf];
	s9 =	sadd.s32 $0x1, s23  }
0x33c: {  	p0 =	sne.s32 s9, s25  }
.Ltmp4:
0x33d: {  	_ = 	snop;
	(pc) =	sbr.rel @p0 .LBB2_1-.Ltmp4, $3  }
0x33e: {  	_ =	sdelay $0x1  }
0x33f: {  	[sflag:s2] =	ssyncset.done $0x0  }
0x340: {  	[sflag:s2] =	ssyncadd.s32 $0xFFFFFC00  }
0x341: {  	_ =	sfence.sel $0x180000  }
0x342: {  	[bflag:$0x0] =	sbarrier.arrive $0xFFFF  }
0x343: {  	_ =	strace $0x90000047  }
0x344: {  	s0 =	stileid.u32;
	[bflag:$0x2] =	sbarrier.arrive $0xFFFF  }
0x345: {  	p0 =	sne.s32 s0, $0x0;
	s0 =	rddreg [dreg:$0x2]  }
0x346: {  	s0 =	sadd.s32 @!p0 $0x100000, s0  }
0x347: {  	[sflag:s0] =	ssyncadd.tile.s32 @!p0 $0x1;
	_ =	shalt  }
.Lfunc_end2:
_tile_overlayer_lowered:
.L_overlay_start_2:
0x348: {  	(tag) =	ssettag $0x2  }
0x349: {  	s0 =	rddreg [dreg:$0x0];
	s2 =	stileid.u32  }
0x34a: {  	s1 =	rddreg [dreg:$0x1];
	p0 =	sne.s32 s2, $0x0  }
0x34b: {  	s3 =	rddreg [dreg:$0x2];
	[bflag:$0x3] =	sbarrier.arrive $0xFFFF;
	s2 =	simm.s32 @!p0 $0x1C07  }
0x34c: {  	[timem:s3], [sflag:s2] =	dma.local @!p0 [hbm:s0], s1  }
0x34d: {  	s0 =	simm.s32 @!p0 $0x7  }
0x34e: {  	_ =	swait.ge @!p0 [sflag:s0], s1  }
0x34f: {  	s1 =	ssub.s32 @!p0 $0x0, s1;
	[sflag:s0] =	ssyncset.done @!p0 $0x0  }
0x350: {  	[sflag:s0] =	ssyncadd.s32 @!p0 s1  }
0x351: {  	[bflag:$0x3] =	sbarrier.arrive $0xFFFF  }
0x352: {  	_ =	shalt  }

</sc_bundles>
